<compile_context>
chip_gen: v7x
topology: tpu7x:2x2x1
jax: 0.10.2.dev20260603
libtpu: 0.0.44.dev20260713+nightly
codegen_flags: <defaults>
</compile_context>

<pallas_src>
import functools
import numpy as np
import jax
import jax.numpy as jnp
from jax import lax
from jax.experimental import pallas as pl
from jax.experimental.pallas import tpu as pltpu
from jax.experimental.pallas import tpu_sc as plsc

N = 50000
F = 64
HF = 32
G = 64
EPS = 1e-5
EB = 128
NBLK = 6400
EPAD = NBLK * EB
SLAB = 40
DSLAB = 40
ACC_ROWS = 50048
ZROWS = ACC_ROWS // 16
OROWS = 3128
OLAST = N - 15 * OROWS
DEGW = 16
BT = 2000
GRID = N // BT



NB = 5
D = 2


def _sc_agg_body(ytab, srcidx, dstidx, zeros_blk, out, acc, sslab, dslab,
                 rows, sems_g, sems_s):
    c = lax.axis_index("c")
    s = lax.axis_index("s")
    pltpu.sync_copy(zeros_blk, acc.at[pl.ds(s * ZROWS, ZROWS)])
    plsc.subcore_barrier()

    blocks_per_tile = NBLK // 16
    nslab = blocks_per_tile // SLAB

    def slab_body(k, _):
        row0 = s * blocks_per_tile + k * SLAB
        pltpu.sync_copy(srcidx.at[pl.ds(c * NBLK + row0, SLAB)], sslab)
        pltpu.sync_copy(dstidx.at[pl.ds(row0, SLAB)], dslab)

        for b in range(D):
            pltpu.async_copy(ytab.at[sslab.at[b]], rows[b], sems_g[b])

        def inner(o, _):
            for t in range(NB):
                i = o * NB + t
                bg = (t + D) % NB

                @pl.when(i + D >= NB)
                def _():
                    pltpu.make_async_copy(
                        rows[bg], acc.at[pl.ds(0, EB)], sems_s[bg]).wait()

                @pl.when(i + D < SLAB)
                def _():
                    pltpu.async_copy(
                        ytab.at[sslab.at[i + D]], rows[bg], sems_g[bg])

                pltpu.make_async_copy(
                    ytab.at[pl.ds(0, EB)], rows[t], sems_g[t]).wait()
                pltpu.async_copy(
                    rows[t], acc.at[dslab.at[i]], sems_s[t], add=True)
            return 0

        lax.fori_loop(0, SLAB // NB, inner, 0)
        for t in range(D, NB):
            pltpu.make_async_copy(
                rows[t], acc.at[pl.ds(0, EB)], sems_s[t]).wait()
        return 0

    lax.fori_loop(0, nslab, slab_body, 0)
    plsc.subcore_barrier()
    _writeout(acc, out, c, s)


def _writeout(acc, out, c, s):
    @pl.when(s < 15)
    def _():
        pltpu.sync_copy(
            acc.at[pl.ds(s * OROWS, OROWS)],
            out.at[pl.ds(c * N + s * OROWS, OROWS)],
        )

    @pl.when(s == 15)
    def _():
        pltpu.sync_copy(
            acc.at[pl.ds(15 * OROWS, OLAST)],
            out.at[pl.ds(c * N + 15 * OROWS, OLAST)],
        )


def _sc_deg_body(dstidx, ones_hbm, zeros_blk, out, acc, dslab, ones_v, sem):
    c = lax.axis_index("c")
    s = lax.axis_index("s")
    pltpu.sync_copy(zeros_blk, acc.at[pl.ds(s * ZROWS, ZROWS)])
    pltpu.sync_copy(ones_hbm, ones_v)
    plsc.subcore_barrier()

    w = c * 16 + s
    blocks_per_tile = NBLK // 32
    nslab = blocks_per_tile // DSLAB

    def slab_body(k, _):
        row0 = w * blocks_per_tile + k * DSLAB
        pltpu.sync_copy(dstidx.at[pl.ds(row0, DSLAB)], dslab)

        def fire(j, _):
            pltpu.async_copy(ones_v, acc.at[dslab.at[j]], sem, add=True)
            return 0

        lax.fori_loop(0, DSLAB, fire, 0)

        def drain(j, _):
            pltpu.make_async_copy(ones_v, acc.at[pl.ds(0, EB)], sem).wait()
            return 0

        lax.fori_loop(0, DSLAB, drain, 0)
        return 0

    lax.fori_loop(0, nslab, slab_body, 0)
    plsc.subcore_barrier()
    _writeout(acc, out, c, s)


@functools.cache
def _sc_kernels():
    mesh = plsc.VectorSubcoreMesh(core_axis_name="c", subcore_axis_name="s")
    agg = functools.partial(
        pl.kernel,
        out_type=jax.ShapeDtypeStruct((2 * N, HF), jnp.float32),
        mesh=mesh,
        scratch_types=[
            pltpu.VMEM_SHARED((ACC_ROWS, HF), jnp.float32),
            pltpu.VMEM((SLAB, EB), jnp.int32),
            pltpu.VMEM((SLAB, EB), jnp.int32),
            [pltpu.VMEM((EB, HF), jnp.float32) for _ in range(NB)],
            [pltpu.SemaphoreType.DMA for _ in range(NB)],
            [pltpu.SemaphoreType.DMA for _ in range(NB)],
        ],
        compiler_params=pltpu.CompilerParams(use_tc_tiling_on_sc=False),
    )(_sc_agg_body)
    deg = functools.partial(
        pl.kernel,
        out_type=jax.ShapeDtypeStruct((2 * N, DEGW), jnp.float32),
        mesh=mesh,
        scratch_types=[
            pltpu.VMEM_SHARED((ACC_ROWS, DEGW), jnp.float32),
            pltpu.VMEM((DSLAB, EB), jnp.int32),
            pltpu.VMEM((EB, DEGW), jnp.float32),
            pltpu.SemaphoreType.DMA,
        ],
        compiler_params=pltpu.CompilerParams(use_tc_tiling_on_sc=False),
    )(_sc_deg_body)
    return deg, agg


def _sc_deg(dstidx, ones_hbm, zeros_blk):
    return _sc_kernels()[0](dstidx, ones_hbm, zeros_blk)


def _sc_agg(ytab, srcidx, dstidx, zeros_blk):
    return _sc_kernels()[1](ytab, srcidx, dstidx, zeros_blk)



def _b16(v):
    return v.astype(jnp.bfloat16)


def _t1_body(x_ref, dp_ref, w_ref, y_ref, dinv_ref):
    deg = dp_ref[0, :, 0:1] + dp_ref[1, :, 0:1] + 1.0
    dinv = lax.rsqrt(deg)
    xb = _b16(x_ref[...])
    w = _b16(w_ref[...])
    xw = (xb[:, 0:1] * w[0:1, :] + xb[:, 1:2] * w[1:2, :]
          + xb[:, 2:3] * w[2:3, :])
    yv = xw * dinv
    y_ref[0] = yv[:, :HF]
    y_ref[1] = yv[:, HF:]
    dinv_ref[...] = dinv


def _tc_first(x, degp, w1):
    return pl.pallas_call(
        _t1_body,
        grid=(GRID,),
        in_specs=[
            pl.BlockSpec((BT, 3), lambda i: (i, 0)),
            pl.BlockSpec((2, BT, DEGW), lambda i: (0, i, 0)),
            pl.BlockSpec((3, F), lambda i: (0, 0)),
        ],
        out_specs=[
            pl.BlockSpec((2, BT, HF), lambda i: (0, i, 0)),
            pl.BlockSpec((BT, 1), lambda i: (i, 0)),
        ],
        out_shape=[
            jax.ShapeDtypeStruct((2, N, HF), jnp.float32),
            jax.ShapeDtypeStruct((N, 1), jnp.float32),
        ],
    )(x, degp, w1)


def _combine(acc_ref, y_ref, dinv_ref, b_ref, g_ref, be_ref):
    agg = jnp.concatenate(
        [acc_ref[0] + y_ref[0], acc_ref[1] + y_ref[1]], axis=1)
    pre = agg * dinv_ref[...] + b_ref[...]
    scale = g_ref[...] * lax.rsqrt(jnp.float32(1.0 + EPS))
    return jnp.maximum(pre * scale + be_ref[...], 0.0)


def _t2_body(acc_ref, y_ref, dinv_ref, b_ref, g_ref, be_ref, w_ref, yout_ref):
    h = _combine(acc_ref, y_ref, dinv_ref, b_ref, g_ref, be_ref)
    ynew = jnp.dot(_b16(h), _b16(w_ref[...]),
                   preferred_element_type=jnp.float32)
    ynew = ynew * dinv_ref[...]
    yout_ref[0] = ynew[:, :HF]
    yout_ref[1] = ynew[:, HF:]


def _tc_mid(acc, y, dinv, b, g, be, wnext):
    return pl.pallas_call(
        _t2_body,
        grid=(GRID,),
        in_specs=[
            pl.BlockSpec((2, BT, HF), lambda i: (0, i, 0)),
            pl.BlockSpec((2, BT, HF), lambda i: (0, i, 0)),
            pl.BlockSpec((BT, 1), lambda i: (i, 0)),
            pl.BlockSpec((1, F), lambda i: (0, 0)),
            pl.BlockSpec((1, F), lambda i: (0, 0)),
            pl.BlockSpec((1, F), lambda i: (0, 0)),
            pl.BlockSpec((F, F), lambda i: (0, 0)),
        ],
        out_specs=pl.BlockSpec((2, BT, HF), lambda i: (0, i, 0)),
        out_shape=jax.ShapeDtypeStruct((2, N, HF), jnp.float32),
    )(acc, y, dinv, b, g, be, wnext)


def _t4_body(acc_ref, y_ref, dinv_ref, b_ref, g_ref, be_ref, batch_ref,
             wm1_ref, bm1_ref, wm2_ref, bm2_ref, wm3_ref, bm3_ref,
             out_ref, sum_s, cnt_s, max_s):
    @pl.when(pl.program_id(0) == 0)
    def _():
        sum_s[...] = jnp.zeros_like(sum_s)
        cnt_s[...] = jnp.zeros_like(cnt_s)
        max_s[...] = jnp.full_like(max_s, -jnp.inf)

    h = _combine(acc_ref, y_ref, dinv_ref, b_ref, g_ref, be_ref)
    batch = batch_ref[...]
    oh = (batch == lax.broadcasted_iota(jnp.int32, (BT, G), 1))
    oh = oh.astype(jnp.float32)
    dn = (((0,), (0,)), ((), ()))
    sum_s[...] += lax.dot_general(oh, h, dn,
                                  preferred_element_type=jnp.float32,
                                  precision=lax.Precision.HIGHEST)
    cnt_s[...] += lax.dot_general(oh, jnp.ones((BT, 1), jnp.float32), dn,
                                  preferred_element_type=jnp.float32,
                                  precision=lax.Precision.HIGHEST)

    glo = jnp.min(batch)
    ghi = jnp.max(batch)
    rowid = lax.broadcasted_iota(jnp.int32, (G, F), 0)

    def mbody(g, _):
        m = jnp.max(jnp.where(batch == g, h, -jnp.inf), axis=0, keepdims=True)
        upd = jnp.where(rowid == g, jnp.broadcast_to(m, (G, F)), -jnp.inf)
        max_s[...] = jnp.maximum(max_s[...], upd)
        return 0

    lax.fori_loop(glo, ghi + 1, mbody, 0)

    @pl.when(pl.program_id(0) == GRID - 1)
    def _():
        mean = sum_s[...] / jnp.maximum(cnt_s[...], 1.0)
        xg = jnp.concatenate([mean, max_s[...]], axis=1)
        z = jnp.maximum(jnp.dot(_b16(xg), _b16(wm1_ref[...]),
                                preferred_element_type=jnp.float32)
                        + bm1_ref[...], 0.0)
        z = jnp.maximum(jnp.dot(_b16(z), _b16(wm2_ref[...]),
                                preferred_element_type=jnp.float32)
                        + bm2_ref[...], 0.0)
        out_ref[...] = jnp.dot(_b16(z), _b16(wm3_ref[...]),
                               preferred_element_type=jnp.float32) + bm3_ref[...]


def _tc_final(acc, y, dinv, b, g, be, batch2d, wm1, bm1, wm2, bm2, wm3, bm3):
    full = lambda r, c: pl.BlockSpec((r, c), lambda i: (0, 0))
    return pl.pallas_call(
        _t4_body,
        grid=(GRID,),
        in_specs=[
            pl.BlockSpec((2, BT, HF), lambda i: (0, i, 0)),
            pl.BlockSpec((2, BT, HF), lambda i: (0, i, 0)),
            pl.BlockSpec((BT, 1), lambda i: (i, 0)),
            full(1, F), full(1, F), full(1, F),
            pl.BlockSpec((BT, 1), lambda i: (i, 0)),
            full(2 * F, 32), full(1, 32),
            full(32, 16), full(1, 16),
            full(16, 1), full(1, 1),
        ],
        out_specs=pl.BlockSpec((G, 1), lambda i: (0, 0)),
        out_shape=jax.ShapeDtypeStruct((G, 1), jnp.float32),
        scratch_shapes=[
            pltpu.VMEM((G, F), jnp.float32),
            pltpu.VMEM((G, 1), jnp.float32),
            pltpu.VMEM((G, F), jnp.float32),
        ],
    )(acc, y, dinv, b, g, be, batch2d, wm1, bm1, wm2, bm2, wm3, bm3)



def kernel(x, edge_index, batch_idx, W1, b1, g1, be1, W2, b2, g2, be2,
           W3, b3, g3, be3, Wm1, bm1, Wm2, bm2, Wm3, bm3):
    ei = edge_index.astype(jnp.int32)
    npad = EPAD - ei.shape[1]
    src = jnp.concatenate([ei[0], jnp.zeros((npad,), jnp.int32)])
    dst = jnp.concatenate([ei[1], jnp.full((npad,), N, jnp.int32)])
    srcidx = jnp.concatenate([src, src + N]).reshape(2 * NBLK, EB)
    dstidx = dst.reshape(NBLK, EB)

    ones_hbm = jnp.ones((EB, DEGW), jnp.float32)
    zeros16 = jnp.zeros((ZROWS, DEGW), jnp.float32)
    zeros32 = jnp.zeros((ZROWS, HF), jnp.float32)

    degp = _sc_deg(dstidx, ones_hbm, zeros16)
    degp = degp.reshape(2, N, DEGW)

    y1v, dinv = _tc_first(x, degp, W1)

    b1r, g1r, be1r = b1.reshape(1, F), g1.reshape(1, F), be1.reshape(1, F)
    b2r, g2r, be2r = b2.reshape(1, F), g2.reshape(1, F), be2.reshape(1, F)
    b3r, g3r, be3r = b3.reshape(1, F), g3.reshape(1, F), be3.reshape(1, F)

    acc1 = _sc_agg(y1v.reshape(2 * N, HF), srcidx, dstidx,
                   zeros32).reshape(2, N, HF)
    y2v = _tc_mid(acc1, y1v, dinv, b1r, g1r, be1r, W2)
    acc2 = _sc_agg(y2v.reshape(2 * N, HF), srcidx, dstidx,
                   zeros32).reshape(2, N, HF)
    y3v = _tc_mid(acc2, y2v, dinv, b2r, g2r, be2r, W3)
    acc3 = _sc_agg(y3v.reshape(2 * N, HF), srcidx, dstidx,
                   zeros32).reshape(2, N, HF)

    batch2d = batch_idx.astype(jnp.int32).reshape(N, 1)
    return _tc_final(acc3, y3v, dinv, b3r, g3r, be3r, batch2d,
                     Wm1, bm1.reshape(1, 32), Wm2, bm2.reshape(1, 16),
                     Wm3, bm3.reshape(1, 1))

# --- scband reference (transcript-rebuilt; emitter-appended) ---
"""Pipeline reference for scband-fc-domain-gcn-62654982914338 (READ-ONLY COPY).

The authoritative reference and input builder live on the scoring server;
editing this copy changes nothing except your own understanding.
"""

import jax, jax.numpy as jnp
import numpy as np

N = 50000
E = 800000
G = 64
EPS = 1e-5


def _gcn(x, src, dst, W, b):
    n = x.shape[0]
    loop = jnp.arange(n)
    s = jnp.concatenate([src, loop])
    d = jnp.concatenate([dst, loop])
    deg = jnp.zeros((n,), x.dtype).at[d].add(1.0)
    dinv = jnp.where(deg > 0, jax.lax.rsqrt(deg), 0.0)
    norm = dinv[s] * dinv[d]
    xw = x @ W
    msg = jnp.take(xw, s, axis=0) * norm[:, None]
    return jnp.zeros((n, W.shape[1]), x.dtype).at[d].add(msg) + b


def _bn(x, gamma, beta):
    # eval-mode BatchNorm1d with running_mean=0, running_var=1
    scale = gamma * jax.lax.rsqrt(jnp.asarray(1.0 + EPS, x.dtype))
    return x * scale + beta


def setup_inputs(seed: int = 0):
    key = jax.random.key(seed)
    ks = jax.random.split(key, 16)
    inp = {}
    inp["x"] = jax.random.normal(ks[0], (N, 3), dtype=jnp.float32)
    inp["edge_index"] = jax.random.randint(ks[1], (2, E), 0, N)
    inp["batch_idx"] = jnp.sort(jax.random.randint(ks[2], (N,), 0, G))
    dims = [(3, 64), (64, 64), (64, 64)]
    for i, (di, do) in enumerate(dims, 1):
        inp[f"W{i}"] = jax.random.normal(ks[2 + i], (di, do), dtype=jnp.float32) / np.sqrt(di)
        inp[f"b{i}"] = jnp.zeros((do,), jnp.float32)
        inp[f"g{i}"] = jnp.ones((do,), jnp.float32)
        inp[f"be{i}"] = jnp.zeros((do,), jnp.float32)
    mdims = [(128, 32), (32, 16), (16, 1)]
    for i, (di, do) in enumerate(mdims, 1):
        inp[f"Wm{i}"] = jax.random.normal(ks[8 + i], (di, do), dtype=jnp.float32) / np.sqrt(di)
        inp[f"bm{i}"] = jnp.zeros((do,), jnp.float32)
    return inp


def reference(x, edge_index, batch_idx, W1, b1, g1, be1, W2, b2, g2, be2, W3, b3, g3, be3, Wm1, bm1, Wm2, bm2, Wm3, bm3):
    src = edge_index[0]
    dst = edge_index[1]
    h = x
    for W, b, g, be in ((W1, b1, g1, be1), (W2, b2, g2, be2), (W3, b3, g3, be3)):
        h = _gcn(h, src, dst, W, b)
        h = _bn(h, g, be)
        h = jax.nn.relu(h)
        # dropout p=0.3 is identity in eval mode
    seg_sum = jax.ops.segment_sum(h, batch_idx, num_segments=G)
    cnt = jax.ops.segment_sum(jnp.ones((h.shape[0], 1), h.dtype), batch_idx, num_segments=G)
    mean = seg_sum / jnp.maximum(cnt, 1.0)
    mx = jax.ops.segment_max(h, batch_idx, num_segments=G)
    xg = jnp.concatenate([mean, mx], axis=1)
    z = jax.nn.relu(xg @ Wm1 + bm1)
    z = jax.nn.relu(z @ Wm2 + bm2)
    return z @ Wm3 + bm3

if __name__ == "__main__":
    import jax
    _d = setup_inputs()
    print(jax.jit(kernel)(*tuple(_d.values())))

</pallas_src>

<mosaic_0001>
#map = affine_map<(d0, d1) -> (0, 0)>
module attributes {stable_mosaic.version = 14 : i64} {
  func.func @_sc_deg_body(%arg0: i32, %arg1: i32, %arg2: memref<6400x128xi32, #tpu.memory_space<hbm>>, %arg3: memref<128x16xf32, #tpu.memory_space<hbm>>, %arg4: memref<3128x16xf32, #tpu.memory_space<hbm>>, %arg5: memref<100000x16xf32, #tpu.memory_space<hbm>>, %arg6: memref<50048x16xf32, #tpu.memory_space<vmem_shared>>, %arg7: memref<40x128xi32, #tpu.memory_space<vmem>>, %arg8: memref<128x16xf32, #tpu.memory_space<vmem>>, %arg9: memref<!tpu.dma_semaphore, #tpu.memory_space<semaphore_mem>>) attributes {dimension_semantics = [#tpu.dimension_semantics<core_parallel>, #tpu.dimension_semantics<subcore_parallel>], iteration_bounds = array<i64: 2, 16>, scalar_prefetch = 0 : i64, scratch_operands = 4 : i64, tpu.core_type = #tpu.core_type<sc_vector_subcore>, window_params = [{transform_indices = #map}, {transform_indices = #map}, {transform_indices = #map}, {transform_indices = #map}]} {
    %mul3A = arith.constant 3128 : i32
    %mul3A_0 = arith.muli %arg1, %mul3A : i32
    "tpu.region"() ({
      %run_scoped3A = tpu.sem_alloc : memref<!tpu.dma_semaphore, #tpu.memory_space<semaphore_mem>>
      %dma_start3A = arith.constant 0 : i32
      %dma_start3A_16 = tpu.memref_slice %arg6[%mul3A_0, %dma_start3A] : memref<50048x16xf32, #tpu.memory_space<vmem_shared>> -> memref<3128x16xf32, #tpu.memory_space<vmem_shared>>
      tpu.enqueue_dma source(%arg4 : memref<3128x16xf32, #tpu.memory_space<hbm>>) target(%dma_start3A_16 : memref<3128x16xf32, #tpu.memory_space<vmem_shared>>) target_semaphore(%run_scoped3A : memref<!tpu.dma_semaphore, #tpu.memory_space<semaphore_mem>>)
      %dma_wait3A = arith.constant 0 : i32
      %dma_wait3A_17 = tpu.memref_slice %arg6[%mul3A_0, %dma_wait3A] : memref<50048x16xf32, #tpu.memory_space<vmem_shared>> -> memref<3128x16xf32, #tpu.memory_space<vmem_shared>>
      tpu.wait_dma2 semaphore(%run_scoped3A : memref<!tpu.dma_semaphore, #tpu.memory_space<semaphore_mem>>) src(%arg4 : memref<3128x16xf32, #tpu.memory_space<hbm>>) dst(%dma_wait3A_17 : memref<3128x16xf32, #tpu.memory_space<vmem_shared>>)
      tpu.yield
    }) : () -> ()
    "tpu.region"() ({
      %run_scoped3A = tpu.sem_alloc : memref<!tpu.dma_semaphore, #tpu.memory_space<semaphore_mem>>
      tpu.enqueue_dma source(%arg3 : memref<128x16xf32, #tpu.memory_space<hbm>>) target(%arg8 : memref<128x16xf32, #tpu.memory_space<vmem>>) target_semaphore(%run_scoped3A : memref<!tpu.dma_semaphore, #tpu.memory_space<semaphore_mem>>)
      tpu.wait_dma2 semaphore(%run_scoped3A : memref<!tpu.dma_semaphore, #tpu.memory_space<semaphore_mem>>) src(%arg3 : memref<128x16xf32, #tpu.memory_space<hbm>>) dst(%arg8 : memref<128x16xf32, #tpu.memory_space<vmem>>)
      tpu.yield
    }) : () -> ()
    %barrier3A = arith.constant 0 : index
    tpu.barrier barrier_id(%barrier3A)
    %mul3A_1 = arith.constant 16 : i32
    %mul3A_2 = arith.muli %arg0, %mul3A_1 : i32
    %add3A = arith.addi %mul3A_2, %arg1 : i32
    %scan3A = arith.constant 0 : i32
    %scan3A_3 = arith.constant 0 : i32
    %scan3A_4 = arith.constant 5 : i32
    %scan3A_5 = arith.addi %scan3A_3, %scan3A_4 : i32
    %scan3A_6 = arith.constant 1 : i32
    %scan3A_7 = scf.for %scan3A_16 = %scan3A_3 to %scan3A_5 step %scan3A_6 iter_args(%scan3A_17 = %scan3A) -> (i32)  : i32 {
      %mul3A_18 = arith.constant 200 : i32
      %mul3A_19 = arith.muli %add3A, %mul3A_18 : i32
      %mul3A_20 = arith.constant 40 : i32
      %mul3A_21 = arith.muli %scan3A_16, %mul3A_20 : i32
      %add3A_22 = arith.addi %mul3A_19, %mul3A_21 : i32
      "tpu.region"() ({
        %run_scoped3A = tpu.sem_alloc : memref<!tpu.dma_semaphore, #tpu.memory_space<semaphore_mem>>
        %dma_start3A = arith.constant 0 : i32
        %dma_start3A_38 = tpu.memref_slice %arg2[%add3A_22, %dma_start3A] : memref<6400x128xi32, #tpu.memory_space<hbm>> -> memref<40x128xi32, #tpu.memory_space<hbm>>
        %dma_start3A_39 = arith.constant 0 : i32
        %dma_start3A_40 = tpu.memref_slice %arg2[%add3A_22, %dma_start3A_39] : memref<6400x128xi32, #tpu.memory_space<hbm>> -> memref<40x128xi32, #tpu.memory_space<hbm>>
        tpu.enqueue_dma source(%dma_start3A_40 : memref<40x128xi32, #tpu.memory_space<hbm>>) target(%arg7 : memref<40x128xi32, #tpu.memory_space<vmem>>) target_semaphore(%run_scoped3A : memref<!tpu.dma_semaphore, #tpu.memory_space<semaphore_mem>>)
        %dma_wait3A = arith.constant 0 : i32
        %dma_wait3A_41 = tpu.memref_slice %arg2[%add3A_22, %dma_wait3A] : memref<6400x128xi32, #tpu.memory_space<hbm>> -> memref<40x128xi32, #tpu.memory_space<hbm>>
        %dma_wait3A_42 = arith.constant 0 : i32
        %dma_wait3A_43 = tpu.memref_slice %arg2[%add3A_22, %dma_wait3A_42] : memref<6400x128xi32, #tpu.memory_space<hbm>> -> memref<40x128xi32, #tpu.memory_space<hbm>>
        tpu.wait_dma2 semaphore(%run_scoped3A : memref<!tpu.dma_semaphore, #tpu.memory_space<semaphore_mem>>) src(%dma_wait3A_43 : memref<40x128xi32, #tpu.memory_space<hbm>>) dst(%arg7 : memref<40x128xi32, #tpu.memory_space<vmem>>)
        tpu.yield
      }) : () -> ()
      %scan3A_23 = arith.constant 0 : i32
      %scan3A_24 = arith.constant 0 : i32
      %scan3A_25 = arith.constant 40 : i32
      %scan3A_26 = arith.addi %scan3A_24, %scan3A_25 : i32
      %scan3A_27 = arith.constant 1 : i32
      %scan3A_28 = scf.for %scan3A_38 = %scan3A_24 to %scan3A_26 step %scan3A_27 iter_args(%scan3A_39 = %scan3A_23) -> (i32)  : i32 {
        %dma_start3A = arith.constant 0 : i32
        %dma_start3A_40 = tpu.memref_slice %arg7[%scan3A_38, %dma_start3A] : memref<40x128xi32, #tpu.memory_space<vmem>> -> memref<1x128xi32, #tpu.memory_space<vmem>>
        %dma_start3A_41 = tpu.memref_squeeze %dma_start3A_40 : memref<1x128xi32, #tpu.memory_space<vmem>> -> memref<128xi32, #tpu.memory_space<vmem>>
        %dma_start3A_42 = arith.constant 0 : i32
        %dma_start3A_43 = arith.constant 0 : i32
        %dma_start3A_44 = tpu.memref_slice %arg6[%dma_start3A_42, %dma_start3A_43] : memref<50048x16xf32, #tpu.memory_space<vmem_shared>> -> memref<50048x16xf32, #tpu.memory_space<vmem_shared>>
        tpu.enqueue_indirect_dma source(%arg8 : memref<128x16xf32, #tpu.memory_space<vmem>>) target(%dma_start3A_44 : memref<50048x16xf32, #tpu.memory_space<vmem_shared>>) offsets(%dma_start3A_41 : memref<128xi32, #tpu.memory_space<vmem>>) semaphore(%arg9 : memref<!tpu.dma_semaphore, #tpu.memory_space<semaphore_mem>>) {add = true}
        %scan3A_45 = arith.constant 0 : i32
        scf.yield %scan3A_45 : i32
      }
      %scan3A_29 = arith.constant 40 : i32
      %scan3A_30 = arith.constant 0 : i32
      %scan3A_31 = arith.constant 0 : i32
      %scan3A_32 = arith.constant 40 : i32
      %scan3A_33 = arith.addi %scan3A_31, %scan3A_32 : i32
      %scan3A_34 = arith.constant 1 : i32
      %scan3A_35 = scf.for %scan3A_38 = %scan3A_31 to %scan3A_33 step %scan3A_34 iter_args(%scan3A_39 = %scan3A_30) -> (i32)  : i32 {
        %dma_wait3A = arith.constant 0 : i32
        %dma_wait3A_40 = arith.constant 0 : i32
        %dma_wait3A_41 = tpu.memref_slice %arg6[%dma_wait3A, %dma_wait3A_40] : memref<50048x16xf32, #tpu.memory_space<vmem_shared>> -> memref<128x16xf32, #tpu.memory_space<vmem_shared>>
        %dma_wait3A_42 = arith.constant 0 : i32
        %dma_wait3A_43 = arith.constant 0 : i32
        %dma_wait3A_44 = tpu.memref_slice %arg6[%dma_wait3A_42, %dma_wait3A_43] : memref<50048x16xf32, #tpu.memory_space<vmem_shared>> -> memref<128x16xf32, #tpu.memory_space<vmem_shared>>
        tpu.wait_dma2 semaphore(%arg9 : memref<!tpu.dma_semaphore, #tpu.memory_space<semaphore_mem>>) src(%arg8 : memref<128x16xf32, #tpu.memory_space<vmem>>) dst(%dma_wait3A_44 : memref<128x16xf32, #tpu.memory_space<vmem_shared>>)
        %scan3A_45 = arith.constant 0 : i32
        scf.yield %scan3A_45 : i32
      }
      %scan3A_36 = arith.constant 40 : i32
      %scan3A_37 = arith.constant 0 : i32
      scf.yield %scan3A_37 : i32
    }
    %scan3A_8 = arith.constant 5 : i32
    %barrier3A_9 = arith.constant 0 : index
    tpu.barrier barrier_id(%barrier3A_9)
    %lt3A = arith.constant 15 : i32
    %lt3A_10 = arith.cmpi slt, %arg1, %lt3A : i32
    %convert_element_type3A = arith.extui %lt3A_10 : i1 to i32
    %cond3A = arith.constant 0 : i32
    %cond3A_11 = arith.cmpi ne, %convert_element_type3A, %cond3A : i32
    scf.if %cond3A_11 {
      %mul3A_16 = arith.constant 3128 : i32
      %mul3A_17 = arith.muli %arg1, %mul3A_16 : i32
      %mul3A_18 = arith.constant 50000 : i32
      %mul3A_19 = arith.muli %arg0, %mul3A_18 : i32
      %mul3A_20 = arith.constant 3128 : i32
      %mul3A_21 = arith.muli %arg1, %mul3A_20 : i32
      %add3A_22 = arith.addi %mul3A_19, %mul3A_21 : i32
      "tpu.region"() ({
        %run_scoped3A = tpu.sem_alloc : memref<!tpu.dma_semaphore, #tpu.memory_space<semaphore_mem>>
        %dma_start3A = arith.constant 0 : i32
        %dma_start3A_23 = tpu.memref_slice %arg5[%add3A_22, %dma_start3A] : memref<100000x16xf32, #tpu.memory_space<hbm>> -> memref<3128x16xf32, #tpu.memory_space<hbm>>
        %dma_start3A_24 = arith.constant 0 : i32
        %dma_start3A_25 = tpu.memref_slice %arg6[%mul3A_17, %dma_start3A_24] : memref<50048x16xf32, #tpu.memory_space<vmem_shared>> -> memref<3128x16xf32, #tpu.memory_space<vmem_shared>>
        tpu.enqueue_dma source(%dma_start3A_25 : memref<3128x16xf32, #tpu.memory_space<vmem_shared>>) target(%dma_start3A_23 : memref<3128x16xf32, #tpu.memory_space<hbm>>) target_semaphore(%run_scoped3A : memref<!tpu.dma_semaphore, #tpu.memory_space<semaphore_mem>>)
        %dma_wait3A = arith.constant 0 : i32
        %dma_wait3A_26 = tpu.memref_slice %arg5[%add3A_22, %dma_wait3A] : memref<100000x16xf32, #tpu.memory_space<hbm>> -> memref<3128x16xf32, #tpu.memory_space<hbm>>
        %dma_wait3A_27 = arith.constant 0 : i32
        %dma_wait3A_28 = tpu.memref_slice %arg6[%mul3A_17, %dma_wait3A_27] : memref<50048x16xf32, #tpu.memory_space<vmem_shared>> -> memref<3128x16xf32, #tpu.memory_space<vmem_shared>>
        tpu.wait_dma2 semaphore(%run_scoped3A : memref<!tpu.dma_semaphore, #tpu.memory_space<semaphore_mem>>) src(%dma_wait3A_28 : memref<3128x16xf32, #tpu.memory_space<vmem_shared>>) dst(%dma_wait3A_26 : memref<3128x16xf32, #tpu.memory_space<hbm>>)
        tpu.yield
      }) : () -> ()
    } else {
    }
    %eq3A = arith.constant 15 : i32
    %eq3A_12 = arith.cmpi eq, %arg1, %eq3A : i32
    %convert_element_type3A_13 = arith.extui %eq3A_12 : i1 to i32
    %cond3A_14 = arith.constant 0 : i32
    %cond3A_15 = arith.cmpi ne, %convert_element_type3A_13, %cond3A_14 : i32
    scf.if %cond3A_15 {
      %mul3A_16 = arith.constant 50000 : i32
      %mul3A_17 = arith.muli %arg0, %mul3A_16 : i32
      %add3A_18 = arith.constant 46920 : i32
      %add3A_19 = arith.addi %mul3A_17, %add3A_18 : i32
      "tpu.region"() ({
        %run_scoped3A = tpu.sem_alloc : memref<!tpu.dma_semaphore, #tpu.memory_space<semaphore_mem>>
        %dma_start3A = arith.constant 0 : i32
        %dma_start3A_20 = tpu.memref_slice %arg5[%add3A_19, %dma_start3A] : memref<100000x16xf32, #tpu.memory_space<hbm>> -> memref<3080x16xf32, #tpu.memory_space<hbm>>
        %dma_start3A_21 = arith.constant 46920 : i32
        %dma_start3A_22 = arith.constant 0 : i32
        %dma_start3A_23 = tpu.memref_slice %arg6[%dma_start3A_21, %dma_start3A_22] : memref<50048x16xf32, #tpu.memory_space<vmem_shared>> -> memref<3080x16xf32, #tpu.memory_space<vmem_shared>>
        tpu.enqueue_dma source(%dma_start3A_23 : memref<3080x16xf32, #tpu.memory_space<vmem_shared>>) target(%dma_start3A_20 : memref<3080x16xf32, #tpu.memory_space<hbm>>) target_semaphore(%run_scoped3A : memref<!tpu.dma_semaphore, #tpu.memory_space<semaphore_mem>>)
        %dma_wait3A = arith.constant 0 : i32
        %dma_wait3A_24 = tpu.memref_slice %arg5[%add3A_19, %dma_wait3A] : memref<100000x16xf32, #tpu.memory_space<hbm>> -> memref<3080x16xf32, #tpu.memory_space<hbm>>
        %dma_wait3A_25 = arith.constant 46920 : i32
        %dma_wait3A_26 = arith.constant 0 : i32
        %dma_wait3A_27 = tpu.memref_slice %arg6[%dma_wait3A_25, %dma_wait3A_26] : memref<50048x16xf32, #tpu.memory_space<vmem_shared>> -> memref<3080x16xf32, #tpu.memory_space<vmem_shared>>
        tpu.wait_dma2 semaphore(%run_scoped3A : memref<!tpu.dma_semaphore, #tpu.memory_space<semaphore_mem>>) src(%dma_wait3A_27 : memref<3080x16xf32, #tpu.memory_space<vmem_shared>>) dst(%dma_wait3A_24 : memref<3080x16xf32, #tpu.memory_space<hbm>>)
        tpu.yield
      }) : () -> ()
    } else {
    }
    return
  }
}

#map = affine_map<(d0, d1) -> (0, 0)>
module attributes {stable_mosaic.version = 14 : i64} {
  func.func @_sc_agg_body(%arg0: i32, %arg1: i32, %arg2: memref<100000x32xf32, #tpu.memory_space<hbm>>, %arg3: memref<12800x128xi32, #tpu.memory_space<hbm>>, %arg4: memref<6400x128xi32, #tpu.memory_space<hbm>>, %arg5: memref<3128x32xf32, #tpu.memory_space<hbm>>, %arg6: memref<100000x32xf32, #tpu.memory_space<hbm>>, %arg7: memref<50048x32xf32, #tpu.memory_space<vmem_shared>>, %arg8: memref<40x128xi32, #tpu.memory_space<vmem>>, %arg9: memref<40x128xi32, #tpu.memory_space<vmem>>, %arg10: memref<128x32xf32, #tpu.memory_space<vmem>>, %arg11: memref<128x32xf32, #tpu.memory_space<vmem>>, %arg12: memref<128x32xf32, #tpu.memory_space<vmem>>, %arg13: memref<128x32xf32, #tpu.memory_space<vmem>>, %arg14: memref<128x32xf32, #tpu.memory_space<vmem>>, %arg15: memref<!tpu.dma_semaphore, #tpu.memory_space<semaphore_mem>>, %arg16: memref<!tpu.dma_semaphore, #tpu.memory_space<semaphore_mem>>, %arg17: memref<!tpu.dma_semaphore, #tpu.memory_space<semaphore_mem>>, %arg18: memref<!tpu.dma_semaphore, #tpu.memory_space<semaphore_mem>>, %arg19: memref<!tpu.dma_semaphore, #tpu.memory_space<semaphore_mem>>, %arg20: memref<!tpu.dma_semaphore, #tpu.memory_space<semaphore_mem>>, %arg21: memref<!tpu.dma_semaphore, #tpu.memory_space<semaphore_mem>>, %arg22: memref<!tpu.dma_semaphore, #tpu.memory_space<semaphore_mem>>, %arg23: memref<!tpu.dma_semaphore, #tpu.memory_space<semaphore_mem>>, %arg24: memref<!tpu.dma_semaphore, #tpu.memory_space<semaphore_mem>>) attributes {dimension_semantics = [#tpu.dimension_semantics<core_parallel>, #tpu.dimension_semantics<subcore_parallel>], iteration_bounds = array<i64: 2, 16>, scalar_prefetch = 0 : i64, scratch_operands = 18 : i64, tpu.core_type = #tpu.core_type<sc_vector_subcore>, window_params = [{transform_indices = #map}, {transform_indices = #map}, {transform_indices = #map}, {transform_indices = #map}, {transform_indices = #map}]} {
    %mul3A = arith.constant 3128 : i32
    %mul3A_0 = arith.muli %arg1, %mul3A : i32
    "tpu.region"() ({
      %run_scoped3A = tpu.sem_alloc : memref<!tpu.dma_semaphore, #tpu.memory_space<semaphore_mem>>
      %dma_start3A = arith.constant 0 : i32
      %dma_start3A_14 = tpu.memref_slice %arg7[%mul3A_0, %dma_start3A] : memref<50048x32xf32, #tpu.memory_space<vmem_shared>> -> memref<3128x32xf32, #tpu.memory_space<vmem_shared>>
      tpu.enqueue_dma source(%arg5 : memref<3128x32xf32, #tpu.memory_space<hbm>>) target(%dma_start3A_14 : memref<3128x32xf32, #tpu.memory_space<vmem_shared>>) target_semaphore(%run_scoped3A : memref<!tpu.dma_semaphore, #tpu.memory_space<semaphore_mem>>)
      %dma_wait3A = arith.constant 0 : i32
      %dma_wait3A_15 = tpu.memref_slice %arg7[%mul3A_0, %dma_wait3A] : memref<50048x32xf32, #tpu.memory_space<vmem_shared>> -> memref<3128x32xf32, #tpu.memory_space<vmem_shared>>
      tpu.wait_dma2 semaphore(%run_scoped3A : memref<!tpu.dma_semaphore, #tpu.memory_space<semaphore_mem>>) src(%arg5 : memref<3128x32xf32, #tpu.memory_space<hbm>>) dst(%dma_wait3A_15 : memref<3128x32xf32, #tpu.memory_space<vmem_shared>>)
      tpu.yield
    }) : () -> ()
    %barrier3A = arith.constant 0 : index
    tpu.barrier barrier_id(%barrier3A)
    %scan3A = arith.constant 0 : i32
    %scan3A_1 = arith.constant 0 : i32
    %scan3A_2 = arith.constant 10 : i32
    %scan3A_3 = arith.addi %scan3A_1, %scan3A_2 : i32
    %scan3A_4 = arith.constant 1 : i32
    %scan3A_5 = scf.for %scan3A_14 = %scan3A_1 to %scan3A_3 step %scan3A_4 iter_args(%scan3A_15 = %scan3A) -> (i32)  : i32 {
      %mul3A_16 = arith.constant 400 : i32
      %mul3A_17 = arith.muli %arg1, %mul3A_16 : i32
      %mul3A_18 = arith.constant 40 : i32
      %mul3A_19 = arith.muli %scan3A_14, %mul3A_18 : i32
      %add3A = arith.addi %mul3A_17, %mul3A_19 : i32
      %mul3A_20 = arith.constant 6400 : i32
      %mul3A_21 = arith.muli %arg0, %mul3A_20 : i32
      %add3A_22 = arith.addi %mul3A_21, %add3A : i32
      "tpu.region"() ({
        %run_scoped3A = tpu.sem_alloc : memref<!tpu.dma_semaphore, #tpu.memory_space<semaphore_mem>>
        %dma_start3A_61 = arith.constant 0 : i32
        %dma_start3A_62 = tpu.memref_slice %arg3[%add3A_22, %dma_start3A_61] : memref<12800x128xi32, #tpu.memory_space<hbm>> -> memref<40x128xi32, #tpu.memory_space<hbm>>
        %dma_start3A_63 = arith.constant 0 : i32
        %dma_start3A_64 = tpu.memref_slice %arg3[%add3A_22, %dma_start3A_63] : memref<12800x128xi32, #tpu.memory_space<hbm>> -> memref<40x128xi32, #tpu.memory_space<hbm>>
        tpu.enqueue_dma source(%dma_start3A_64 : memref<40x128xi32, #tpu.memory_space<hbm>>) target(%arg8 : memref<40x128xi32, #tpu.memory_space<vmem>>) target_semaphore(%run_scoped3A : memref<!tpu.dma_semaphore, #tpu.memory_space<semaphore_mem>>)
        %dma_wait3A_65 = arith.constant 0 : i32
        %dma_wait3A_66 = tpu.memref_slice %arg3[%add3A_22, %dma_wait3A_65] : memref<12800x128xi32, #tpu.memory_space<hbm>> -> memref<40x128xi32, #tpu.memory_space<hbm>>
        %dma_wait3A_67 = arith.constant 0 : i32
        %dma_wait3A_68 = tpu.memref_slice %arg3[%add3A_22, %dma_wait3A_67] : memref<12800x128xi32, #tpu.memory_space<hbm>> -> memref<40x128xi32, #tpu.memory_space<hbm>>
        tpu.wait_dma2 semaphore(%run_scoped3A : memref<!tpu.dma_semaphore, #tpu.memory_space<semaphore_mem>>) src(%dma_wait3A_68 : memref<40x128xi32, #tpu.memory_space<hbm>>) dst(%arg8 : memref<40x128xi32, #tpu.memory_space<vmem>>)
        tpu.yield
      }) : () -> ()
      "tpu.region"() ({
        %run_scoped3A = tpu.sem_alloc : memref<!tpu.dma_semaphore, #tpu.memory_space<semaphore_mem>>
        %dma_start3A_61 = arith.constant 0 : i32
        %dma_start3A_62 = tpu.memref_slice %arg4[%add3A, %dma_start3A_61] : memref<6400x128xi32, #tpu.memory_space<hbm>> -> memref<40x128xi32, #tpu.memory_space<hbm>>
        %dma_start3A_63 = arith.constant 0 : i32
        %dma_start3A_64 = tpu.memref_slice %arg4[%add3A, %dma_start3A_63] : memref<6400x128xi32, #tpu.memory_space<hbm>> -> memref<40x128xi32, #tpu.memory_space<hbm>>
        tpu.enqueue_dma source(%dma_start3A_64 : memref<40x128xi32, #tpu.memory_space<hbm>>) target(%arg9 : memref<40x128xi32, #tpu.memory_space<vmem>>) target_semaphore(%run_scoped3A : memref<!tpu.dma_semaphore, #tpu.memory_space<semaphore_mem>>)
        %dma_wait3A_65 = arith.constant 0 : i32
        %dma_wait3A_66 = tpu.memref_slice %arg4[%add3A, %dma_wait3A_65] : memref<6400x128xi32, #tpu.memory_space<hbm>> -> memref<40x128xi32, #tpu.memory_space<hbm>>
        %dma_wait3A_67 = arith.constant 0 : i32
        %dma_wait3A_68 = tpu.memref_slice %arg4[%add3A, %dma_wait3A_67] : memref<6400x128xi32, #tpu.memory_space<hbm>> -> memref<40x128xi32, #tpu.memory_space<hbm>>
        tpu.wait_dma2 semaphore(%run_scoped3A : memref<!tpu.dma_semaphore, #tpu.memory_space<semaphore_mem>>) src(%dma_wait3A_68 : memref<40x128xi32, #tpu.memory_space<hbm>>) dst(%arg9 : memref<40x128xi32, #tpu.memory_space<vmem>>)
        tpu.yield
      }) : () -> ()
      %dma_start3A = arith.constant 0 : i32
      %dma_start3A_23 = arith.constant 0 : i32
      %dma_start3A_24 = tpu.memref_slice %arg8[%dma_start3A, %dma_start3A_23] : memref<40x128xi32, #tpu.memory_space<vmem>> -> memref<1x128xi32, #tpu.memory_space<vmem>>
      %dma_start3A_25 = tpu.memref_squeeze %dma_start3A_24 : memref<1x128xi32, #tpu.memory_space<vmem>> -> memref<128xi32, #tpu.memory_space<vmem>>
      %dma_start3A_26 = arith.constant 0 : i32
      %dma_start3A_27 = arith.constant 0 : i32
      %dma_start3A_28 = tpu.memref_slice %arg2[%dma_start3A_26, %dma_start3A_27] : memref<100000x32xf32, #tpu.memory_space<hbm>> -> memref<100000x32xf32, #tpu.memory_space<hbm>>
      tpu.enqueue_indirect_dma source(%dma_start3A_28 : memref<100000x32xf32, #tpu.memory_space<hbm>>) target(%arg10 : memref<128x32xf32, #tpu.memory_space<vmem>>) offsets(%dma_start3A_25 : memref<128xi32, #tpu.memory_space<vmem>>) semaphore(%arg15 : memref<!tpu.dma_semaphore, #tpu.memory_space<semaphore_mem>>)
      %dma_start3A_29 = arith.constant 1 : i32
      %dma_start3A_30 = arith.constant 0 : i32
      %dma_start3A_31 = tpu.memref_slice %arg8[%dma_start3A_29, %dma_start3A_30] : memref<40x128xi32, #tpu.memory_space<vmem>> -> memref<1x128xi32, #tpu.memory_space<vmem>>
      %dma_start3A_32 = tpu.memref_squeeze %dma_start3A_31 : memref<1x128xi32, #tpu.memory_space<vmem>> -> memref<128xi32, #tpu.memory_space<vmem>>
      %dma_start3A_33 = arith.constant 0 : i32
      %dma_start3A_34 = arith.constant 0 : i32
      %dma_start3A_35 = tpu.memref_slice %arg2[%dma_start3A_33, %dma_start3A_34] : memref<100000x32xf32, #tpu.memory_space<hbm>> -> memref<100000x32xf32, #tpu.memory_space<hbm>>
      tpu.enqueue_indirect_dma source(%dma_start3A_35 : memref<100000x32xf32, #tpu.memory_space<hbm>>) target(%arg11 : memref<128x32xf32, #tpu.memory_space<vmem>>) offsets(%dma_start3A_32 : memref<128xi32, #tpu.memory_space<vmem>>) semaphore(%arg16 : memref<!tpu.dma_semaphore, #tpu.memory_space<semaphore_mem>>)
      %scan3A_36 = arith.constant 0 : i32
      %scan3A_37 = arith.constant 0 : i32
      %scan3A_38 = arith.constant 8 : i32
      %scan3A_39 = arith.addi %scan3A_37, %scan3A_38 : i32
      %scan3A_40 = arith.constant 1 : i32
      %scan3A_41 = scf.for %scan3A_61 = %scan3A_37 to %scan3A_39 step %scan3A_40 iter_args(%scan3A_62 = %scan3A_36) -> (i32)  : i32 {
        %mul3A_63 = arith.constant 5 : i32
        %mul3A_64 = arith.muli %scan3A_61, %mul3A_63 : i32
        %add3A_65 = arith.constant 0 : i32
        %add3A_66 = arith.addi %mul3A_64, %add3A_65 : i32
        %add3A_67 = arith.constant 2 : i32
        %add3A_68 = arith.addi %add3A_66, %add3A_67 : i32
        %ge3A = arith.constant 5 : i32
        %ge3A_69 = arith.cmpi sge, %add3A_68, %ge3A : i32
        %convert_element_type3A_70 = arith.extui %ge3A_69 : i1 to i32
        %cond3A_71 = arith.constant 0 : i32
        %cond3A_72 = arith.cmpi ne, %convert_element_type3A_70, %cond3A_71 : i32
        scf.if %cond3A_72 {
          %dma_wait3A_213 = arith.constant 0 : i32
          %dma_wait3A_214 = arith.constant 0 : i32
          %dma_wait3A_215 = tpu.memref_slice %arg7[%dma_wait3A_213, %dma_wait3A_214] : memref<50048x32xf32, #tpu.memory_space<vmem_shared>> -> memref<128x32xf32, #tpu.memory_space<vmem_shared>>
          %dma_wait3A_216 = arith.constant 0 : i32
          %dma_wait3A_217 = arith.constant 0 : i32
          %dma_wait3A_218 = tpu.memref_slice %arg7[%dma_wait3A_216, %dma_wait3A_217] : memref<50048x32xf32, #tpu.memory_space<vmem_shared>> -> memref<128x32xf32, #tpu.memory_space<vmem_shared>>
          tpu.wait_dma2 semaphore(%arg22 : memref<!tpu.dma_semaphore, #tpu.memory_space<semaphore_mem>>) src(%arg12 : memref<128x32xf32, #tpu.memory_space<vmem>>) dst(%dma_wait3A_218 : memref<128x32xf32, #tpu.memory_space<vmem_shared>>)
        } else {
        }
        %add3A_73 = arith.constant 2 : i32
        %add3A_74 = arith.addi %add3A_66, %add3A_73 : i32
        %lt3A_75 = arith.constant 40 : i32
        %lt3A_76 = arith.cmpi slt, %add3A_74, %lt3A_75 : i32
        %convert_element_type3A_77 = arith.extui %lt3A_76 : i1 to i32
        %cond3A_78 = arith.constant 0 : i32
        %cond3A_79 = arith.cmpi ne, %convert_element_type3A_77, %cond3A_78 : i32
        scf.if %cond3A_79 {
          %add3A_213 = arith.constant 2 : i32
          %add3A_214 = arith.addi %add3A_66, %add3A_213 : i32
          %dma_start3A_215 = arith.constant 0 : i32
          %dma_start3A_216 = tpu.memref_slice %arg8[%add3A_214, %dma_start3A_215] : memref<40x128xi32, #tpu.memory_space<vmem>> -> memref<1x128xi32, #tpu.memory_space<vmem>>
          %dma_start3A_217 = tpu.memref_squeeze %dma_start3A_216 : memref<1x128xi32, #tpu.memory_space<vmem>> -> memref<128xi32, #tpu.memory_space<vmem>>
          %dma_start3A_218 = arith.constant 0 : i32
          %dma_start3A_219 = arith.constant 0 : i32
          %dma_start3A_220 = tpu.memref_slice %arg2[%dma_start3A_218, %dma_start3A_219] : memref<100000x32xf32, #tpu.memory_space<hbm>> -> memref<100000x32xf32, #tpu.memory_space<hbm>>
          tpu.enqueue_indirect_dma source(%dma_start3A_220 : memref<100000x32xf32, #tpu.memory_space<hbm>>) target(%arg12 : memref<128x32xf32, #tpu.memory_space<vmem>>) offsets(%dma_start3A_217 : memref<128xi32, #tpu.memory_space<vmem>>) semaphore(%arg17 : memref<!tpu.dma_semaphore, #tpu.memory_space<semaphore_mem>>)
        } else {
        }
        %dma_wait3A_80 = arith.constant 0 : i32
        %dma_wait3A_81 = arith.constant 0 : i32
        %dma_wait3A_82 = tpu.memref_slice %arg2[%dma_wait3A_80, %dma_wait3A_81] : memref<100000x32xf32, #tpu.memory_space<hbm>> -> memref<128x32xf32, #tpu.memory_space<hbm>>
        %dma_wait3A_83 = arith.constant 0 : i32
        %dma_wait3A_84 = arith.constant 0 : i32
        %dma_wait3A_85 = tpu.memref_slice %arg2[%dma_wait3A_83, %dma_wait3A_84] : memref<100000x32xf32, #tpu.memory_space<hbm>> -> memref<128x32xf32, #tpu.memory_space<hbm>>
        tpu.wait_dma2 semaphore(%arg15 : memref<!tpu.dma_semaphore, #tpu.memory_space<semaphore_mem>>) src(%dma_wait3A_85 : memref<128x32xf32, #tpu.memory_space<hbm>>) dst(%arg10 : memref<128x32xf32, #tpu.memory_space<vmem>>)
        %dma_start3A_86 = arith.constant 0 : i32
        %dma_start3A_87 = tpu.memref_slice %arg9[%add3A_66, %dma_start3A_86] : memref<40x128xi32, #tpu.memory_space<vmem>> -> memref<1x128xi32, #tpu.memory_space<vmem>>
        %dma_start3A_88 = tpu.memref_squeeze %dma_start3A_87 : memref<1x128xi32, #tpu.memory_space<vmem>> -> memref<128xi32, #tpu.memory_space<vmem>>
        %dma_start3A_89 = arith.constant 0 : i32
        %dma_start3A_90 = arith.constant 0 : i32
        %dma_start3A_91 = tpu.memref_slice %arg7[%dma_start3A_89, %dma_start3A_90] : memref<50048x32xf32, #tpu.memory_space<vmem_shared>> -> memref<50048x32xf32, #tpu.memory_space<vmem_shared>>
        tpu.enqueue_indirect_dma source(%arg10 : memref<128x32xf32, #tpu.memory_space<vmem>>) target(%dma_start3A_91 : memref<50048x32xf32, #tpu.memory_space<vmem_shared>>) offsets(%dma_start3A_88 : memref<128xi32, #tpu.memory_space<vmem>>) semaphore(%arg20 : memref<!tpu.dma_semaphore, #tpu.memory_space<semaphore_mem>>) {add = true}
        %mul3A_92 = arith.constant 5 : i32
        %mul3A_93 = arith.muli %scan3A_61, %mul3A_92 : i32
        %add3A_94 = arith.constant 1 : i32
        %add3A_95 = arith.addi %mul3A_93, %add3A_94 : i32
        %add3A_96 = arith.constant 2 : i32
        %add3A_97 = arith.addi %add3A_95, %add3A_96 : i32
        %ge3A_98 = arith.constant 5 : i32
        %ge3A_99 = arith.cmpi sge, %add3A_97, %ge3A_98 : i32
        %convert_element_type3A_100 = arith.extui %ge3A_99 : i1 to i32
        %cond3A_101 = arith.constant 0 : i32
        %cond3A_102 = arith.cmpi ne, %convert_element_type3A_100, %cond3A_101 : i32
        scf.if %cond3A_102 {
          %dma_wait3A_213 = arith.constant 0 : i32
          %dma_wait3A_214 = arith.constant 0 : i32
          %dma_wait3A_215 = tpu.memref_slice %arg7[%dma_wait3A_213, %dma_wait3A_214] : memref<50048x32xf32, #tpu.memory_space<vmem_shared>> -> memref<128x32xf32, #tpu.memory_space<vmem_shared>>
          %dma_wait3A_216 = arith.constant 0 : i32
          %dma_wait3A_217 = arith.constant 0 : i32
          %dma_wait3A_218 = tpu.memref_slice %arg7[%dma_wait3A_216, %dma_wait3A_217] : memref<50048x32xf32, #tpu.memory_space<vmem_shared>> -> memref<128x32xf32, #tpu.memory_space<vmem_shared>>
          tpu.wait_dma2 semaphore(%arg23 : memref<!tpu.dma_semaphore, #tpu.memory_space<semaphore_mem>>) src(%arg13 : memref<128x32xf32, #tpu.memory_space<vmem>>) dst(%dma_wait3A_218 : memref<128x32xf32, #tpu.memory_space<vmem_shared>>)
        } else {
        }
        %add3A_103 = arith.constant 2 : i32
        %add3A_104 = arith.addi %add3A_95, %add3A_103 : i32
        %lt3A_105 = arith.constant 40 : i32
        %lt3A_106 = arith.cmpi slt, %add3A_104, %lt3A_105 : i32
        %convert_element_type3A_107 = arith.extui %lt3A_106 : i1 to i32
        %cond3A_108 = arith.constant 0 : i32
        %cond3A_109 = arith.cmpi ne, %convert_element_type3A_107, %cond3A_108 : i32
        scf.if %cond3A_109 {
          %add3A_213 = arith.constant 2 : i32
          %add3A_214 = arith.addi %add3A_95, %add3A_213 : i32
          %dma_start3A_215 = arith.constant 0 : i32
          %dma_start3A_216 = tpu.memref_slice %arg8[%add3A_214, %dma_start3A_215] : memref<40x128xi32, #tpu.memory_space<vmem>> -> memref<1x128xi32, #tpu.memory_space<vmem>>
          %dma_start3A_217 = tpu.memref_squeeze %dma_start3A_216 : memref<1x128xi32, #tpu.memory_space<vmem>> -> memref<128xi32, #tpu.memory_space<vmem>>
          %dma_start3A_218 = arith.constant 0 : i32
          %dma_start3A_219 = arith.constant 0 : i32
          %dma_start3A_220 = tpu.memref_slice %arg2[%dma_start3A_218, %dma_start3A_219] : memref<100000x32xf32, #tpu.memory_space<hbm>> -> memref<100000x32xf32, #tpu.memory_space<hbm>>
          tpu.enqueue_indirect_dma source(%dma_start3A_220 : memref<100000x32xf32, #tpu.memory_space<hbm>>) target(%arg13 : memref<128x32xf32, #tpu.memory_space<vmem>>) offsets(%dma_start3A_217 : memref<128xi32, #tpu.memory_space<vmem>>) semaphore(%arg18 : memref<!tpu.dma_semaphore, #tpu.memory_space<semaphore_mem>>)
        } else {
        }
        %dma_wait3A_110 = arith.constant 0 : i32
        %dma_wait3A_111 = arith.constant 0 : i32
        %dma_wait3A_112 = tpu.memref_slice %arg2[%dma_wait3A_110, %dma_wait3A_111] : memref<100000x32xf32, #tpu.memory_space<hbm>> -> memref<128x32xf32, #tpu.memory_space<hbm>>
        %dma_wait3A_113 = arith.constant 0 : i32
        %dma_wait3A_114 = arith.constant 0 : i32
        %dma_wait3A_115 = tpu.memref_slice %arg2[%dma_wait3A_113, %dma_wait3A_114] : memref<100000x32xf32, #tpu.memory_space<hbm>> -> memref<128x32xf32, #tpu.memory_space<hbm>>
        tpu.wait_dma2 semaphore(%arg16 : memref<!tpu.dma_semaphore, #tpu.memory_space<semaphore_mem>>) src(%dma_wait3A_115 : memref<128x32xf32, #tpu.memory_space<hbm>>) dst(%arg11 : memref<128x32xf32, #tpu.memory_space<vmem>>)
        %dma_start3A_116 = arith.constant 0 : i32
        %dma_start3A_117 = tpu.memref_slice %arg9[%add3A_95, %dma_start3A_116] : memref<40x128xi32, #tpu.memory_space<vmem>> -> memref<1x128xi32, #tpu.memory_space<vmem>>
        %dma_start3A_118 = tpu.memref_squeeze %dma_start3A_117 : memref<1x128xi32, #tpu.memory_space<vmem>> -> memref<128xi32, #tpu.memory_space<vmem>>
        %dma_start3A_119 = arith.constant 0 : i32
        %dma_start3A_120 = arith.constant 0 : i32
        %dma_start3A_121 = tpu.memref_slice %arg7[%dma_start3A_119, %dma_start3A_120] : memref<50048x32xf32, #tpu.memory_space<vmem_shared>> -> memref<50048x32xf32, #tpu.memory_space<vmem_shared>>
        tpu.enqueue_indirect_dma source(%arg11 : memref<128x32xf32, #tpu.memory_space<vmem>>) target(%dma_start3A_121 : memref<50048x32xf32, #tpu.memory_space<vmem_shared>>) offsets(%dma_start3A_118 : memref<128xi32, #tpu.memory_space<vmem>>) semaphore(%arg21 : memref<!tpu.dma_semaphore, #tpu.memory_space<semaphore_mem>>) {add = true}
        %mul3A_122 = arith.constant 5 : i32
        %mul3A_123 = arith.muli %scan3A_61, %mul3A_122 : i32
        %add3A_124 = arith.constant 2 : i32
        %add3A_125 = arith.addi %mul3A_123, %add3A_124 : i32
        %add3A_126 = arith.constant 2 : i32
        %add3A_127 = arith.addi %add3A_125, %add3A_126 : i32
        %ge3A_128 = arith.constant 5 : i32
        %ge3A_129 = arith.cmpi sge, %add3A_127, %ge3A_128 : i32
        %convert_element_type3A_130 = arith.extui %ge3A_129 : i1 to i32
        %cond3A_131 = arith.constant 0 : i32
        %cond3A_132 = arith.cmpi ne, %convert_element_type3A_130, %cond3A_131 : i32
        scf.if %cond3A_132 {
          %dma_wait3A_213 = arith.constant 0 : i32
          %dma_wait3A_214 = arith.constant 0 : i32
          %dma_wait3A_215 = tpu.memref_slice %arg7[%dma_wait3A_213, %dma_wait3A_214] : memref<50048x32xf32, #tpu.memory_space<vmem_shared>> -> memref<128x32xf32, #tpu.memory_space<vmem_shared>>
          %dma_wait3A_216 = arith.constant 0 : i32
          %dma_wait3A_217 = arith.constant 0 : i32
          %dma_wait3A_218 = tpu.memref_slice %arg7[%dma_wait3A_216, %dma_wait3A_217] : memref<50048x32xf32, #tpu.memory_space<vmem_shared>> -> memref<128x32xf32, #tpu.memory_space<vmem_shared>>
          tpu.wait_dma2 semaphore(%arg24 : memref<!tpu.dma_semaphore, #tpu.memory_space<semaphore_mem>>) src(%arg14 : memref<128x32xf32, #tpu.memory_space<vmem>>) dst(%dma_wait3A_218 : memref<128x32xf32, #tpu.memory_space<vmem_shared>>)
        } else {
        }
        %add3A_133 = arith.constant 2 : i32
        %add3A_134 = arith.addi %add3A_125, %add3A_133 : i32
        %lt3A_135 = arith.constant 40 : i32
        %lt3A_136 = arith.cmpi slt, %add3A_134, %lt3A_135 : i32
        %convert_element_type3A_137 = arith.extui %lt3A_136 : i1 to i32
        %cond3A_138 = arith.constant 0 : i32
        %cond3A_139 = arith.cmpi ne, %convert_element_type3A_137, %cond3A_138 : i32
        scf.if %cond3A_139 {
          %add3A_213 = arith.constant 2 : i32
          %add3A_214 = arith.addi %add3A_125, %add3A_213 : i32
          %dma_start3A_215 = arith.constant 0 : i32
          %dma_start3A_216 = tpu.memref_slice %arg8[%add3A_214, %dma_start3A_215] : memref<40x128xi32, #tpu.memory_space<vmem>> -> memref<1x128xi32, #tpu.memory_space<vmem>>
          %dma_start3A_217 = tpu.memref_squeeze %dma_start3A_216 : memref<1x128xi32, #tpu.memory_space<vmem>> -> memref<128xi32, #tpu.memory_space<vmem>>
          %dma_start3A_218 = arith.constant 0 : i32
          %dma_start3A_219 = arith.constant 0 : i32
          %dma_start3A_220 = tpu.memref_slice %arg2[%dma_start3A_218, %dma_start3A_219] : memref<100000x32xf32, #tpu.memory_space<hbm>> -> memref<100000x32xf32, #tpu.memory_space<hbm>>
          tpu.enqueue_indirect_dma source(%dma_start3A_220 : memref<100000x32xf32, #tpu.memory_space<hbm>>) target(%arg14 : memref<128x32xf32, #tpu.memory_space<vmem>>) offsets(%dma_start3A_217 : memref<128xi32, #tpu.memory_space<vmem>>) semaphore(%arg19 : memref<!tpu.dma_semaphore, #tpu.memory_space<semaphore_mem>>)
        } else {
        }
        %dma_wait3A_140 = arith.constant 0 : i32
        %dma_wait3A_141 = arith.constant 0 : i32
        %dma_wait3A_142 = tpu.memref_slice %arg2[%dma_wait3A_140, %dma_wait3A_141] : memref<100000x32xf32, #tpu.memory_space<hbm>> -> memref<128x32xf32, #tpu.memory_space<hbm>>
        %dma_wait3A_143 = arith.constant 0 : i32
        %dma_wait3A_144 = arith.constant 0 : i32
        %dma_wait3A_145 = tpu.memref_slice %arg2[%dma_wait3A_143, %dma_wait3A_144] : memref<100000x32xf32, #tpu.memory_space<hbm>> -> memref<128x32xf32, #tpu.memory_space<hbm>>
        tpu.wait_dma2 semaphore(%arg17 : memref<!tpu.dma_semaphore, #tpu.memory_space<semaphore_mem>>) src(%dma_wait3A_145 : memref<128x32xf32, #tpu.memory_space<hbm>>) dst(%arg12 : memref<128x32xf32, #tpu.memory_space<vmem>>)
        %dma_start3A_146 = arith.constant 0 : i32
        %dma_start3A_147 = tpu.memref_slice %arg9[%add3A_125, %dma_start3A_146] : memref<40x128xi32, #tpu.memory_space<vmem>> -> memref<1x128xi32, #tpu.memory_space<vmem>>
        %dma_start3A_148 = tpu.memref_squeeze %dma_start3A_147 : memref<1x128xi32, #tpu.memory_space<vmem>> -> memref<128xi32, #tpu.memory_space<vmem>>
        %dma_start3A_149 = arith.constant 0 : i32
        %dma_start3A_150 = arith.constant 0 : i32
        %dma_start3A_151 = tpu.memref_slice %arg7[%dma_start3A_149, %dma_start3A_150] : memref<50048x32xf32, #tpu.memory_space<vmem_shared>> -> memref<50048x32xf32, #tpu.memory_space<vmem_shared>>
        tpu.enqueue_indirect_dma source(%arg12 : memref<128x32xf32, #tpu.memory_space<vmem>>) target(%dma_start3A_151 : memref<50048x32xf32, #tpu.memory_space<vmem_shared>>) offsets(%dma_start3A_148 : memref<128xi32, #tpu.memory_space<vmem>>) semaphore(%arg22 : memref<!tpu.dma_semaphore, #tpu.memory_space<semaphore_mem>>) {add = true}
        %mul3A_152 = arith.constant 5 : i32
        %mul3A_153 = arith.muli %scan3A_61, %mul3A_152 : i32
        %add3A_154 = arith.constant 3 : i32
        %add3A_155 = arith.addi %mul3A_153, %add3A_154 : i32
        %add3A_156 = arith.constant 2 : i32
        %add3A_157 = arith.addi %add3A_155, %add3A_156 : i32
        %ge3A_158 = arith.constant 5 : i32
        %ge3A_159 = arith.cmpi sge, %add3A_157, %ge3A_158 : i32
        %convert_element_type3A_160 = arith.extui %ge3A_159 : i1 to i32
        %cond3A_161 = arith.constant 0 : i32
        %cond3A_162 = arith.cmpi ne, %convert_element_type3A_160, %cond3A_161 : i32
        scf.if %cond3A_162 {
          %dma_wait3A_213 = arith.constant 0 : i32
          %dma_wait3A_214 = arith.constant 0 : i32
          %dma_wait3A_215 = tpu.memref_slice %arg7[%dma_wait3A_213, %dma_wait3A_214] : memref<50048x32xf32, #tpu.memory_space<vmem_shared>> -> memref<128x32xf32, #tpu.memory_space<vmem_shared>>
          %dma_wait3A_216 = arith.constant 0 : i32
          %dma_wait3A_217 = arith.constant 0 : i32
          %dma_wait3A_218 = tpu.memref_slice %arg7[%dma_wait3A_216, %dma_wait3A_217] : memref<50048x32xf32, #tpu.memory_space<vmem_shared>> -> memref<128x32xf32, #tpu.memory_space<vmem_shared>>
          tpu.wait_dma2 semaphore(%arg20 : memref<!tpu.dma_semaphore, #tpu.memory_space<semaphore_mem>>) src(%arg10 : memref<128x32xf32, #tpu.memory_space<vmem>>) dst(%dma_wait3A_218 : memref<128x32xf32, #tpu.memory_space<vmem_shared>>)
        } else {
        }
        %add3A_163 = arith.constant 2 : i32
        %add3A_164 = arith.addi %add3A_155, %add3A_163 : i32
        %lt3A_165 = arith.constant 40 : i32
        %lt3A_166 = arith.cmpi slt, %add3A_164, %lt3A_165 : i32
        %convert_element_type3A_167 = arith.extui %lt3A_166 : i1 to i32
        %cond3A_168 = arith.constant 0 : i32
        %cond3A_169 = arith.cmpi ne, %convert_element_type3A_167, %cond3A_168 : i32
        scf.if %cond3A_169 {
          %add3A_213 = arith.constant 2 : i32
          %add3A_214 = arith.addi %add3A_155, %add3A_213 : i32
          %dma_start3A_215 = arith.constant 0 : i32
          %dma_start3A_216 = tpu.memref_slice %arg8[%add3A_214, %dma_start3A_215] : memref<40x128xi32, #tpu.memory_space<vmem>> -> memref<1x128xi32, #tpu.memory_space<vmem>>
          %dma_start3A_217 = tpu.memref_squeeze %dma_start3A_216 : memref<1x128xi32, #tpu.memory_space<vmem>> -> memref<128xi32, #tpu.memory_space<vmem>>
          %dma_start3A_218 = arith.constant 0 : i32
          %dma_start3A_219 = arith.constant 0 : i32
          %dma_start3A_220 = tpu.memref_slice %arg2[%dma_start3A_218, %dma_start3A_219] : memref<100000x32xf32, #tpu.memory_space<hbm>> -> memref<100000x32xf32, #tpu.memory_space<hbm>>
          tpu.enqueue_indirect_dma source(%dma_start3A_220 : memref<100000x32xf32, #tpu.memory_space<hbm>>) target(%arg10 : memref<128x32xf32, #tpu.memory_space<vmem>>) offsets(%dma_start3A_217 : memref<128xi32, #tpu.memory_space<vmem>>) semaphore(%arg15 : memref<!tpu.dma_semaphore, #tpu.memory_space<semaphore_mem>>)
        } else {
        }
        %dma_wait3A_170 = arith.constant 0 : i32
        %dma_wait3A_171 = arith.constant 0 : i32
        %dma_wait3A_172 = tpu.memref_slice %arg2[%dma_wait3A_170, %dma_wait3A_171] : memref<100000x32xf32, #tpu.memory_space<hbm>> -> memref<128x32xf32, #tpu.memory_space<hbm>>
        %dma_wait3A_173 = arith.constant 0 : i32
        %dma_wait3A_174 = arith.constant 0 : i32
        %dma_wait3A_175 = tpu.memref_slice %arg2[%dma_wait3A_173, %dma_wait3A_174] : memref<100000x32xf32, #tpu.memory_space<hbm>> -> memref<128x32xf32, #tpu.memory_space<hbm>>
        tpu.wait_dma2 semaphore(%arg18 : memref<!tpu.dma_semaphore, #tpu.memory_space<semaphore_mem>>) src(%dma_wait3A_175 : memref<128x32xf32, #tpu.memory_space<hbm>>) dst(%arg13 : memref<128x32xf32, #tpu.memory_space<vmem>>)
        %dma_start3A_176 = arith.constant 0 : i32
        %dma_start3A_177 = tpu.memref_slice %arg9[%add3A_155, %dma_start3A_176] : memref<40x128xi32, #tpu.memory_space<vmem>> -> memref<1x128xi32, #tpu.memory_space<vmem>>
        %dma_start3A_178 = tpu.memref_squeeze %dma_start3A_177 : memref<1x128xi32, #tpu.memory_space<vmem>> -> memref<128xi32, #tpu.memory_space<vmem>>
        %dma_start3A_179 = arith.constant 0 : i32
        %dma_start3A_180 = arith.constant 0 : i32
        %dma_start3A_181 = tpu.memref_slice %arg7[%dma_start3A_179, %dma_start3A_180] : memref<50048x32xf32, #tpu.memory_space<vmem_shared>> -> memref<50048x32xf32, #tpu.memory_space<vmem_shared>>
        tpu.enqueue_indirect_dma source(%arg13 : memref<128x32xf32, #tpu.memory_space<vmem>>) target(%dma_start3A_181 : memref<50048x32xf32, #tpu.memory_space<vmem_shared>>) offsets(%dma_start3A_178 : memref<128xi32, #tpu.memory_space<vmem>>) semaphore(%arg23 : memref<!tpu.dma_semaphore, #tpu.memory_space<semaphore_mem>>) {add = true}
        %mul3A_182 = arith.constant 5 : i32
        %mul3A_183 = arith.muli %scan3A_61, %mul3A_182 : i32
        %add3A_184 = arith.constant 4 : i32
        %add3A_185 = arith.addi %mul3A_183, %add3A_184 : i32
        %add3A_186 = arith.constant 2 : i32
        %add3A_187 = arith.addi %add3A_185, %add3A_186 : i32
        %ge3A_188 = arith.constant 5 : i32
        %ge3A_189 = arith.cmpi sge, %add3A_187, %ge3A_188 : i32
        %convert_element_type3A_190 = arith.extui %ge3A_189 : i1 to i32
        %cond3A_191 = arith.constant 0 : i32
        %cond3A_192 = arith.cmpi ne, %convert_element_type3A_190, %cond3A_191 : i32
        scf.if %cond3A_192 {
          %dma_wait3A_213 = arith.constant 0 : i32
          %dma_wait3A_214 = arith.constant 0 : i32
          %dma_wait3A_215 = tpu.memref_slice %arg7[%dma_wait3A_213, %dma_wait3A_214] : memref<50048x32xf32, #tpu.memory_space<vmem_shared>> -> memref<128x32xf32, #tpu.memory_space<vmem_shared>>
          %dma_wait3A_216 = arith.constant 0 : i32
          %dma_wait3A_217 = arith.constant 0 : i32
          %dma_wait3A_218 = tpu.memref_slice %arg7[%dma_wait3A_216, %dma_wait3A_217] : memref<50048x32xf32, #tpu.memory_space<vmem_shared>> -> memref<128x32xf32, #tpu.memory_space<vmem_shared>>
          tpu.wait_dma2 semaphore(%arg21 : memref<!tpu.dma_semaphore, #tpu.memory_space<semaphore_mem>>) src(%arg11 : memref<128x32xf32, #tpu.memory_space<vmem>>) dst(%dma_wait3A_218 : memref<128x32xf32, #tpu.memory_space<vmem_shared>>)
        } else {
        }
        %add3A_193 = arith.constant 2 : i32
        %add3A_194 = arith.addi %add3A_185, %add3A_193 : i32
        %lt3A_195 = arith.constant 40 : i32
        %lt3A_196 = arith.cmpi slt, %add3A_194, %lt3A_195 : i32
        %convert_element_type3A_197 = arith.extui %lt3A_196 : i1 to i32
        %cond3A_198 = arith.constant 0 : i32
        %cond3A_199 = arith.cmpi ne, %convert_element_type3A_197, %cond3A_198 : i32
        scf.if %cond3A_199 {
          %add3A_213 = arith.constant 2 : i32
          %add3A_214 = arith.addi %add3A_185, %add3A_213 : i32
          %dma_start3A_215 = arith.constant 0 : i32
          %dma_start3A_216 = tpu.memref_slice %arg8[%add3A_214, %dma_start3A_215] : memref<40x128xi32, #tpu.memory_space<vmem>> -> memref<1x128xi32, #tpu.memory_space<vmem>>
          %dma_start3A_217 = tpu.memref_squeeze %dma_start3A_216 : memref<1x128xi32, #tpu.memory_space<vmem>> -> memref<128xi32, #tpu.memory_space<vmem>>
          %dma_start3A_218 = arith.constant 0 : i32
          %dma_start3A_219 = arith.constant 0 : i32
          %dma_start3A_220 = tpu.memref_slice %arg2[%dma_start3A_218, %dma_start3A_219] : memref<100000x32xf32, #tpu.memory_space<hbm>> -> memref<100000x32xf32, #tpu.memory_space<hbm>>
          tpu.enqueue_indirect_dma source(%dma_start3A_220 : memref<100000x32xf32, #tpu.memory_space<hbm>>) target(%arg11 : memref<128x32xf32, #tpu.memory_space<vmem>>) offsets(%dma_start3A_217 : memref<128xi32, #tpu.memory_space<vmem>>) semaphore(%arg16 : memref<!tpu.dma_semaphore, #tpu.memory_space<semaphore_mem>>)
        } else {
        }
        %dma_wait3A_200 = arith.constant 0 : i32
        %dma_wait3A_201 = arith.constant 0 : i32
        %dma_wait3A_202 = tpu.memref_slice %arg2[%dma_wait3A_200, %dma_wait3A_201] : memref<100000x32xf32, #tpu.memory_space<hbm>> -> memref<128x32xf32, #tpu.memory_space<hbm>>
        %dma_wait3A_203 = arith.constant 0 : i32
        %dma_wait3A_204 = arith.constant 0 : i32
        %dma_wait3A_205 = tpu.memref_slice %arg2[%dma_wait3A_203, %dma_wait3A_204] : memref<100000x32xf32, #tpu.memory_space<hbm>> -> memref<128x32xf32, #tpu.memory_space<hbm>>
        tpu.wait_dma2 semaphore(%arg19 : memref<!tpu.dma_semaphore, #tpu.memory_space<semaphore_mem>>) src(%dma_wait3A_205 : memref<128x32xf32, #tpu.memory_space<hbm>>) dst(%arg14 : memref<128x32xf32, #tpu.memory_space<vmem>>)
        %dma_start3A_206 = arith.constant 0 : i32
        %dma_start3A_207 = tpu.memref_slice %arg9[%add3A_185, %dma_start3A_206] : memref<40x128xi32, #tpu.memory_space<vmem>> -> memref<1x128xi32, #tpu.memory_space<vmem>>
        %dma_start3A_208 = tpu.memref_squeeze %dma_start3A_207 : memref<1x128xi32, #tpu.memory_space<vmem>> -> memref<128xi32, #tpu.memory_space<vmem>>
        %dma_start3A_209 = arith.constant 0 : i32
        %dma_start3A_210 = arith.constant 0 : i32
        %dma_start3A_211 = tpu.memref_slice %arg7[%dma_start3A_209, %dma_start3A_210] : memref<50048x32xf32, #tpu.memory_space<vmem_shared>> -> memref<50048x32xf32, #tpu.memory_space<vmem_shared>>
        tpu.enqueue_indirect_dma source(%arg14 : memref<128x32xf32, #tpu.memory_space<vmem>>) target(%dma_start3A_211 : memref<50048x32xf32, #tpu.memory_space<vmem_shared>>) offsets(%dma_start3A_208 : memref<128xi32, #tpu.memory_space<vmem>>) semaphore(%arg24 : memref<!tpu.dma_semaphore, #tpu.memory_space<semaphore_mem>>) {add = true}
        %scan3A_212 = arith.constant 0 : i32
        scf.yield %scan3A_212 : i32
      }
      %scan3A_42 = arith.constant 8 : i32
      %dma_wait3A = arith.constant 0 : i32
      %dma_wait3A_43 = arith.constant 0 : i32
      %dma_wait3A_44 = tpu.memref_slice %arg7[%dma_wait3A, %dma_wait3A_43] : memref<50048x32xf32, #tpu.memory_space<vmem_shared>> -> memref<128x32xf32, #tpu.memory_space<vmem_shared>>
      %dma_wait3A_45 = arith.constant 0 : i32
      %dma_wait3A_46 = arith.constant 0 : i32
      %dma_wait3A_47 = tpu.memref_slice %arg7[%dma_wait3A_45, %dma_wait3A_46] : memref<50048x32xf32, #tpu.memory_space<vmem_shared>> -> memref<128x32xf32, #tpu.memory_space<vmem_shared>>
      tpu.wait_dma2 semaphore(%arg22 : memref<!tpu.dma_semaphore, #tpu.memory_space<semaphore_mem>>) src(%arg12 : memref<128x32xf32, #tpu.memory_space<vmem>>) dst(%dma_wait3A_47 : memref<128x32xf32, #tpu.memory_space<vmem_shared>>)
      %dma_wait3A_48 = arith.constant 0 : i32
      %dma_wait3A_49 = arith.constant 0 : i32
      %dma_wait3A_50 = tpu.memref_slice %arg7[%dma_wait3A_48, %dma_wait3A_49] : memref<50048x32xf32, #tpu.memory_space<vmem_shared>> -> memref<128x32xf32, #tpu.memory_space<vmem_shared>>
      %dma_wait3A_51 = arith.constant 0 : i32
      %dma_wait3A_52 = arith.constant 0 : i32
      %dma_wait3A_53 = tpu.memref_slice %arg7[%dma_wait3A_51, %dma_wait3A_52] : memref<50048x32xf32, #tpu.memory_space<vmem_shared>> -> memref<128x32xf32, #tpu.memory_space<vmem_shared>>
      tpu.wait_dma2 semaphore(%arg23 : memref<!tpu.dma_semaphore, #tpu.memory_space<semaphore_mem>>) src(%arg13 : memref<128x32xf32, #tpu.memory_space<vmem>>) dst(%dma_wait3A_53 : memref<128x32xf32, #tpu.memory_space<vmem_shared>>)
      %dma_wait3A_54 = arith.constant 0 : i32
      %dma_wait3A_55 = arith.constant 0 : i32
      %dma_wait3A_56 = tpu.memref_slice %arg7[%dma_wait3A_54, %dma_wait3A_55] : memref<50048x32xf32, #tpu.memory_space<vmem_shared>> -> memref<128x32xf32, #tpu.memory_space<vmem_shared>>
      %dma_wait3A_57 = arith.constant 0 : i32
      %dma_wait3A_58 = arith.constant 0 : i32
      %dma_wait3A_59 = tpu.memref_slice %arg7[%dma_wait3A_57, %dma_wait3A_58] : memref<50048x32xf32, #tpu.memory_space<vmem_shared>> -> memref<128x32xf32, #tpu.memory_space<vmem_shared>>
      tpu.wait_dma2 semaphore(%arg24 : memref<!tpu.dma_semaphore, #tpu.memory_space<semaphore_mem>>) src(%arg14 : memref<128x32xf32, #tpu.memory_space<vmem>>) dst(%dma_wait3A_59 : memref<128x32xf32, #tpu.memory_space<vmem_shared>>)
      %scan3A_60 = arith.constant 0 : i32
      scf.yield %scan3A_60 : i32
    }
    %scan3A_6 = arith.constant 10 : i32
    %barrier3A_7 = arith.constant 0 : index
    tpu.barrier barrier_id(%barrier3A_7)
    %lt3A = arith.constant 15 : i32
    %lt3A_8 = arith.cmpi slt, %arg1, %lt3A : i32
    %convert_element_type3A = arith.extui %lt3A_8 : i1 to i32
    %cond3A = arith.constant 0 : i32
    %cond3A_9 = arith.cmpi ne, %convert_element_type3A, %cond3A : i32
    scf.if %cond3A_9 {
      %mul3A_14 = arith.constant 3128 : i32
      %mul3A_15 = arith.muli %arg1, %mul3A_14 : i32
      %mul3A_16 = arith.constant 50000 : i32
      %mul3A_17 = arith.muli %arg0, %mul3A_16 : i32
      %mul3A_18 = arith.constant 3128 : i32
      %mul3A_19 = arith.muli %arg1, %mul3A_18 : i32
      %add3A = arith.addi %mul3A_17, %mul3A_19 : i32
      "tpu.region"() ({
        %run_scoped3A = tpu.sem_alloc : memref<!tpu.dma_semaphore, #tpu.memory_space<semaphore_mem>>
        %dma_start3A = arith.constant 0 : i32
        %dma_start3A_20 = tpu.memref_slice %arg6[%add3A, %dma_start3A] : memref<100000x32xf32, #tpu.memory_space<hbm>> -> memref<3128x32xf32, #tpu.memory_space<hbm>>
        %dma_start3A_21 = arith.constant 0 : i32
        %dma_start3A_22 = tpu.memref_slice %arg7[%mul3A_15, %dma_start3A_21] : memref<50048x32xf32, #tpu.memory_space<vmem_shared>> -> memref<3128x32xf32, #tpu.memory_space<vmem_shared>>
        tpu.enqueue_dma source(%dma_start3A_22 : memref<3128x32xf32, #tpu.memory_space<vmem_shared>>) target(%dma_start3A_20 : memref<3128x32xf32, #tpu.memory_space<hbm>>) target_semaphore(%run_scoped3A : memref<!tpu.dma_semaphore, #tpu.memory_space<semaphore_mem>>)
        %dma_wait3A = arith.constant 0 : i32
        %dma_wait3A_23 = tpu.memref_slice %arg6[%add3A, %dma_wait3A] : memref<100000x32xf32, #tpu.memory_space<hbm>> -> memref<3128x32xf32, #tpu.memory_space<hbm>>
        %dma_wait3A_24 = arith.constant 0 : i32
        %dma_wait3A_25 = tpu.memref_slice %arg7[%mul3A_15, %dma_wait3A_24] : memref<50048x32xf32, #tpu.memory_space<vmem_shared>> -> memref<3128x32xf32, #tpu.memory_space<vmem_shared>>
        tpu.wait_dma2 semaphore(%run_scoped3A : memref<!tpu.dma_semaphore, #tpu.memory_space<semaphore_mem>>) src(%dma_wait3A_25 : memref<3128x32xf32, #tpu.memory_space<vmem_shared>>) dst(%dma_wait3A_23 : memref<3128x32xf32, #tpu.memory_space<hbm>>)
        tpu.yield
      }) : () -> ()
    } else {
    }
    %eq3A = arith.constant 15 : i32
    %eq3A_10 = arith.cmpi eq, %arg1, %eq3A : i32
    %convert_element_type3A_11 = arith.extui %eq3A_10 : i1 to i32
    %cond3A_12 = arith.constant 0 : i32
    %cond3A_13 = arith.cmpi ne, %convert_element_type3A_11, %cond3A_12 : i32
    scf.if %cond3A_13 {
      %mul3A_14 = arith.constant 50000 : i32
      %mul3A_15 = arith.muli %arg0, %mul3A_14 : i32
      %add3A = arith.constant 46920 : i32
      %add3A_16 = arith.addi %mul3A_15, %add3A : i32
      "tpu.region"() ({
        %run_scoped3A = tpu.sem_alloc : memref<!tpu.dma_semaphore, #tpu.memory_space<semaphore_mem>>
        %dma_start3A = arith.constant 0 : i32
        %dma_start3A_17 = tpu.memref_slice %arg6[%add3A_16, %dma_start3A] : memref<100000x32xf32, #tpu.memory_space<hbm>> -> memref<3080x32xf32, #tpu.memory_space<hbm>>
        %dma_start3A_18 = arith.constant 46920 : i32
        %dma_start3A_19 = arith.constant 0 : i32
        %dma_start3A_20 = tpu.memref_slice %arg7[%dma_start3A_18, %dma_start3A_19] : memref<50048x32xf32, #tpu.memory_space<vmem_shared>> -> memref<3080x32xf32, #tpu.memory_space<vmem_shared>>
        tpu.enqueue_dma source(%dma_start3A_20 : memref<3080x32xf32, #tpu.memory_space<vmem_shared>>) target(%dma_start3A_17 : memref<3080x32xf32, #tpu.memory_space<hbm>>) target_semaphore(%run_scoped3A : memref<!tpu.dma_semaphore, #tpu.memory_space<semaphore_mem>>)
        %dma_wait3A = arith.constant 0 : i32
        %dma_wait3A_21 = tpu.memref_slice %arg6[%add3A_16, %dma_wait3A] : memref<100000x32xf32, #tpu.memory_space<hbm>> -> memref<3080x32xf32, #tpu.memory_space<hbm>>
        %dma_wait3A_22 = arith.constant 46920 : i32
        %dma_wait3A_23 = arith.constant 0 : i32
        %dma_wait3A_24 = tpu.memref_slice %arg7[%dma_wait3A_22, %dma_wait3A_23] : memref<50048x32xf32, #tpu.memory_space<vmem_shared>> -> memref<3080x32xf32, #tpu.memory_space<vmem_shared>>
        tpu.wait_dma2 semaphore(%run_scoped3A : memref<!tpu.dma_semaphore, #tpu.memory_space<semaphore_mem>>) src(%dma_wait3A_24 : memref<3080x32xf32, #tpu.memory_space<vmem_shared>>) dst(%dma_wait3A_21 : memref<3080x32xf32, #tpu.memory_space<hbm>>)
        tpu.yield
      }) : () -> ()
    } else {
    }
    return
  }
}

#map = affine_map<(d0, d1) -> (0, 0)>
module attributes {stable_mosaic.version = 14 : i64} {
  func.func @_sc_agg_body(%arg0: i32, %arg1: i32, %arg2: memref<100000x32xf32, #tpu.memory_space<hbm>>, %arg3: memref<12800x128xi32, #tpu.memory_space<hbm>>, %arg4: memref<6400x128xi32, #tpu.memory_space<hbm>>, %arg5: memref<3128x32xf32, #tpu.memory_space<hbm>>, %arg6: memref<100000x32xf32, #tpu.memory_space<hbm>>, %arg7: memref<50048x32xf32, #tpu.memory_space<vmem_shared>>, %arg8: memref<40x128xi32, #tpu.memory_space<vmem>>, %arg9: memref<40x128xi32, #tpu.memory_space<vmem>>, %arg10: memref<128x32xf32, #tpu.memory_space<vmem>>, %arg11: memref<128x32xf32, #tpu.memory_space<vmem>>, %arg12: memref<128x32xf32, #tpu.memory_space<vmem>>, %arg13: memref<128x32xf32, #tpu.memory_space<vmem>>, %arg14: memref<128x32xf32, #tpu.memory_space<vmem>>, %arg15: memref<!tpu.dma_semaphore, #tpu.memory_space<semaphore_mem>>, %arg16: memref<!tpu.dma_semaphore, #tpu.memory_space<semaphore_mem>>, %arg17: memref<!tpu.dma_semaphore, #tpu.memory_space<semaphore_mem>>, %arg18: memref<!tpu.dma_semaphore, #tpu.memory_space<semaphore_mem>>, %arg19: memref<!tpu.dma_semaphore, #tpu.memory_space<semaphore_mem>>, %arg20: memref<!tpu.dma_semaphore, #tpu.memory_space<semaphore_mem>>, %arg21: memref<!tpu.dma_semaphore, #tpu.memory_space<semaphore_mem>>, %arg22: memref<!tpu.dma_semaphore, #tpu.memory_space<semaphore_mem>>, %arg23: memref<!tpu.dma_semaphore, #tpu.memory_space<semaphore_mem>>, %arg24: memref<!tpu.dma_semaphore, #tpu.memory_space<semaphore_mem>>) attributes {dimension_semantics = [#tpu.dimension_semantics<core_parallel>, #tpu.dimension_semantics<subcore_parallel>], iteration_bounds = array<i64: 2, 16>, scalar_prefetch = 0 : i64, scratch_operands = 18 : i64, tpu.core_type = #tpu.core_type<sc_vector_subcore>, window_params = [{transform_indices = #map}, {transform_indices = #map}, {transform_indices = #map}, {transform_indices = #map}, {transform_indices = #map}]} {
    %mul3A = arith.constant 3128 : i32
    %mul3A_0 = arith.muli %arg1, %mul3A : i32
    "tpu.region"() ({
      %run_scoped3A = tpu.sem_alloc : memref<!tpu.dma_semaphore, #tpu.memory_space<semaphore_mem>>
      %dma_start3A = arith.constant 0 : i32
      %dma_start3A_14 = tpu.memref_slice %arg7[%mul3A_0, %dma_start3A] : memref<50048x32xf32, #tpu.memory_space<vmem_shared>> -> memref<3128x32xf32, #tpu.memory_space<vmem_shared>>
      tpu.enqueue_dma source(%arg5 : memref<3128x32xf32, #tpu.memory_space<hbm>>) target(%dma_start3A_14 : memref<3128x32xf32, #tpu.memory_space<vmem_shared>>) target_semaphore(%run_scoped3A : memref<!tpu.dma_semaphore, #tpu.memory_space<semaphore_mem>>)
      %dma_wait3A = arith.constant 0 : i32
      %dma_wait3A_15 = tpu.memref_slice %arg7[%mul3A_0, %dma_wait3A] : memref<50048x32xf32, #tpu.memory_space<vmem_shared>> -> memref<3128x32xf32, #tpu.memory_space<vmem_shared>>
      tpu.wait_dma2 semaphore(%run_scoped3A : memref<!tpu.dma_semaphore, #tpu.memory_space<semaphore_mem>>) src(%arg5 : memref<3128x32xf32, #tpu.memory_space<hbm>>) dst(%dma_wait3A_15 : memref<3128x32xf32, #tpu.memory_space<vmem_shared>>)
      tpu.yield
    }) : () -> ()
    %barrier3A = arith.constant 0 : index
    tpu.barrier barrier_id(%barrier3A)
    %scan3A = arith.constant 0 : i32
    %scan3A_1 = arith.constant 0 : i32
    %scan3A_2 = arith.constant 10 : i32
    %scan3A_3 = arith.addi %scan3A_1, %scan3A_2 : i32
    %scan3A_4 = arith.constant 1 : i32
    %scan3A_5 = scf.for %scan3A_14 = %scan3A_1 to %scan3A_3 step %scan3A_4 iter_args(%scan3A_15 = %scan3A) -> (i32)  : i32 {
      %mul3A_16 = arith.constant 400 : i32
      %mul3A_17 = arith.muli %arg1, %mul3A_16 : i32
      %mul3A_18 = arith.constant 40 : i32
      %mul3A_19 = arith.muli %scan3A_14, %mul3A_18 : i32
      %add3A = arith.addi %mul3A_17, %mul3A_19 : i32
      %mul3A_20 = arith.constant 6400 : i32
      %mul3A_21 = arith.muli %arg0, %mul3A_20 : i32
      %add3A_22 = arith.addi %mul3A_21, %add3A : i32
      "tpu.region"() ({
        %run_scoped3A = tpu.sem_alloc : memref<!tpu.dma_semaphore, #tpu.memory_space<semaphore_mem>>
        %dma_start3A_61 = arith.constant 0 : i32
        %dma_start3A_62 = tpu.memref_slice %arg3[%add3A_22, %dma_start3A_61] : memref<12800x128xi32, #tpu.memory_space<hbm>> -> memref<40x128xi32, #tpu.memory_space<hbm>>
        %dma_start3A_63 = arith.constant 0 : i32
        %dma_start3A_64 = tpu.memref_slice %arg3[%add3A_22, %dma_start3A_63] : memref<12800x128xi32, #tpu.memory_space<hbm>> -> memref<40x128xi32, #tpu.memory_space<hbm>>
        tpu.enqueue_dma source(%dma_start3A_64 : memref<40x128xi32, #tpu.memory_space<hbm>>) target(%arg8 : memref<40x128xi32, #tpu.memory_space<vmem>>) target_semaphore(%run_scoped3A : memref<!tpu.dma_semaphore, #tpu.memory_space<semaphore_mem>>)
        %dma_wait3A_65 = arith.constant 0 : i32
        %dma_wait3A_66 = tpu.memref_slice %arg3[%add3A_22, %dma_wait3A_65] : memref<12800x128xi32, #tpu.memory_space<hbm>> -> memref<40x128xi32, #tpu.memory_space<hbm>>
        %dma_wait3A_67 = arith.constant 0 : i32
        %dma_wait3A_68 = tpu.memref_slice %arg3[%add3A_22, %dma_wait3A_67] : memref<12800x128xi32, #tpu.memory_space<hbm>> -> memref<40x128xi32, #tpu.memory_space<hbm>>
        tpu.wait_dma2 semaphore(%run_scoped3A : memref<!tpu.dma_semaphore, #tpu.memory_space<semaphore_mem>>) src(%dma_wait3A_68 : memref<40x128xi32, #tpu.memory_space<hbm>>) dst(%arg8 : memref<40x128xi32, #tpu.memory_space<vmem>>)
        tpu.yield
      }) : () -> ()
      "tpu.region"() ({
        %run_scoped3A = tpu.sem_alloc : memref<!tpu.dma_semaphore, #tpu.memory_space<semaphore_mem>>
        %dma_start3A_61 = arith.constant 0 : i32
        %dma_start3A_62 = tpu.memref_slice %arg4[%add3A, %dma_start3A_61] : memref<6400x128xi32, #tpu.memory_space<hbm>> -> memref<40x128xi32, #tpu.memory_space<hbm>>
        %dma_start3A_63 = arith.constant 0 : i32
        %dma_start3A_64 = tpu.memref_slice %arg4[%add3A, %dma_start3A_63] : memref<6400x128xi32, #tpu.memory_space<hbm>> -> memref<40x128xi32, #tpu.memory_space<hbm>>
        tpu.enqueue_dma source(%dma_start3A_64 : memref<40x128xi32, #tpu.memory_space<hbm>>) target(%arg9 : memref<40x128xi32, #tpu.memory_space<vmem>>) target_semaphore(%run_scoped3A : memref<!tpu.dma_semaphore, #tpu.memory_space<semaphore_mem>>)
        %dma_wait3A_65 = arith.constant 0 : i32
        %dma_wait3A_66 = tpu.memref_slice %arg4[%add3A, %dma_wait3A_65] : memref<6400x128xi32, #tpu.memory_space<hbm>> -> memref<40x128xi32, #tpu.memory_space<hbm>>
        %dma_wait3A_67 = arith.constant 0 : i32
        %dma_wait3A_68 = tpu.memref_slice %arg4[%add3A, %dma_wait3A_67] : memref<6400x128xi32, #tpu.memory_space<hbm>> -> memref<40x128xi32, #tpu.memory_space<hbm>>
        tpu.wait_dma2 semaphore(%run_scoped3A : memref<!tpu.dma_semaphore, #tpu.memory_space<semaphore_mem>>) src(%dma_wait3A_68 : memref<40x128xi32, #tpu.memory_space<hbm>>) dst(%arg9 : memref<40x128xi32, #tpu.memory_space<vmem>>)
        tpu.yield
      }) : () -> ()
      %dma_start3A = arith.constant 0 : i32
      %dma_start3A_23 = arith.constant 0 : i32
      %dma_start3A_24 = tpu.memref_slice %arg8[%dma_start3A, %dma_start3A_23] : memref<40x128xi32, #tpu.memory_space<vmem>> -> memref<1x128xi32, #tpu.memory_space<vmem>>
      %dma_start3A_25 = tpu.memref_squeeze %dma_start3A_24 : memref<1x128xi32, #tpu.memory_space<vmem>> -> memref<128xi32, #tpu.memory_space<vmem>>
      %dma_start3A_26 = arith.constant 0 : i32
      %dma_start3A_27 = arith.constant 0 : i32
      %dma_start3A_28 = tpu.memref_slice %arg2[%dma_start3A_26, %dma_start3A_27] : memref<100000x32xf32, #tpu.memory_space<hbm>> -> memref<100000x32xf32, #tpu.memory_space<hbm>>
      tpu.enqueue_indirect_dma source(%dma_start3A_28 : memref<100000x32xf32, #tpu.memory_space<hbm>>) target(%arg10 : memref<128x32xf32, #tpu.memory_space<vmem>>) offsets(%dma_start3A_25 : memref<128xi32, #tpu.memory_space<vmem>>) semaphore(%arg15 : memref<!tpu.dma_semaphore, #tpu.memory_space<semaphore_mem>>)
      %dma_start3A_29 = arith.constant 1 : i32
      %dma_start3A_30 = arith.constant 0 : i32
      %dma_start3A_31 = tpu.memref_slice %arg8[%dma_start3A_29, %dma_start3A_30] : memref<40x128xi32, #tpu.memory_space<vmem>> -> memref<1x128xi32, #tpu.memory_space<vmem>>
      %dma_start3A_32 = tpu.memref_squeeze %dma_start3A_31 : memref<1x128xi32, #tpu.memory_space<vmem>> -> memref<128xi32, #tpu.memory_space<vmem>>
      %dma_start3A_33 = arith.constant 0 : i32
      %dma_start3A_34 = arith.constant 0 : i32
      %dma_start3A_35 = tpu.memref_slice %arg2[%dma_start3A_33, %dma_start3A_34] : memref<100000x32xf32, #tpu.memory_space<hbm>> -> memref<100000x32xf32, #tpu.memory_space<hbm>>
      tpu.enqueue_indirect_dma source(%dma_start3A_35 : memref<100000x32xf32, #tpu.memory_space<hbm>>) target(%arg11 : memref<128x32xf32, #tpu.memory_space<vmem>>) offsets(%dma_start3A_32 : memref<128xi32, #tpu.memory_space<vmem>>) semaphore(%arg16 : memref<!tpu.dma_semaphore, #tpu.memory_space<semaphore_mem>>)
      %scan3A_36 = arith.constant 0 : i32
      %scan3A_37 = arith.constant 0 : i32
      %scan3A_38 = arith.constant 8 : i32
      %scan3A_39 = arith.addi %scan3A_37, %scan3A_38 : i32
      %scan3A_40 = arith.constant 1 : i32
      %scan3A_41 = scf.for %scan3A_61 = %scan3A_37 to %scan3A_39 step %scan3A_40 iter_args(%scan3A_62 = %scan3A_36) -> (i32)  : i32 {
        %mul3A_63 = arith.constant 5 : i32
        %mul3A_64 = arith.muli %scan3A_61, %mul3A_63 : i32
        %add3A_65 = arith.constant 0 : i32
        %add3A_66 = arith.addi %mul3A_64, %add3A_65 : i32
        %add3A_67 = arith.constant 2 : i32
        %add3A_68 = arith.addi %add3A_66, %add3A_67 : i32
        %ge3A = arith.constant 5 : i32
        %ge3A_69 = arith.cmpi sge, %add3A_68, %ge3A : i32
        %convert_element_type3A_70 = arith.extui %ge3A_69 : i1 to i32
        %cond3A_71 = arith.constant 0 : i32
        %cond3A_72 = arith.cmpi ne, %convert_element_type3A_70, %cond3A_71 : i32
        scf.if %cond3A_72 {
          %dma_wait3A_213 = arith.constant 0 : i32
          %dma_wait3A_214 = arith.constant 0 : i32
          %dma_wait3A_215 = tpu.memref_slice %arg7[%dma_wait3A_213, %dma_wait3A_214] : memref<50048x32xf32, #tpu.memory_space<vmem_shared>> -> memref<128x32xf32, #tpu.memory_space<vmem_shared>>
          %dma_wait3A_216 = arith.constant 0 : i32
          %dma_wait3A_217 = arith.constant 0 : i32
          %dma_wait3A_218 = tpu.memref_slice %arg7[%dma_wait3A_216, %dma_wait3A_217] : memref<50048x32xf32, #tpu.memory_space<vmem_shared>> -> memref<128x32xf32, #tpu.memory_space<vmem_shared>>
          tpu.wait_dma2 semaphore(%arg22 : memref<!tpu.dma_semaphore, #tpu.memory_space<semaphore_mem>>) src(%arg12 : memref<128x32xf32, #tpu.memory_space<vmem>>) dst(%dma_wait3A_218 : memref<128x32xf32, #tpu.memory_space<vmem_shared>>)
        } else {
        }
        %add3A_73 = arith.constant 2 : i32
        %add3A_74 = arith.addi %add3A_66, %add3A_73 : i32
        %lt3A_75 = arith.constant 40 : i32
        %lt3A_76 = arith.cmpi slt, %add3A_74, %lt3A_75 : i32
        %convert_element_type3A_77 = arith.extui %lt3A_76 : i1 to i32
        %cond3A_78 = arith.constant 0 : i32
        %cond3A_79 = arith.cmpi ne, %convert_element_type3A_77, %cond3A_78 : i32
        scf.if %cond3A_79 {
          %add3A_213 = arith.constant 2 : i32
          %add3A_214 = arith.addi %add3A_66, %add3A_213 : i32
          %dma_start3A_215 = arith.constant 0 : i32
          %dma_start3A_216 = tpu.memref_slice %arg8[%add3A_214, %dma_start3A_215] : memref<40x128xi32, #tpu.memory_space<vmem>> -> memref<1x128xi32, #tpu.memory_space<vmem>>
          %dma_start3A_217 = tpu.memref_squeeze %dma_start3A_216 : memref<1x128xi32, #tpu.memory_space<vmem>> -> memref<128xi32, #tpu.memory_space<vmem>>
          %dma_start3A_218 = arith.constant 0 : i32
          %dma_start3A_219 = arith.constant 0 : i32
          %dma_start3A_220 = tpu.memref_slice %arg2[%dma_start3A_218, %dma_start3A_219] : memref<100000x32xf32, #tpu.memory_space<hbm>> -> memref<100000x32xf32, #tpu.memory_space<hbm>>
          tpu.enqueue_indirect_dma source(%dma_start3A_220 : memref<100000x32xf32, #tpu.memory_space<hbm>>) target(%arg12 : memref<128x32xf32, #tpu.memory_space<vmem>>) offsets(%dma_start3A_217 : memref<128xi32, #tpu.memory_space<vmem>>) semaphore(%arg17 : memref<!tpu.dma_semaphore, #tpu.memory_space<semaphore_mem>>)
        } else {
        }
        %dma_wait3A_80 = arith.constant 0 : i32
        %dma_wait3A_81 = arith.constant 0 : i32
        %dma_wait3A_82 = tpu.memref_slice %arg2[%dma_wait3A_80, %dma_wait3A_81] : memref<100000x32xf32, #tpu.memory_space<hbm>> -> memref<128x32xf32, #tpu.memory_space<hbm>>
        %dma_wait3A_83 = arith.constant 0 : i32
        %dma_wait3A_84 = arith.constant 0 : i32
        %dma_wait3A_85 = tpu.memref_slice %arg2[%dma_wait3A_83, %dma_wait3A_84] : memref<100000x32xf32, #tpu.memory_space<hbm>> -> memref<128x32xf32, #tpu.memory_space<hbm>>
        tpu.wait_dma2 semaphore(%arg15 : memref<!tpu.dma_semaphore, #tpu.memory_space<semaphore_mem>>) src(%dma_wait3A_85 : memref<128x32xf32, #tpu.memory_space<hbm>>) dst(%arg10 : memref<128x32xf32, #tpu.memory_space<vmem>>)
        %dma_start3A_86 = arith.constant 0 : i32
        %dma_start3A_87 = tpu.memref_slice %arg9[%add3A_66, %dma_start3A_86] : memref<40x128xi32, #tpu.memory_space<vmem>> -> memref<1x128xi32, #tpu.memory_space<vmem>>
        %dma_start3A_88 = tpu.memref_squeeze %dma_start3A_87 : memref<1x128xi32, #tpu.memory_space<vmem>> -> memref<128xi32, #tpu.memory_space<vmem>>
        %dma_start3A_89 = arith.constant 0 : i32
        %dma_start3A_90 = arith.constant 0 : i32
        %dma_start3A_91 = tpu.memref_slice %arg7[%dma_start3A_89, %dma_start3A_90] : memref<50048x32xf32, #tpu.memory_space<vmem_shared>> -> memref<50048x32xf32, #tpu.memory_space<vmem_shared>>
        tpu.enqueue_indirect_dma source(%arg10 : memref<128x32xf32, #tpu.memory_space<vmem>>) target(%dma_start3A_91 : memref<50048x32xf32, #tpu.memory_space<vmem_shared>>) offsets(%dma_start3A_88 : memref<128xi32, #tpu.memory_space<vmem>>) semaphore(%arg20 : memref<!tpu.dma_semaphore, #tpu.memory_space<semaphore_mem>>) {add = true}
        %mul3A_92 = arith.constant 5 : i32
        %mul3A_93 = arith.muli %scan3A_61, %mul3A_92 : i32
        %add3A_94 = arith.constant 1 : i32
        %add3A_95 = arith.addi %mul3A_93, %add3A_94 : i32
        %add3A_96 = arith.constant 2 : i32
        %add3A_97 = arith.addi %add3A_95, %add3A_96 : i32
        %ge3A_98 = arith.constant 5 : i32
        %ge3A_99 = arith.cmpi sge, %add3A_97, %ge3A_98 : i32
        %convert_element_type3A_100 = arith.extui %ge3A_99 : i1 to i32
        %cond3A_101 = arith.constant 0 : i32
        %cond3A_102 = arith.cmpi ne, %convert_element_type3A_100, %cond3A_101 : i32
        scf.if %cond3A_102 {
          %dma_wait3A_213 = arith.constant 0 : i32
          %dma_wait3A_214 = arith.constant 0 : i32
          %dma_wait3A_215 = tpu.memref_slice %arg7[%dma_wait3A_213, %dma_wait3A_214] : memref<50048x32xf32, #tpu.memory_space<vmem_shared>> -> memref<128x32xf32, #tpu.memory_space<vmem_shared>>
          %dma_wait3A_216 = arith.constant 0 : i32
          %dma_wait3A_217 = arith.constant 0 : i32
          %dma_wait3A_218 = tpu.memref_slice %arg7[%dma_wait3A_216, %dma_wait3A_217] : memref<50048x32xf32, #tpu.memory_space<vmem_shared>> -> memref<128x32xf32, #tpu.memory_space<vmem_shared>>
          tpu.wait_dma2 semaphore(%arg23 : memref<!tpu.dma_semaphore, #tpu.memory_space<semaphore_mem>>) src(%arg13 : memref<128x32xf32, #tpu.memory_space<vmem>>) dst(%dma_wait3A_218 : memref<128x32xf32, #tpu.memory_space<vmem_shared>>)
        } else {
        }
        %add3A_103 = arith.constant 2 : i32
        %add3A_104 = arith.addi %add3A_95, %add3A_103 : i32
        %lt3A_105 = arith.constant 40 : i32
        %lt3A_106 = arith.cmpi slt, %add3A_104, %lt3A_105 : i32
        %convert_element_type3A_107 = arith.extui %lt3A_106 : i1 to i32
        %cond3A_108 = arith.constant 0 : i32
        %cond3A_109 = arith.cmpi ne, %convert_element_type3A_107, %cond3A_108 : i32
        scf.if %cond3A_109 {
          %add3A_213 = arith.constant 2 : i32
          %add3A_214 = arith.addi %add3A_95, %add3A_213 : i32
          %dma_start3A_215 = arith.constant 0 : i32
          %dma_start3A_216 = tpu.memref_slice %arg8[%add3A_214, %dma_start3A_215] : memref<40x128xi32, #tpu.memory_space<vmem>> -> memref<1x128xi32, #tpu.memory_space<vmem>>
          %dma_start3A_217 = tpu.memref_squeeze %dma_start3A_216 : memref<1x128xi32, #tpu.memory_space<vmem>> -> memref<128xi32, #tpu.memory_space<vmem>>
          %dma_start3A_218 = arith.constant 0 : i32
          %dma_start3A_219 = arith.constant 0 : i32
          %dma_start3A_220 = tpu.memref_slice %arg2[%dma_start3A_218, %dma_start3A_219] : memref<100000x32xf32, #tpu.memory_space<hbm>> -> memref<100000x32xf32, #tpu.memory_space<hbm>>
          tpu.enqueue_indirect_dma source(%dma_start3A_220 : memref<100000x32xf32, #tpu.memory_space<hbm>>) target(%arg13 : memref<128x32xf32, #tpu.memory_space<vmem>>) offsets(%dma_start3A_217 : memref<128xi32, #tpu.memory_space<vmem>>) semaphore(%arg18 : memref<!tpu.dma_semaphore, #tpu.memory_space<semaphore_mem>>)
        } else {
        }
        %dma_wait3A_110 = arith.constant 0 : i32
        %dma_wait3A_111 = arith.constant 0 : i32
        %dma_wait3A_112 = tpu.memref_slice %arg2[%dma_wait3A_110, %dma_wait3A_111] : memref<100000x32xf32, #tpu.memory_space<hbm>> -> memref<128x32xf32, #tpu.memory_space<hbm>>
        %dma_wait3A_113 = arith.constant 0 : i32
        %dma_wait3A_114 = arith.constant 0 : i32
        %dma_wait3A_115 = tpu.memref_slice %arg2[%dma_wait3A_113, %dma_wait3A_114] : memref<100000x32xf32, #tpu.memory_space<hbm>> -> memref<128x32xf32, #tpu.memory_space<hbm>>
        tpu.wait_dma2 semaphore(%arg16 : memref<!tpu.dma_semaphore, #tpu.memory_space<semaphore_mem>>) src(%dma_wait3A_115 : memref<128x32xf32, #tpu.memory_space<hbm>>) dst(%arg11 : memref<128x32xf32, #tpu.memory_space<vmem>>)
        %dma_start3A_116 = arith.constant 0 : i32
        %dma_start3A_117 = tpu.memref_slice %arg9[%add3A_95, %dma_start3A_116] : memref<40x128xi32, #tpu.memory_space<vmem>> -> memref<1x128xi32, #tpu.memory_space<vmem>>
        %dma_start3A_118 = tpu.memref_squeeze %dma_start3A_117 : memref<1x128xi32, #tpu.memory_space<vmem>> -> memref<128xi32, #tpu.memory_space<vmem>>
        %dma_start3A_119 = arith.constant 0 : i32
        %dma_start3A_120 = arith.constant 0 : i32
        %dma_start3A_121 = tpu.memref_slice %arg7[%dma_start3A_119, %dma_start3A_120] : memref<50048x32xf32, #tpu.memory_space<vmem_shared>> -> memref<50048x32xf32, #tpu.memory_space<vmem_shared>>
        tpu.enqueue_indirect_dma source(%arg11 : memref<128x32xf32, #tpu.memory_space<vmem>>) target(%dma_start3A_121 : memref<50048x32xf32, #tpu.memory_space<vmem_shared>>) offsets(%dma_start3A_118 : memref<128xi32, #tpu.memory_space<vmem>>) semaphore(%arg21 : memref<!tpu.dma_semaphore, #tpu.memory_space<semaphore_mem>>) {add = true}
        %mul3A_122 = arith.constant 5 : i32
        %mul3A_123 = arith.muli %scan3A_61, %mul3A_122 : i32
        %add3A_124 = arith.constant 2 : i32
        %add3A_125 = arith.addi %mul3A_123, %add3A_124 : i32
        %add3A_126 = arith.constant 2 : i32
        %add3A_127 = arith.addi %add3A_125, %add3A_126 : i32
        %ge3A_128 = arith.constant 5 : i32
        %ge3A_129 = arith.cmpi sge, %add3A_127, %ge3A_128 : i32
        %convert_element_type3A_130 = arith.extui %ge3A_129 : i1 to i32
        %cond3A_131 = arith.constant 0 : i32
        %cond3A_132 = arith.cmpi ne, %convert_element_type3A_130, %cond3A_131 : i32
        scf.if %cond3A_132 {
          %dma_wait3A_213 = arith.constant 0 : i32
          %dma_wait3A_214 = arith.constant 0 : i32
          %dma_wait3A_215 = tpu.memref_slice %arg7[%dma_wait3A_213, %dma_wait3A_214] : memref<50048x32xf32, #tpu.memory_space<vmem_shared>> -> memref<128x32xf32, #tpu.memory_space<vmem_shared>>
          %dma_wait3A_216 = arith.constant 0 : i32
          %dma_wait3A_217 = arith.constant 0 : i32
          %dma_wait3A_218 = tpu.memref_slice %arg7[%dma_wait3A_216, %dma_wait3A_217] : memref<50048x32xf32, #tpu.memory_space<vmem_shared>> -> memref<128x32xf32, #tpu.memory_space<vmem_shared>>
          tpu.wait_dma2 semaphore(%arg24 : memref<!tpu.dma_semaphore, #tpu.memory_space<semaphore_mem>>) src(%arg14 : memref<128x32xf32, #tpu.memory_space<vmem>>) dst(%dma_wait3A_218 : memref<128x32xf32, #tpu.memory_space<vmem_shared>>)
        } else {
        }
        %add3A_133 = arith.constant 2 : i32
        %add3A_134 = arith.addi %add3A_125, %add3A_133 : i32
        %lt3A_135 = arith.constant 40 : i32
        %lt3A_136 = arith.cmpi slt, %add3A_134, %lt3A_135 : i32
        %convert_element_type3A_137 = arith.extui %lt3A_136 : i1 to i32
        %cond3A_138 = arith.constant 0 : i32
        %cond3A_139 = arith.cmpi ne, %convert_element_type3A_137, %cond3A_138 : i32
        scf.if %cond3A_139 {
          %add3A_213 = arith.constant 2 : i32
          %add3A_214 = arith.addi %add3A_125, %add3A_213 : i32
          %dma_start3A_215 = arith.constant 0 : i32
          %dma_start3A_216 = tpu.memref_slice %arg8[%add3A_214, %dma_start3A_215] : memref<40x128xi32, #tpu.memory_space<vmem>> -> memref<1x128xi32, #tpu.memory_space<vmem>>
          %dma_start3A_217 = tpu.memref_squeeze %dma_start3A_216 : memref<1x128xi32, #tpu.memory_space<vmem>> -> memref<128xi32, #tpu.memory_space<vmem>>
          %dma_start3A_218 = arith.constant 0 : i32
          %dma_start3A_219 = arith.constant 0 : i32
          %dma_start3A_220 = tpu.memref_slice %arg2[%dma_start3A_218, %dma_start3A_219] : memref<100000x32xf32, #tpu.memory_space<hbm>> -> memref<100000x32xf32, #tpu.memory_space<hbm>>
          tpu.enqueue_indirect_dma source(%dma_start3A_220 : memref<100000x32xf32, #tpu.memory_space<hbm>>) target(%arg14 : memref<128x32xf32, #tpu.memory_space<vmem>>) offsets(%dma_start3A_217 : memref<128xi32, #tpu.memory_space<vmem>>) semaphore(%arg19 : memref<!tpu.dma_semaphore, #tpu.memory_space<semaphore_mem>>)
        } else {
        }
        %dma_wait3A_140 = arith.constant 0 : i32
        %dma_wait3A_141 = arith.constant 0 : i32
        %dma_wait3A_142 = tpu.memref_slice %arg2[%dma_wait3A_140, %dma_wait3A_141] : memref<100000x32xf32, #tpu.memory_space<hbm>> -> memref<128x32xf32, #tpu.memory_space<hbm>>
        %dma_wait3A_143 = arith.constant 0 : i32
        %dma_wait3A_144 = arith.constant 0 : i32
        %dma_wait3A_145 = tpu.memref_slice %arg2[%dma_wait3A_143, %dma_wait3A_144] : memref<100000x32xf32, #tpu.memory_space<hbm>> -> memref<128x32xf32, #tpu.memory_space<hbm>>
        tpu.wait_dma2 semaphore(%arg17 : memref<!tpu.dma_semaphore, #tpu.memory_space<semaphore_mem>>) src(%dma_wait3A_145 : memref<128x32xf32, #tpu.memory_space<hbm>>) dst(%arg12 : memref<128x32xf32, #tpu.memory_space<vmem>>)
        %dma_start3A_146 = arith.constant 0 : i32
        %dma_start3A_147 = tpu.memref_slice %arg9[%add3A_125, %dma_start3A_146] : memref<40x128xi32, #tpu.memory_space<vmem>> -> memref<1x128xi32, #tpu.memory_space<vmem>>
        %dma_start3A_148 = tpu.memref_squeeze %dma_start3A_147 : memref<1x128xi32, #tpu.memory_space<vmem>> -> memref<128xi32, #tpu.memory_space<vmem>>
        %dma_start3A_149 = arith.constant 0 : i32
        %dma_start3A_150 = arith.constant 0 : i32
        %dma_start3A_151 = tpu.memref_slice %arg7[%dma_start3A_149, %dma_start3A_150] : memref<50048x32xf32, #tpu.memory_space<vmem_shared>> -> memref<50048x32xf32, #tpu.memory_space<vmem_shared>>
        tpu.enqueue_indirect_dma source(%arg12 : memref<128x32xf32, #tpu.memory_space<vmem>>) target(%dma_start3A_151 : memref<50048x32xf32, #tpu.memory_space<vmem_shared>>) offsets(%dma_start3A_148 : memref<128xi32, #tpu.memory_space<vmem>>) semaphore(%arg22 : memref<!tpu.dma_semaphore, #tpu.memory_space<semaphore_mem>>) {add = true}
        %mul3A_152 = arith.constant 5 : i32
        %mul3A_153 = arith.muli %scan3A_61, %mul3A_152 : i32
        %add3A_154 = arith.constant 3 : i32
        %add3A_155 = arith.addi %mul3A_153, %add3A_154 : i32
        %add3A_156 = arith.constant 2 : i32
        %add3A_157 = arith.addi %add3A_155, %add3A_156 : i32
        %ge3A_158 = arith.constant 5 : i32
        %ge3A_159 = arith.cmpi sge, %add3A_157, %ge3A_158 : i32
        %convert_element_type3A_160 = arith.extui %ge3A_159 : i1 to i32
        %cond3A_161 = arith.constant 0 : i32
        %cond3A_162 = arith.cmpi ne, %convert_element_type3A_160, %cond3A_161 : i32
        scf.if %cond3A_162 {
          %dma_wait3A_213 = arith.constant 0 : i32
          %dma_wait3A_214 = arith.constant 0 : i32
          %dma_wait3A_215 = tpu.memref_slice %arg7[%dma_wait3A_213, %dma_wait3A_214] : memref<50048x32xf32, #tpu.memory_space<vmem_shared>> -> memref<128x32xf32, #tpu.memory_space<vmem_shared>>
          %dma_wait3A_216 = arith.constant 0 : i32
          %dma_wait3A_217 = arith.constant 0 : i32
          %dma_wait3A_218 = tpu.memref_slice %arg7[%dma_wait3A_216, %dma_wait3A_217] : memref<50048x32xf32, #tpu.memory_space<vmem_shared>> -> memref<128x32xf32, #tpu.memory_space<vmem_shared>>
          tpu.wait_dma2 semaphore(%arg20 : memref<!tpu.dma_semaphore, #tpu.memory_space<semaphore_mem>>) src(%arg10 : memref<128x32xf32, #tpu.memory_space<vmem>>) dst(%dma_wait3A_218 : memref<128x32xf32, #tpu.memory_space<vmem_shared>>)
        } else {
        }
        %add3A_163 = arith.constant 2 : i32
        %add3A_164 = arith.addi %add3A_155, %add3A_163 : i32
        %lt3A_165 = arith.constant 40 : i32
        %lt3A_166 = arith.cmpi slt, %add3A_164, %lt3A_165 : i32
        %convert_element_type3A_167 = arith.extui %lt3A_166 : i1 to i32
        %cond3A_168 = arith.constant 0 : i32
        %cond3A_169 = arith.cmpi ne, %convert_element_type3A_167, %cond3A_168 : i32
        scf.if %cond3A_169 {
          %add3A_213 = arith.constant 2 : i32
          %add3A_214 = arith.addi %add3A_155, %add3A_213 : i32
          %dma_start3A_215 = arith.constant 0 : i32
          %dma_start3A_216 = tpu.memref_slice %arg8[%add3A_214, %dma_start3A_215] : memref<40x128xi32, #tpu.memory_space<vmem>> -> memref<1x128xi32, #tpu.memory_space<vmem>>
          %dma_start3A_217 = tpu.memref_squeeze %dma_start3A_216 : memref<1x128xi32, #tpu.memory_space<vmem>> -> memref<128xi32, #tpu.memory_space<vmem>>
          %dma_start3A_218 = arith.constant 0 : i32
          %dma_start3A_219 = arith.constant 0 : i32
          %dma_start3A_220 = tpu.memref_slice %arg2[%dma_start3A_218, %dma_start3A_219] : memref<100000x32xf32, #tpu.memory_space<hbm>> -> memref<100000x32xf32, #tpu.memory_space<hbm>>
          tpu.enqueue_indirect_dma source(%dma_start3A_220 : memref<100000x32xf32, #tpu.memory_space<hbm>>) target(%arg10 : memref<128x32xf32, #tpu.memory_space<vmem>>) offsets(%dma_start3A_217 : memref<128xi32, #tpu.memory_space<vmem>>) semaphore(%arg15 : memref<!tpu.dma_semaphore, #tpu.memory_space<semaphore_mem>>)
        } else {
        }
        %dma_wait3A_170 = arith.constant 0 : i32
        %dma_wait3A_171 = arith.constant 0 : i32
        %dma_wait3A_172 = tpu.memref_slice %arg2[%dma_wait3A_170, %dma_wait3A_171] : memref<100000x32xf32, #tpu.memory_space<hbm>> -> memref<128x32xf32, #tpu.memory_space<hbm>>
        %dma_wait3A_173 = arith.constant 0 : i32
        %dma_wait3A_174 = arith.constant 0 : i32
        %dma_wait3A_175 = tpu.memref_slice %arg2[%dma_wait3A_173, %dma_wait3A_174] : memref<100000x32xf32, #tpu.memory_space<hbm>> -> memref<128x32xf32, #tpu.memory_space<hbm>>
        tpu.wait_dma2 semaphore(%arg18 : memref<!tpu.dma_semaphore, #tpu.memory_space<semaphore_mem>>) src(%dma_wait3A_175 : memref<128x32xf32, #tpu.memory_space<hbm>>) dst(%arg13 : memref<128x32xf32, #tpu.memory_space<vmem>>)
        %dma_start3A_176 = arith.constant 0 : i32
        %dma_start3A_177 = tpu.memref_slice %arg9[%add3A_155, %dma_start3A_176] : memref<40x128xi32, #tpu.memory_space<vmem>> -> memref<1x128xi32, #tpu.memory_space<vmem>>
        %dma_start3A_178 = tpu.memref_squeeze %dma_start3A_177 : memref<1x128xi32, #tpu.memory_space<vmem>> -> memref<128xi32, #tpu.memory_space<vmem>>
        %dma_start3A_179 = arith.constant 0 : i32
        %dma_start3A_180 = arith.constant 0 : i32
        %dma_start3A_181 = tpu.memref_slice %arg7[%dma_start3A_179, %dma_start3A_180] : memref<50048x32xf32, #tpu.memory_space<vmem_shared>> -> memref<50048x32xf32, #tpu.memory_space<vmem_shared>>
        tpu.enqueue_indirect_dma source(%arg13 : memref<128x32xf32, #tpu.memory_space<vmem>>) target(%dma_start3A_181 : memref<50048x32xf32, #tpu.memory_space<vmem_shared>>) offsets(%dma_start3A_178 : memref<128xi32, #tpu.memory_space<vmem>>) semaphore(%arg23 : memref<!tpu.dma_semaphore, #tpu.memory_space<semaphore_mem>>) {add = true}
        %mul3A_182 = arith.constant 5 : i32
        %mul3A_183 = arith.muli %scan3A_61, %mul3A_182 : i32
        %add3A_184 = arith.constant 4 : i32
        %add3A_185 = arith.addi %mul3A_183, %add3A_184 : i32
        %add3A_186 = arith.constant 2 : i32
        %add3A_187 = arith.addi %add3A_185, %add3A_186 : i32
        %ge3A_188 = arith.constant 5 : i32
        %ge3A_189 = arith.cmpi sge, %add3A_187, %ge3A_188 : i32
        %convert_element_type3A_190 = arith.extui %ge3A_189 : i1 to i32
        %cond3A_191 = arith.constant 0 : i32
        %cond3A_192 = arith.cmpi ne, %convert_element_type3A_190, %cond3A_191 : i32
        scf.if %cond3A_192 {
          %dma_wait3A_213 = arith.constant 0 : i32
          %dma_wait3A_214 = arith.constant 0 : i32
          %dma_wait3A_215 = tpu.memref_slice %arg7[%dma_wait3A_213, %dma_wait3A_214] : memref<50048x32xf32, #tpu.memory_space<vmem_shared>> -> memref<128x32xf32, #tpu.memory_space<vmem_shared>>
          %dma_wait3A_216 = arith.constant 0 : i32
          %dma_wait3A_217 = arith.constant 0 : i32
          %dma_wait3A_218 = tpu.memref_slice %arg7[%dma_wait3A_216, %dma_wait3A_217] : memref<50048x32xf32, #tpu.memory_space<vmem_shared>> -> memref<128x32xf32, #tpu.memory_space<vmem_shared>>
          tpu.wait_dma2 semaphore(%arg21 : memref<!tpu.dma_semaphore, #tpu.memory_space<semaphore_mem>>) src(%arg11 : memref<128x32xf32, #tpu.memory_space<vmem>>) dst(%dma_wait3A_218 : memref<128x32xf32, #tpu.memory_space<vmem_shared>>)
        } else {
        }
        %add3A_193 = arith.constant 2 : i32
        %add3A_194 = arith.addi %add3A_185, %add3A_193 : i32
        %lt3A_195 = arith.constant 40 : i32
        %lt3A_196 = arith.cmpi slt, %add3A_194, %lt3A_195 : i32
        %convert_element_type3A_197 = arith.extui %lt3A_196 : i1 to i32
        %cond3A_198 = arith.constant 0 : i32
        %cond3A_199 = arith.cmpi ne, %convert_element_type3A_197, %cond3A_198 : i32
        scf.if %cond3A_199 {
          %add3A_213 = arith.constant 2 : i32
          %add3A_214 = arith.addi %add3A_185, %add3A_213 : i32
          %dma_start3A_215 = arith.constant 0 : i32
          %dma_start3A_216 = tpu.memref_slice %arg8[%add3A_214, %dma_start3A_215] : memref<40x128xi32, #tpu.memory_space<vmem>> -> memref<1x128xi32, #tpu.memory_space<vmem>>
          %dma_start3A_217 = tpu.memref_squeeze %dma_start3A_216 : memref<1x128xi32, #tpu.memory_space<vmem>> -> memref<128xi32, #tpu.memory_space<vmem>>
          %dma_start3A_218 = arith.constant 0 : i32
          %dma_start3A_219 = arith.constant 0 : i32
          %dma_start3A_220 = tpu.memref_slice %arg2[%dma_start3A_218, %dma_start3A_219] : memref<100000x32xf32, #tpu.memory_space<hbm>> -> memref<100000x32xf32, #tpu.memory_space<hbm>>
          tpu.enqueue_indirect_dma source(%dma_start3A_220 : memref<100000x32xf32, #tpu.memory_space<hbm>>) target(%arg11 : memref<128x32xf32, #tpu.memory_space<vmem>>) offsets(%dma_start3A_217 : memref<128xi32, #tpu.memory_space<vmem>>) semaphore(%arg16 : memref<!tpu.dma_semaphore, #tpu.memory_space<semaphore_mem>>)
        } else {
        }
        %dma_wait3A_200 = arith.constant 0 : i32
        %dma_wait3A_201 = arith.constant 0 : i32
        %dma_wait3A_202 = tpu.memref_slice %arg2[%dma_wait3A_200, %dma_wait3A_201] : memref<100000x32xf32, #tpu.memory_space<hbm>> -> memref<128x32xf32, #tpu.memory_space<hbm>>
        %dma_wait3A_203 = arith.constant 0 : i32
        %dma_wait3A_204 = arith.constant 0 : i32
        %dma_wait3A_205 = tpu.memref_slice %arg2[%dma_wait3A_203, %dma_wait3A_204] : memref<100000x32xf32, #tpu.memory_space<hbm>> -> memref<128x32xf32, #tpu.memory_space<hbm>>
        tpu.wait_dma2 semaphore(%arg19 : memref<!tpu.dma_semaphore, #tpu.memory_space<semaphore_mem>>) src(%dma_wait3A_205 : memref<128x32xf32, #tpu.memory_space<hbm>>) dst(%arg14 : memref<128x32xf32, #tpu.memory_space<vmem>>)
        %dma_start3A_206 = arith.constant 0 : i32
        %dma_start3A_207 = tpu.memref_slice %arg9[%add3A_185, %dma_start3A_206] : memref<40x128xi32, #tpu.memory_space<vmem>> -> memref<1x128xi32, #tpu.memory_space<vmem>>
        %dma_start3A_208 = tpu.memref_squeeze %dma_start3A_207 : memref<1x128xi32, #tpu.memory_space<vmem>> -> memref<128xi32, #tpu.memory_space<vmem>>
        %dma_start3A_209 = arith.constant 0 : i32
        %dma_start3A_210 = arith.constant 0 : i32
        %dma_start3A_211 = tpu.memref_slice %arg7[%dma_start3A_209, %dma_start3A_210] : memref<50048x32xf32, #tpu.memory_space<vmem_shared>> -> memref<50048x32xf32, #tpu.memory_space<vmem_shared>>
        tpu.enqueue_indirect_dma source(%arg14 : memref<128x32xf32, #tpu.memory_space<vmem>>) target(%dma_start3A_211 : memref<50048x32xf32, #tpu.memory_space<vmem_shared>>) offsets(%dma_start3A_208 : memref<128xi32, #tpu.memory_space<vmem>>) semaphore(%arg24 : memref<!tpu.dma_semaphore, #tpu.memory_space<semaphore_mem>>) {add = true}
        %scan3A_212 = arith.constant 0 : i32
        scf.yield %scan3A_212 : i32
      }
      %scan3A_42 = arith.constant 8 : i32
      %dma_wait3A = arith.constant 0 : i32
      %dma_wait3A_43 = arith.constant 0 : i32
      %dma_wait3A_44 = tpu.memref_slice %arg7[%dma_wait3A, %dma_wait3A_43] : memref<50048x32xf32, #tpu.memory_space<vmem_shared>> -> memref<128x32xf32, #tpu.memory_space<vmem_shared>>
      %dma_wait3A_45 = arith.constant 0 : i32
      %dma_wait3A_46 = arith.constant 0 : i32
      %dma_wait3A_47 = tpu.memref_slice %arg7[%dma_wait3A_45, %dma_wait3A_46] : memref<50048x32xf32, #tpu.memory_space<vmem_shared>> -> memref<128x32xf32, #tpu.memory_space<vmem_shared>>
      tpu.wait_dma2 semaphore(%arg22 : memref<!tpu.dma_semaphore, #tpu.memory_space<semaphore_mem>>) src(%arg12 : memref<128x32xf32, #tpu.memory_space<vmem>>) dst(%dma_wait3A_47 : memref<128x32xf32, #tpu.memory_space<vmem_shared>>)
      %dma_wait3A_48 = arith.constant 0 : i32
      %dma_wait3A_49 = arith.constant 0 : i32
      %dma_wait3A_50 = tpu.memref_slice %arg7[%dma_wait3A_48, %dma_wait3A_49] : memref<50048x32xf32, #tpu.memory_space<vmem_shared>> -> memref<128x32xf32, #tpu.memory_space<vmem_shared>>
      %dma_wait3A_51 = arith.constant 0 : i32
      %dma_wait3A_52 = arith.constant 0 : i32
      %dma_wait3A_53 = tpu.memref_slice %arg7[%dma_wait3A_51, %dma_wait3A_52] : memref<50048x32xf32, #tpu.memory_space<vmem_shared>> -> memref<128x32xf32, #tpu.memory_space<vmem_shared>>
      tpu.wait_dma2 semaphore(%arg23 : memref<!tpu.dma_semaphore, #tpu.memory_space<semaphore_mem>>) src(%arg13 : memref<128x32xf32, #tpu.memory_space<vmem>>) dst(%dma_wait3A_53 : memref<128x32xf32, #tpu.memory_space<vmem_shared>>)
      %dma_wait3A_54 = arith.constant 0 : i32
      %dma_wait3A_55 = arith.constant 0 : i32
      %dma_wait3A_56 = tpu.memref_slice %arg7[%dma_wait3A_54, %dma_wait3A_55] : memref<50048x32xf32, #tpu.memory_space<vmem_shared>> -> memref<128x32xf32, #tpu.memory_space<vmem_shared>>
      %dma_wait3A_57 = arith.constant 0 : i32
      %dma_wait3A_58 = arith.constant 0 : i32
      %dma_wait3A_59 = tpu.memref_slice %arg7[%dma_wait3A_57, %dma_wait3A_58] : memref<50048x32xf32, #tpu.memory_space<vmem_shared>> -> memref<128x32xf32, #tpu.memory_space<vmem_shared>>
      tpu.wait_dma2 semaphore(%arg24 : memref<!tpu.dma_semaphore, #tpu.memory_space<semaphore_mem>>) src(%arg14 : memref<128x32xf32, #tpu.memory_space<vmem>>) dst(%dma_wait3A_59 : memref<128x32xf32, #tpu.memory_space<vmem_shared>>)
      %scan3A_60 = arith.constant 0 : i32
      scf.yield %scan3A_60 : i32
    }
    %scan3A_6 = arith.constant 10 : i32
    %barrier3A_7 = arith.constant 0 : index
    tpu.barrier barrier_id(%barrier3A_7)
    %lt3A = arith.constant 15 : i32
    %lt3A_8 = arith.cmpi slt, %arg1, %lt3A : i32
    %convert_element_type3A = arith.extui %lt3A_8 : i1 to i32
    %cond3A = arith.constant 0 : i32
    %cond3A_9 = arith.cmpi ne, %convert_element_type3A, %cond3A : i32
    scf.if %cond3A_9 {
      %mul3A_14 = arith.constant 3128 : i32
      %mul3A_15 = arith.muli %arg1, %mul3A_14 : i32
      %mul3A_16 = arith.constant 50000 : i32
      %mul3A_17 = arith.muli %arg0, %mul3A_16 : i32
      %mul3A_18 = arith.constant 3128 : i32
      %mul3A_19 = arith.muli %arg1, %mul3A_18 : i32
      %add3A = arith.addi %mul3A_17, %mul3A_19 : i32
      "tpu.region"() ({
        %run_scoped3A = tpu.sem_alloc : memref<!tpu.dma_semaphore, #tpu.memory_space<semaphore_mem>>
        %dma_start3A = arith.constant 0 : i32
        %dma_start3A_20 = tpu.memref_slice %arg6[%add3A, %dma_start3A] : memref<100000x32xf32, #tpu.memory_space<hbm>> -> memref<3128x32xf32, #tpu.memory_space<hbm>>
        %dma_start3A_21 = arith.constant 0 : i32
        %dma_start3A_22 = tpu.memref_slice %arg7[%mul3A_15, %dma_start3A_21] : memref<50048x32xf32, #tpu.memory_space<vmem_shared>> -> memref<3128x32xf32, #tpu.memory_space<vmem_shared>>
        tpu.enqueue_dma source(%dma_start3A_22 : memref<3128x32xf32, #tpu.memory_space<vmem_shared>>) target(%dma_start3A_20 : memref<3128x32xf32, #tpu.memory_space<hbm>>) target_semaphore(%run_scoped3A : memref<!tpu.dma_semaphore, #tpu.memory_space<semaphore_mem>>)
        %dma_wait3A = arith.constant 0 : i32
        %dma_wait3A_23 = tpu.memref_slice %arg6[%add3A, %dma_wait3A] : memref<100000x32xf32, #tpu.memory_space<hbm>> -> memref<3128x32xf32, #tpu.memory_space<hbm>>
        %dma_wait3A_24 = arith.constant 0 : i32
        %dma_wait3A_25 = tpu.memref_slice %arg7[%mul3A_15, %dma_wait3A_24] : memref<50048x32xf32, #tpu.memory_space<vmem_shared>> -> memref<3128x32xf32, #tpu.memory_space<vmem_shared>>
        tpu.wait_dma2 semaphore(%run_scoped3A : memref<!tpu.dma_semaphore, #tpu.memory_space<semaphore_mem>>) src(%dma_wait3A_25 : memref<3128x32xf32, #tpu.memory_space<vmem_shared>>) dst(%dma_wait3A_23 : memref<3128x32xf32, #tpu.memory_space<hbm>>)
        tpu.yield
      }) : () -> ()
    } else {
    }
    %eq3A = arith.constant 15 : i32
    %eq3A_10 = arith.cmpi eq, %arg1, %eq3A : i32
    %convert_element_type3A_11 = arith.extui %eq3A_10 : i1 to i32
    %cond3A_12 = arith.constant 0 : i32
    %cond3A_13 = arith.cmpi ne, %convert_element_type3A_11, %cond3A_12 : i32
    scf.if %cond3A_13 {
      %mul3A_14 = arith.constant 50000 : i32
      %mul3A_15 = arith.muli %arg0, %mul3A_14 : i32
      %add3A = arith.constant 46920 : i32
      %add3A_16 = arith.addi %mul3A_15, %add3A : i32
      "tpu.region"() ({
        %run_scoped3A = tpu.sem_alloc : memref<!tpu.dma_semaphore, #tpu.memory_space<semaphore_mem>>
        %dma_start3A = arith.constant 0 : i32
        %dma_start3A_17 = tpu.memref_slice %arg6[%add3A_16, %dma_start3A] : memref<100000x32xf32, #tpu.memory_space<hbm>> -> memref<3080x32xf32, #tpu.memory_space<hbm>>
        %dma_start3A_18 = arith.constant 46920 : i32
        %dma_start3A_19 = arith.constant 0 : i32
        %dma_start3A_20 = tpu.memref_slice %arg7[%dma_start3A_18, %dma_start3A_19] : memref<50048x32xf32, #tpu.memory_space<vmem_shared>> -> memref<3080x32xf32, #tpu.memory_space<vmem_shared>>
        tpu.enqueue_dma source(%dma_start3A_20 : memref<3080x32xf32, #tpu.memory_space<vmem_shared>>) target(%dma_start3A_17 : memref<3080x32xf32, #tpu.memory_space<hbm>>) target_semaphore(%run_scoped3A : memref<!tpu.dma_semaphore, #tpu.memory_space<semaphore_mem>>)
        %dma_wait3A = arith.constant 0 : i32
        %dma_wait3A_21 = tpu.memref_slice %arg6[%add3A_16, %dma_wait3A] : memref<100000x32xf32, #tpu.memory_space<hbm>> -> memref<3080x32xf32, #tpu.memory_space<hbm>>
        %dma_wait3A_22 = arith.constant 46920 : i32
        %dma_wait3A_23 = arith.constant 0 : i32
        %dma_wait3A_24 = tpu.memref_slice %arg7[%dma_wait3A_22, %dma_wait3A_23] : memref<50048x32xf32, #tpu.memory_space<vmem_shared>> -> memref<3080x32xf32, #tpu.memory_space<vmem_shared>>
        tpu.wait_dma2 semaphore(%run_scoped3A : memref<!tpu.dma_semaphore, #tpu.memory_space<semaphore_mem>>) src(%dma_wait3A_24 : memref<3080x32xf32, #tpu.memory_space<vmem_shared>>) dst(%dma_wait3A_21 : memref<3080x32xf32, #tpu.memory_space<hbm>>)
        tpu.yield
      }) : () -> ()
    } else {
    }
    return
  }
}

#map = affine_map<(d0, d1) -> (0, 0)>
module attributes {stable_mosaic.version = 14 : i64} {
  func.func @_sc_agg_body(%arg0: i32, %arg1: i32, %arg2: memref<100000x32xf32, #tpu.memory_space<hbm>>, %arg3: memref<12800x128xi32, #tpu.memory_space<hbm>>, %arg4: memref<6400x128xi32, #tpu.memory_space<hbm>>, %arg5: memref<3128x32xf32, #tpu.memory_space<hbm>>, %arg6: memref<100000x32xf32, #tpu.memory_space<hbm>>, %arg7: memref<50048x32xf32, #tpu.memory_space<vmem_shared>>, %arg8: memref<40x128xi32, #tpu.memory_space<vmem>>, %arg9: memref<40x128xi32, #tpu.memory_space<vmem>>, %arg10: memref<128x32xf32, #tpu.memory_space<vmem>>, %arg11: memref<128x32xf32, #tpu.memory_space<vmem>>, %arg12: memref<128x32xf32, #tpu.memory_space<vmem>>, %arg13: memref<128x32xf32, #tpu.memory_space<vmem>>, %arg14: memref<128x32xf32, #tpu.memory_space<vmem>>, %arg15: memref<!tpu.dma_semaphore, #tpu.memory_space<semaphore_mem>>, %arg16: memref<!tpu.dma_semaphore, #tpu.memory_space<semaphore_mem>>, %arg17: memref<!tpu.dma_semaphore, #tpu.memory_space<semaphore_mem>>, %arg18: memref<!tpu.dma_semaphore, #tpu.memory_space<semaphore_mem>>, %arg19: memref<!tpu.dma_semaphore, #tpu.memory_space<semaphore_mem>>, %arg20: memref<!tpu.dma_semaphore, #tpu.memory_space<semaphore_mem>>, %arg21: memref<!tpu.dma_semaphore, #tpu.memory_space<semaphore_mem>>, %arg22: memref<!tpu.dma_semaphore, #tpu.memory_space<semaphore_mem>>, %arg23: memref<!tpu.dma_semaphore, #tpu.memory_space<semaphore_mem>>, %arg24: memref<!tpu.dma_semaphore, #tpu.memory_space<semaphore_mem>>) attributes {dimension_semantics = [#tpu.dimension_semantics<core_parallel>, #tpu.dimension_semantics<subcore_parallel>], iteration_bounds = array<i64: 2, 16>, scalar_prefetch = 0 : i64, scratch_operands = 18 : i64, tpu.core_type = #tpu.core_type<sc_vector_subcore>, window_params = [{transform_indices = #map}, {transform_indices = #map}, {transform_indices = #map}, {transform_indices = #map}, {transform_indices = #map}]} {
    %mul3A = arith.constant 3128 : i32
    %mul3A_0 = arith.muli %arg1, %mul3A : i32
    "tpu.region"() ({
      %run_scoped3A = tpu.sem_alloc : memref<!tpu.dma_semaphore, #tpu.memory_space<semaphore_mem>>
      %dma_start3A = arith.constant 0 : i32
      %dma_start3A_14 = tpu.memref_slice %arg7[%mul3A_0, %dma_start3A] : memref<50048x32xf32, #tpu.memory_space<vmem_shared>> -> memref<3128x32xf32, #tpu.memory_space<vmem_shared>>
      tpu.enqueue_dma source(%arg5 : memref<3128x32xf32, #tpu.memory_space<hbm>>) target(%dma_start3A_14 : memref<3128x32xf32, #tpu.memory_space<vmem_shared>>) target_semaphore(%run_scoped3A : memref<!tpu.dma_semaphore, #tpu.memory_space<semaphore_mem>>)
      %dma_wait3A = arith.constant 0 : i32
      %dma_wait3A_15 = tpu.memref_slice %arg7[%mul3A_0, %dma_wait3A] : memref<50048x32xf32, #tpu.memory_space<vmem_shared>> -> memref<3128x32xf32, #tpu.memory_space<vmem_shared>>
      tpu.wait_dma2 semaphore(%run_scoped3A : memref<!tpu.dma_semaphore, #tpu.memory_space<semaphore_mem>>) src(%arg5 : memref<3128x32xf32, #tpu.memory_space<hbm>>) dst(%dma_wait3A_15 : memref<3128x32xf32, #tpu.memory_space<vmem_shared>>)
      tpu.yield
    }) : () -> ()
    %barrier3A = arith.constant 0 : index
    tpu.barrier barrier_id(%barrier3A)
    %scan3A = arith.constant 0 : i32
    %scan3A_1 = arith.constant 0 : i32
    %scan3A_2 = arith.constant 10 : i32
    %scan3A_3 = arith.addi %scan3A_1, %scan3A_2 : i32
    %scan3A_4 = arith.constant 1 : i32
    %scan3A_5 = scf.for %scan3A_14 = %scan3A_1 to %scan3A_3 step %scan3A_4 iter_args(%scan3A_15 = %scan3A) -> (i32)  : i32 {
      %mul3A_16 = arith.constant 400 : i32
      %mul3A_17 = arith.muli %arg1, %mul3A_16 : i32
      %mul3A_18 = arith.constant 40 : i32
      %mul3A_19 = arith.muli %scan3A_14, %mul3A_18 : i32
      %add3A = arith.addi %mul3A_17, %mul3A_19 : i32
      %mul3A_20 = arith.constant 6400 : i32
      %mul3A_21 = arith.muli %arg0, %mul3A_20 : i32
      %add3A_22 = arith.addi %mul3A_21, %add3A : i32
      "tpu.region"() ({
        %run_scoped3A = tpu.sem_alloc : memref<!tpu.dma_semaphore, #tpu.memory_space<semaphore_mem>>
        %dma_start3A_61 = arith.constant 0 : i32
        %dma_start3A_62 = tpu.memref_slice %arg3[%add3A_22, %dma_start3A_61] : memref<12800x128xi32, #tpu.memory_space<hbm>> -> memref<40x128xi32, #tpu.memory_space<hbm>>
        %dma_start3A_63 = arith.constant 0 : i32
        %dma_start3A_64 = tpu.memref_slice %arg3[%add3A_22, %dma_start3A_63] : memref<12800x128xi32, #tpu.memory_space<hbm>> -> memref<40x128xi32, #tpu.memory_space<hbm>>
        tpu.enqueue_dma source(%dma_start3A_64 : memref<40x128xi32, #tpu.memory_space<hbm>>) target(%arg8 : memref<40x128xi32, #tpu.memory_space<vmem>>) target_semaphore(%run_scoped3A : memref<!tpu.dma_semaphore, #tpu.memory_space<semaphore_mem>>)
        %dma_wait3A_65 = arith.constant 0 : i32
        %dma_wait3A_66 = tpu.memref_slice %arg3[%add3A_22, %dma_wait3A_65] : memref<12800x128xi32, #tpu.memory_space<hbm>> -> memref<40x128xi32, #tpu.memory_space<hbm>>
        %dma_wait3A_67 = arith.constant 0 : i32
        %dma_wait3A_68 = tpu.memref_slice %arg3[%add3A_22, %dma_wait3A_67] : memref<12800x128xi32, #tpu.memory_space<hbm>> -> memref<40x128xi32, #tpu.memory_space<hbm>>
        tpu.wait_dma2 semaphore(%run_scoped3A : memref<!tpu.dma_semaphore, #tpu.memory_space<semaphore_mem>>) src(%dma_wait3A_68 : memref<40x128xi32, #tpu.memory_space<hbm>>) dst(%arg8 : memref<40x128xi32, #tpu.memory_space<vmem>>)
        tpu.yield
      }) : () -> ()
      "tpu.region"() ({
        %run_scoped3A = tpu.sem_alloc : memref<!tpu.dma_semaphore, #tpu.memory_space<semaphore_mem>>
        %dma_start3A_61 = arith.constant 0 : i32
        %dma_start3A_62 = tpu.memref_slice %arg4[%add3A, %dma_start3A_61] : memref<6400x128xi32, #tpu.memory_space<hbm>> -> memref<40x128xi32, #tpu.memory_space<hbm>>
        %dma_start3A_63 = arith.constant 0 : i32
        %dma_start3A_64 = tpu.memref_slice %arg4[%add3A, %dma_start3A_63] : memref<6400x128xi32, #tpu.memory_space<hbm>> -> memref<40x128xi32, #tpu.memory_space<hbm>>
        tpu.enqueue_dma source(%dma_start3A_64 : memref<40x128xi32, #tpu.memory_space<hbm>>) target(%arg9 : memref<40x128xi32, #tpu.memory_space<vmem>>) target_semaphore(%run_scoped3A : memref<!tpu.dma_semaphore, #tpu.memory_space<semaphore_mem>>)
        %dma_wait3A_65 = arith.constant 0 : i32
        %dma_wait3A_66 = tpu.memref_slice %arg4[%add3A, %dma_wait3A_65] : memref<6400x128xi32, #tpu.memory_space<hbm>> -> memref<40x128xi32, #tpu.memory_space<hbm>>
        %dma_wait3A_67 = arith.constant 0 : i32
        %dma_wait3A_68 = tpu.memref_slice %arg4[%add3A, %dma_wait3A_67] : memref<6400x128xi32, #tpu.memory_space<hbm>> -> memref<40x128xi32, #tpu.memory_space<hbm>>
        tpu.wait_dma2 semaphore(%run_scoped3A : memref<!tpu.dma_semaphore, #tpu.memory_space<semaphore_mem>>) src(%dma_wait3A_68 : memref<40x128xi32, #tpu.memory_space<hbm>>) dst(%arg9 : memref<40x128xi32, #tpu.memory_space<vmem>>)
        tpu.yield
      }) : () -> ()
      %dma_start3A = arith.constant 0 : i32
      %dma_start3A_23 = arith.constant 0 : i32
      %dma_start3A_24 = tpu.memref_slice %arg8[%dma_start3A, %dma_start3A_23] : memref<40x128xi32, #tpu.memory_space<vmem>> -> memref<1x128xi32, #tpu.memory_space<vmem>>
      %dma_start3A_25 = tpu.memref_squeeze %dma_start3A_24 : memref<1x128xi32, #tpu.memory_space<vmem>> -> memref<128xi32, #tpu.memory_space<vmem>>
      %dma_start3A_26 = arith.constant 0 : i32
      %dma_start3A_27 = arith.constant 0 : i32
      %dma_start3A_28 = tpu.memref_slice %arg2[%dma_start3A_26, %dma_start3A_27] : memref<100000x32xf32, #tpu.memory_space<hbm>> -> memref<100000x32xf32, #tpu.memory_space<hbm>>
      tpu.enqueue_indirect_dma source(%dma_start3A_28 : memref<100000x32xf32, #tpu.memory_space<hbm>>) target(%arg10 : memref<128x32xf32, #tpu.memory_space<vmem>>) offsets(%dma_start3A_25 : memref<128xi32, #tpu.memory_space<vmem>>) semaphore(%arg15 : memref<!tpu.dma_semaphore, #tpu.memory_space<semaphore_mem>>)
      %dma_start3A_29 = arith.constant 1 : i32
      %dma_start3A_30 = arith.constant 0 : i32
      %dma_start3A_31 = tpu.memref_slice %arg8[%dma_start3A_29, %dma_start3A_30] : memref<40x128xi32, #tpu.memory_space<vmem>> -> memref<1x128xi32, #tpu.memory_space<vmem>>
      %dma_start3A_32 = tpu.memref_squeeze %dma_start3A_31 : memref<1x128xi32, #tpu.memory_space<vmem>> -> memref<128xi32, #tpu.memory_space<vmem>>
      %dma_start3A_33 = arith.constant 0 : i32
      %dma_start3A_34 = arith.constant 0 : i32
      %dma_start3A_35 = tpu.memref_slice %arg2[%dma_start3A_33, %dma_start3A_34] : memref<100000x32xf32, #tpu.memory_space<hbm>> -> memref<100000x32xf32, #tpu.memory_space<hbm>>
      tpu.enqueue_indirect_dma source(%dma_start3A_35 : memref<100000x32xf32, #tpu.memory_space<hbm>>) target(%arg11 : memref<128x32xf32, #tpu.memory_space<vmem>>) offsets(%dma_start3A_32 : memref<128xi32, #tpu.memory_space<vmem>>) semaphore(%arg16 : memref<!tpu.dma_semaphore, #tpu.memory_space<semaphore_mem>>)
      %scan3A_36 = arith.constant 0 : i32
      %scan3A_37 = arith.constant 0 : i32
      %scan3A_38 = arith.constant 8 : i32
      %scan3A_39 = arith.addi %scan3A_37, %scan3A_38 : i32
      %scan3A_40 = arith.constant 1 : i32
      %scan3A_41 = scf.for %scan3A_61 = %scan3A_37 to %scan3A_39 step %scan3A_40 iter_args(%scan3A_62 = %scan3A_36) -> (i32)  : i32 {
        %mul3A_63 = arith.constant 5 : i32
        %mul3A_64 = arith.muli %scan3A_61, %mul3A_63 : i32
        %add3A_65 = arith.constant 0 : i32
        %add3A_66 = arith.addi %mul3A_64, %add3A_65 : i32
        %add3A_67 = arith.constant 2 : i32
        %add3A_68 = arith.addi %add3A_66, %add3A_67 : i32
        %ge3A = arith.constant 5 : i32
        %ge3A_69 = arith.cmpi sge, %add3A_68, %ge3A : i32
        %convert_element_type3A_70 = arith.extui %ge3A_69 : i1 to i32
        %cond3A_71 = arith.constant 0 : i32
        %cond3A_72 = arith.cmpi ne, %convert_element_type3A_70, %cond3A_71 : i32
        scf.if %cond3A_72 {
          %dma_wait3A_213 = arith.constant 0 : i32
          %dma_wait3A_214 = arith.constant 0 : i32
          %dma_wait3A_215 = tpu.memref_slice %arg7[%dma_wait3A_213, %dma_wait3A_214] : memref<50048x32xf32, #tpu.memory_space<vmem_shared>> -> memref<128x32xf32, #tpu.memory_space<vmem_shared>>
          %dma_wait3A_216 = arith.constant 0 : i32
          %dma_wait3A_217 = arith.constant 0 : i32
          %dma_wait3A_218 = tpu.memref_slice %arg7[%dma_wait3A_216, %dma_wait3A_217] : memref<50048x32xf32, #tpu.memory_space<vmem_shared>> -> memref<128x32xf32, #tpu.memory_space<vmem_shared>>
          tpu.wait_dma2 semaphore(%arg22 : memref<!tpu.dma_semaphore, #tpu.memory_space<semaphore_mem>>) src(%arg12 : memref<128x32xf32, #tpu.memory_space<vmem>>) dst(%dma_wait3A_218 : memref<128x32xf32, #tpu.memory_space<vmem_shared>>)
        } else {
        }
        %add3A_73 = arith.constant 2 : i32
        %add3A_74 = arith.addi %add3A_66, %add3A_73 : i32
        %lt3A_75 = arith.constant 40 : i32
        %lt3A_76 = arith.cmpi slt, %add3A_74, %lt3A_75 : i32
        %convert_element_type3A_77 = arith.extui %lt3A_76 : i1 to i32
        %cond3A_78 = arith.constant 0 : i32
        %cond3A_79 = arith.cmpi ne, %convert_element_type3A_77, %cond3A_78 : i32
        scf.if %cond3A_79 {
          %add3A_213 = arith.constant 2 : i32
          %add3A_214 = arith.addi %add3A_66, %add3A_213 : i32
          %dma_start3A_215 = arith.constant 0 : i32
          %dma_start3A_216 = tpu.memref_slice %arg8[%add3A_214, %dma_start3A_215] : memref<40x128xi32, #tpu.memory_space<vmem>> -> memref<1x128xi32, #tpu.memory_space<vmem>>
          %dma_start3A_217 = tpu.memref_squeeze %dma_start3A_216 : memref<1x128xi32, #tpu.memory_space<vmem>> -> memref<128xi32, #tpu.memory_space<vmem>>
          %dma_start3A_218 = arith.constant 0 : i32
          %dma_start3A_219 = arith.constant 0 : i32
          %dma_start3A_220 = tpu.memref_slice %arg2[%dma_start3A_218, %dma_start3A_219] : memref<100000x32xf32, #tpu.memory_space<hbm>> -> memref<100000x32xf32, #tpu.memory_space<hbm>>
          tpu.enqueue_indirect_dma source(%dma_start3A_220 : memref<100000x32xf32, #tpu.memory_space<hbm>>) target(%arg12 : memref<128x32xf32, #tpu.memory_space<vmem>>) offsets(%dma_start3A_217 : memref<128xi32, #tpu.memory_space<vmem>>) semaphore(%arg17 : memref<!tpu.dma_semaphore, #tpu.memory_space<semaphore_mem>>)
        } else {
        }
        %dma_wait3A_80 = arith.constant 0 : i32
        %dma_wait3A_81 = arith.constant 0 : i32
        %dma_wait3A_82 = tpu.memref_slice %arg2[%dma_wait3A_80, %dma_wait3A_81] : memref<100000x32xf32, #tpu.memory_space<hbm>> -> memref<128x32xf32, #tpu.memory_space<hbm>>
        %dma_wait3A_83 = arith.constant 0 : i32
        %dma_wait3A_84 = arith.constant 0 : i32
        %dma_wait3A_85 = tpu.memref_slice %arg2[%dma_wait3A_83, %dma_wait3A_84] : memref<100000x32xf32, #tpu.memory_space<hbm>> -> memref<128x32xf32, #tpu.memory_space<hbm>>
        tpu.wait_dma2 semaphore(%arg15 : memref<!tpu.dma_semaphore, #tpu.memory_space<semaphore_mem>>) src(%dma_wait3A_85 : memref<128x32xf32, #tpu.memory_space<hbm>>) dst(%arg10 : memref<128x32xf32, #tpu.memory_space<vmem>>)
        %dma_start3A_86 = arith.constant 0 : i32
        %dma_start3A_87 = tpu.memref_slice %arg9[%add3A_66, %dma_start3A_86] : memref<40x128xi32, #tpu.memory_space<vmem>> -> memref<1x128xi32, #tpu.memory_space<vmem>>
        %dma_start3A_88 = tpu.memref_squeeze %dma_start3A_87 : memref<1x128xi32, #tpu.memory_space<vmem>> -> memref<128xi32, #tpu.memory_space<vmem>>
        %dma_start3A_89 = arith.constant 0 : i32
        %dma_start3A_90 = arith.constant 0 : i32
        %dma_start3A_91 = tpu.memref_slice %arg7[%dma_start3A_89, %dma_start3A_90] : memref<50048x32xf32, #tpu.memory_space<vmem_shared>> -> memref<50048x32xf32, #tpu.memory_space<vmem_shared>>
        tpu.enqueue_indirect_dma source(%arg10 : memref<128x32xf32, #tpu.memory_space<vmem>>) target(%dma_start3A_91 : memref<50048x32xf32, #tpu.memory_space<vmem_shared>>) offsets(%dma_start3A_88 : memref<128xi32, #tpu.memory_space<vmem>>) semaphore(%arg20 : memref<!tpu.dma_semaphore, #tpu.memory_space<semaphore_mem>>) {add = true}
        %mul3A_92 = arith.constant 5 : i32
        %mul3A_93 = arith.muli %scan3A_61, %mul3A_92 : i32
        %add3A_94 = arith.constant 1 : i32
        %add3A_95 = arith.addi %mul3A_93, %add3A_94 : i32
        %add3A_96 = arith.constant 2 : i32
        %add3A_97 = arith.addi %add3A_95, %add3A_96 : i32
        %ge3A_98 = arith.constant 5 : i32
        %ge3A_99 = arith.cmpi sge, %add3A_97, %ge3A_98 : i32
        %convert_element_type3A_100 = arith.extui %ge3A_99 : i1 to i32
        %cond3A_101 = arith.constant 0 : i32
        %cond3A_102 = arith.cmpi ne, %convert_element_type3A_100, %cond3A_101 : i32
        scf.if %cond3A_102 {
          %dma_wait3A_213 = arith.constant 0 : i32
          %dma_wait3A_214 = arith.constant 0 : i32
          %dma_wait3A_215 = tpu.memref_slice %arg7[%dma_wait3A_213, %dma_wait3A_214] : memref<50048x32xf32, #tpu.memory_space<vmem_shared>> -> memref<128x32xf32, #tpu.memory_space<vmem_shared>>
          %dma_wait3A_216 = arith.constant 0 : i32
          %dma_wait3A_217 = arith.constant 0 : i32
          %dma_wait3A_218 = tpu.memref_slice %arg7[%dma_wait3A_216, %dma_wait3A_217] : memref<50048x32xf32, #tpu.memory_space<vmem_shared>> -> memref<128x32xf32, #tpu.memory_space<vmem_shared>>
          tpu.wait_dma2 semaphore(%arg23 : memref<!tpu.dma_semaphore, #tpu.memory_space<semaphore_mem>>) src(%arg13 : memref<128x32xf32, #tpu.memory_space<vmem>>) dst(%dma_wait3A_218 : memref<128x32xf32, #tpu.memory_space<vmem_shared>>)
        } else {
        }
        %add3A_103 = arith.constant 2 : i32
        %add3A_104 = arith.addi %add3A_95, %add3A_103 : i32
        %lt3A_105 = arith.constant 40 : i32
        %lt3A_106 = arith.cmpi slt, %add3A_104, %lt3A_105 : i32
        %convert_element_type3A_107 = arith.extui %lt3A_106 : i1 to i32
        %cond3A_108 = arith.constant 0 : i32
        %cond3A_109 = arith.cmpi ne, %convert_element_type3A_107, %cond3A_108 : i32
        scf.if %cond3A_109 {
          %add3A_213 = arith.constant 2 : i32
          %add3A_214 = arith.addi %add3A_95, %add3A_213 : i32
          %dma_start3A_215 = arith.constant 0 : i32
          %dma_start3A_216 = tpu.memref_slice %arg8[%add3A_214, %dma_start3A_215] : memref<40x128xi32, #tpu.memory_space<vmem>> -> memref<1x128xi32, #tpu.memory_space<vmem>>
          %dma_start3A_217 = tpu.memref_squeeze %dma_start3A_216 : memref<1x128xi32, #tpu.memory_space<vmem>> -> memref<128xi32, #tpu.memory_space<vmem>>
          %dma_start3A_218 = arith.constant 0 : i32
          %dma_start3A_219 = arith.constant 0 : i32
          %dma_start3A_220 = tpu.memref_slice %arg2[%dma_start3A_218, %dma_start3A_219] : memref<100000x32xf32, #tpu.memory_space<hbm>> -> memref<100000x32xf32, #tpu.memory_space<hbm>>
          tpu.enqueue_indirect_dma source(%dma_start3A_220 : memref<100000x32xf32, #tpu.memory_space<hbm>>) target(%arg13 : memref<128x32xf32, #tpu.memory_space<vmem>>) offsets(%dma_start3A_217 : memref<128xi32, #tpu.memory_space<vmem>>) semaphore(%arg18 : memref<!tpu.dma_semaphore, #tpu.memory_space<semaphore_mem>>)
        } else {
        }
        %dma_wait3A_110 = arith.constant 0 : i32
        %dma_wait3A_111 = arith.constant 0 : i32
        %dma_wait3A_112 = tpu.memref_slice %arg2[%dma_wait3A_110, %dma_wait3A_111] : memref<100000x32xf32, #tpu.memory_space<hbm>> -> memref<128x32xf32, #tpu.memory_space<hbm>>
        %dma_wait3A_113 = arith.constant 0 : i32
        %dma_wait3A_114 = arith.constant 0 : i32
        %dma_wait3A_115 = tpu.memref_slice %arg2[%dma_wait3A_113, %dma_wait3A_114] : memref<100000x32xf32, #tpu.memory_space<hbm>> -> memref<128x32xf32, #tpu.memory_space<hbm>>
        tpu.wait_dma2 semaphore(%arg16 : memref<!tpu.dma_semaphore, #tpu.memory_space<semaphore_mem>>) src(%dma_wait3A_115 : memref<128x32xf32, #tpu.memory_space<hbm>>) dst(%arg11 : memref<128x32xf32, #tpu.memory_space<vmem>>)
        %dma_start3A_116 = arith.constant 0 : i32
        %dma_start3A_117 = tpu.memref_slice %arg9[%add3A_95, %dma_start3A_116] : memref<40x128xi32, #tpu.memory_space<vmem>> -> memref<1x128xi32, #tpu.memory_space<vmem>>
        %dma_start3A_118 = tpu.memref_squeeze %dma_start3A_117 : memref<1x128xi32, #tpu.memory_space<vmem>> -> memref<128xi32, #tpu.memory_space<vmem>>
        %dma_start3A_119 = arith.constant 0 : i32
        %dma_start3A_120 = arith.constant 0 : i32
        %dma_start3A_121 = tpu.memref_slice %arg7[%dma_start3A_119, %dma_start3A_120] : memref<50048x32xf32, #tpu.memory_space<vmem_shared>> -> memref<50048x32xf32, #tpu.memory_space<vmem_shared>>
        tpu.enqueue_indirect_dma source(%arg11 : memref<128x32xf32, #tpu.memory_space<vmem>>) target(%dma_start3A_121 : memref<50048x32xf32, #tpu.memory_space<vmem_shared>>) offsets(%dma_start3A_118 : memref<128xi32, #tpu.memory_space<vmem>>) semaphore(%arg21 : memref<!tpu.dma_semaphore, #tpu.memory_space<semaphore_mem>>) {add = true}
        %mul3A_122 = arith.constant 5 : i32
        %mul3A_123 = arith.muli %scan3A_61, %mul3A_122 : i32
        %add3A_124 = arith.constant 2 : i32
        %add3A_125 = arith.addi %mul3A_123, %add3A_124 : i32
        %add3A_126 = arith.constant 2 : i32
        %add3A_127 = arith.addi %add3A_125, %add3A_126 : i32
        %ge3A_128 = arith.constant 5 : i32
        %ge3A_129 = arith.cmpi sge, %add3A_127, %ge3A_128 : i32
        %convert_element_type3A_130 = arith.extui %ge3A_129 : i1 to i32
        %cond3A_131 = arith.constant 0 : i32
        %cond3A_132 = arith.cmpi ne, %convert_element_type3A_130, %cond3A_131 : i32
        scf.if %cond3A_132 {
          %dma_wait3A_213 = arith.constant 0 : i32
          %dma_wait3A_214 = arith.constant 0 : i32
          %dma_wait3A_215 = tpu.memref_slice %arg7[%dma_wait3A_213, %dma_wait3A_214] : memref<50048x32xf32, #tpu.memory_space<vmem_shared>> -> memref<128x32xf32, #tpu.memory_space<vmem_shared>>
          %dma_wait3A_216 = arith.constant 0 : i32
          %dma_wait3A_217 = arith.constant 0 : i32
          %dma_wait3A_218 = tpu.memref_slice %arg7[%dma_wait3A_216, %dma_wait3A_217] : memref<50048x32xf32, #tpu.memory_space<vmem_shared>> -> memref<128x32xf32, #tpu.memory_space<vmem_shared>>
          tpu.wait_dma2 semaphore(%arg24 : memref<!tpu.dma_semaphore, #tpu.memory_space<semaphore_mem>>) src(%arg14 : memref<128x32xf32, #tpu.memory_space<vmem>>) dst(%dma_wait3A_218 : memref<128x32xf32, #tpu.memory_space<vmem_shared>>)
        } else {
        }
        %add3A_133 = arith.constant 2 : i32
        %add3A_134 = arith.addi %add3A_125, %add3A_133 : i32
        %lt3A_135 = arith.constant 40 : i32
        %lt3A_136 = arith.cmpi slt, %add3A_134, %lt3A_135 : i32
        %convert_element_type3A_137 = arith.extui %lt3A_136 : i1 to i32
        %cond3A_138 = arith.constant 0 : i32
        %cond3A_139 = arith.cmpi ne, %convert_element_type3A_137, %cond3A_138 : i32
        scf.if %cond3A_139 {
          %add3A_213 = arith.constant 2 : i32
          %add3A_214 = arith.addi %add3A_125, %add3A_213 : i32
          %dma_start3A_215 = arith.constant 0 : i32
          %dma_start3A_216 = tpu.memref_slice %arg8[%add3A_214, %dma_start3A_215] : memref<40x128xi32, #tpu.memory_space<vmem>> -> memref<1x128xi32, #tpu.memory_space<vmem>>
          %dma_start3A_217 = tpu.memref_squeeze %dma_start3A_216 : memref<1x128xi32, #tpu.memory_space<vmem>> -> memref<128xi32, #tpu.memory_space<vmem>>
          %dma_start3A_218 = arith.constant 0 : i32
          %dma_start3A_219 = arith.constant 0 : i32
          %dma_start3A_220 = tpu.memref_slice %arg2[%dma_start3A_218, %dma_start3A_219] : memref<100000x32xf32, #tpu.memory_space<hbm>> -> memref<100000x32xf32, #tpu.memory_space<hbm>>
          tpu.enqueue_indirect_dma source(%dma_start3A_220 : memref<100000x32xf32, #tpu.memory_space<hbm>>) target(%arg14 : memref<128x32xf32, #tpu.memory_space<vmem>>) offsets(%dma_start3A_217 : memref<128xi32, #tpu.memory_space<vmem>>) semaphore(%arg19 : memref<!tpu.dma_semaphore, #tpu.memory_space<semaphore_mem>>)
        } else {
        }
        %dma_wait3A_140 = arith.constant 0 : i32
        %dma_wait3A_141 = arith.constant 0 : i32
        %dma_wait3A_142 = tpu.memref_slice %arg2[%dma_wait3A_140, %dma_wait3A_141] : memref<100000x32xf32, #tpu.memory_space<hbm>> -> memref<128x32xf32, #tpu.memory_space<hbm>>
        %dma_wait3A_143 = arith.constant 0 : i32
        %dma_wait3A_144 = arith.constant 0 : i32
        %dma_wait3A_145 = tpu.memref_slice %arg2[%dma_wait3A_143, %dma_wait3A_144] : memref<100000x32xf32, #tpu.memory_space<hbm>> -> memref<128x32xf32, #tpu.memory_space<hbm>>
        tpu.wait_dma2 semaphore(%arg17 : memref<!tpu.dma_semaphore, #tpu.memory_space<semaphore_mem>>) src(%dma_wait3A_145 : memref<128x32xf32, #tpu.memory_space<hbm>>) dst(%arg12 : memref<128x32xf32, #tpu.memory_space<vmem>>)
        %dma_start3A_146 = arith.constant 0 : i32
        %dma_start3A_147 = tpu.memref_slice %arg9[%add3A_125, %dma_start3A_146] : memref<40x128xi32, #tpu.memory_space<vmem>> -> memref<1x128xi32, #tpu.memory_space<vmem>>
        %dma_start3A_148 = tpu.memref_squeeze %dma_start3A_147 : memref<1x128xi32, #tpu.memory_space<vmem>> -> memref<128xi32, #tpu.memory_space<vmem>>
        %dma_start3A_149 = arith.constant 0 : i32
        %dma_start3A_150 = arith.constant 0 : i32
        %dma_start3A_151 = tpu.memref_slice %arg7[%dma_start3A_149, %dma_start3A_150] : memref<50048x32xf32, #tpu.memory_space<vmem_shared>> -> memref<50048x32xf32, #tpu.memory_space<vmem_shared>>
        tpu.enqueue_indirect_dma source(%arg12 : memref<128x32xf32, #tpu.memory_space<vmem>>) target(%dma_start3A_151 : memref<50048x32xf32, #tpu.memory_space<vmem_shared>>) offsets(%dma_start3A_148 : memref<128xi32, #tpu.memory_space<vmem>>) semaphore(%arg22 : memref<!tpu.dma_semaphore, #tpu.memory_space<semaphore_mem>>) {add = true}
        %mul3A_152 = arith.constant 5 : i32
        %mul3A_153 = arith.muli %scan3A_61, %mul3A_152 : i32
        %add3A_154 = arith.constant 3 : i32
        %add3A_155 = arith.addi %mul3A_153, %add3A_154 : i32
        %add3A_156 = arith.constant 2 : i32
        %add3A_157 = arith.addi %add3A_155, %add3A_156 : i32
        %ge3A_158 = arith.constant 5 : i32
        %ge3A_159 = arith.cmpi sge, %add3A_157, %ge3A_158 : i32
        %convert_element_type3A_160 = arith.extui %ge3A_159 : i1 to i32
        %cond3A_161 = arith.constant 0 : i32
        %cond3A_162 = arith.cmpi ne, %convert_element_type3A_160, %cond3A_161 : i32
        scf.if %cond3A_162 {
          %dma_wait3A_213 = arith.constant 0 : i32
          %dma_wait3A_214 = arith.constant 0 : i32
          %dma_wait3A_215 = tpu.memref_slice %arg7[%dma_wait3A_213, %dma_wait3A_214] : memref<50048x32xf32, #tpu.memory_space<vmem_shared>> -> memref<128x32xf32, #tpu.memory_space<vmem_shared>>
          %dma_wait3A_216 = arith.constant 0 : i32
          %dma_wait3A_217 = arith.constant 0 : i32
          %dma_wait3A_218 = tpu.memref_slice %arg7[%dma_wait3A_216, %dma_wait3A_217] : memref<50048x32xf32, #tpu.memory_space<vmem_shared>> -> memref<128x32xf32, #tpu.memory_space<vmem_shared>>
          tpu.wait_dma2 semaphore(%arg20 : memref<!tpu.dma_semaphore, #tpu.memory_space<semaphore_mem>>) src(%arg10 : memref<128x32xf32, #tpu.memory_space<vmem>>) dst(%dma_wait3A_218 : memref<128x32xf32, #tpu.memory_space<vmem_shared>>)
        } else {
        }
        %add3A_163 = arith.constant 2 : i32
        %add3A_164 = arith.addi %add3A_155, %add3A_163 : i32
        %lt3A_165 = arith.constant 40 : i32
        %lt3A_166 = arith.cmpi slt, %add3A_164, %lt3A_165 : i32
        %convert_element_type3A_167 = arith.extui %lt3A_166 : i1 to i32
        %cond3A_168 = arith.constant 0 : i32
        %cond3A_169 = arith.cmpi ne, %convert_element_type3A_167, %cond3A_168 : i32
        scf.if %cond3A_169 {
          %add3A_213 = arith.constant 2 : i32
          %add3A_214 = arith.addi %add3A_155, %add3A_213 : i32
          %dma_start3A_215 = arith.constant 0 : i32
          %dma_start3A_216 = tpu.memref_slice %arg8[%add3A_214, %dma_start3A_215] : memref<40x128xi32, #tpu.memory_space<vmem>> -> memref<1x128xi32, #tpu.memory_space<vmem>>
          %dma_start3A_217 = tpu.memref_squeeze %dma_start3A_216 : memref<1x128xi32, #tpu.memory_space<vmem>> -> memref<128xi32, #tpu.memory_space<vmem>>
          %dma_start3A_218 = arith.constant 0 : i32
          %dma_start3A_219 = arith.constant 0 : i32
          %dma_start3A_220 = tpu.memref_slice %arg2[%dma_start3A_218, %dma_start3A_219] : memref<100000x32xf32, #tpu.memory_space<hbm>> -> memref<100000x32xf32, #tpu.memory_space<hbm>>
          tpu.enqueue_indirect_dma source(%dma_start3A_220 : memref<100000x32xf32, #tpu.memory_space<hbm>>) target(%arg10 : memref<128x32xf32, #tpu.memory_space<vmem>>) offsets(%dma_start3A_217 : memref<128xi32, #tpu.memory_space<vmem>>) semaphore(%arg15 : memref<!tpu.dma_semaphore, #tpu.memory_space<semaphore_mem>>)
        } else {
        }
        %dma_wait3A_170 = arith.constant 0 : i32
        %dma_wait3A_171 = arith.constant 0 : i32
        %dma_wait3A_172 = tpu.memref_slice %arg2[%dma_wait3A_170, %dma_wait3A_171] : memref<100000x32xf32, #tpu.memory_space<hbm>> -> memref<128x32xf32, #tpu.memory_space<hbm>>
        %dma_wait3A_173 = arith.constant 0 : i32
        %dma_wait3A_174 = arith.constant 0 : i32
        %dma_wait3A_175 = tpu.memref_slice %arg2[%dma_wait3A_173, %dma_wait3A_174] : memref<100000x32xf32, #tpu.memory_space<hbm>> -> memref<128x32xf32, #tpu.memory_space<hbm>>
        tpu.wait_dma2 semaphore(%arg18 : memref<!tpu.dma_semaphore, #tpu.memory_space<semaphore_mem>>) src(%dma_wait3A_175 : memref<128x32xf32, #tpu.memory_space<hbm>>) dst(%arg13 : memref<128x32xf32, #tpu.memory_space<vmem>>)
        %dma_start3A_176 = arith.constant 0 : i32
        %dma_start3A_177 = tpu.memref_slice %arg9[%add3A_155, %dma_start3A_176] : memref<40x128xi32, #tpu.memory_space<vmem>> -> memref<1x128xi32, #tpu.memory_space<vmem>>
        %dma_start3A_178 = tpu.memref_squeeze %dma_start3A_177 : memref<1x128xi32, #tpu.memory_space<vmem>> -> memref<128xi32, #tpu.memory_space<vmem>>
        %dma_start3A_179 = arith.constant 0 : i32
        %dma_start3A_180 = arith.constant 0 : i32
        %dma_start3A_181 = tpu.memref_slice %arg7[%dma_start3A_179, %dma_start3A_180] : memref<50048x32xf32, #tpu.memory_space<vmem_shared>> -> memref<50048x32xf32, #tpu.memory_space<vmem_shared>>
        tpu.enqueue_indirect_dma source(%arg13 : memref<128x32xf32, #tpu.memory_space<vmem>>) target(%dma_start3A_181 : memref<50048x32xf32, #tpu.memory_space<vmem_shared>>) offsets(%dma_start3A_178 : memref<128xi32, #tpu.memory_space<vmem>>) semaphore(%arg23 : memref<!tpu.dma_semaphore, #tpu.memory_space<semaphore_mem>>) {add = true}
        %mul3A_182 = arith.constant 5 : i32
        %mul3A_183 = arith.muli %scan3A_61, %mul3A_182 : i32
        %add3A_184 = arith.constant 4 : i32
        %add3A_185 = arith.addi %mul3A_183, %add3A_184 : i32
        %add3A_186 = arith.constant 2 : i32
        %add3A_187 = arith.addi %add3A_185, %add3A_186 : i32
        %ge3A_188 = arith.constant 5 : i32
        %ge3A_189 = arith.cmpi sge, %add3A_187, %ge3A_188 : i32
        %convert_element_type3A_190 = arith.extui %ge3A_189 : i1 to i32
        %cond3A_191 = arith.constant 0 : i32
        %cond3A_192 = arith.cmpi ne, %convert_element_type3A_190, %cond3A_191 : i32
        scf.if %cond3A_192 {
          %dma_wait3A_213 = arith.constant 0 : i32
          %dma_wait3A_214 = arith.constant 0 : i32
          %dma_wait3A_215 = tpu.memref_slice %arg7[%dma_wait3A_213, %dma_wait3A_214] : memref<50048x32xf32, #tpu.memory_space<vmem_shared>> -> memref<128x32xf32, #tpu.memory_space<vmem_shared>>
          %dma_wait3A_216 = arith.constant 0 : i32
          %dma_wait3A_217 = arith.constant 0 : i32
          %dma_wait3A_218 = tpu.memref_slice %arg7[%dma_wait3A_216, %dma_wait3A_217] : memref<50048x32xf32, #tpu.memory_space<vmem_shared>> -> memref<128x32xf32, #tpu.memory_space<vmem_shared>>
          tpu.wait_dma2 semaphore(%arg21 : memref<!tpu.dma_semaphore, #tpu.memory_space<semaphore_mem>>) src(%arg11 : memref<128x32xf32, #tpu.memory_space<vmem>>) dst(%dma_wait3A_218 : memref<128x32xf32, #tpu.memory_space<vmem_shared>>)
        } else {
        }
        %add3A_193 = arith.constant 2 : i32
        %add3A_194 = arith.addi %add3A_185, %add3A_193 : i32
        %lt3A_195 = arith.constant 40 : i32
        %lt3A_196 = arith.cmpi slt, %add3A_194, %lt3A_195 : i32
        %convert_element_type3A_197 = arith.extui %lt3A_196 : i1 to i32
        %cond3A_198 = arith.constant 0 : i32
        %cond3A_199 = arith.cmpi ne, %convert_element_type3A_197, %cond3A_198 : i32
        scf.if %cond3A_199 {
          %add3A_213 = arith.constant 2 : i32
          %add3A_214 = arith.addi %add3A_185, %add3A_213 : i32
          %dma_start3A_215 = arith.constant 0 : i32
          %dma_start3A_216 = tpu.memref_slice %arg8[%add3A_214, %dma_start3A_215] : memref<40x128xi32, #tpu.memory_space<vmem>> -> memref<1x128xi32, #tpu.memory_space<vmem>>
          %dma_start3A_217 = tpu.memref_squeeze %dma_start3A_216 : memref<1x128xi32, #tpu.memory_space<vmem>> -> memref<128xi32, #tpu.memory_space<vmem>>
          %dma_start3A_218 = arith.constant 0 : i32
          %dma_start3A_219 = arith.constant 0 : i32
          %dma_start3A_220 = tpu.memref_slice %arg2[%dma_start3A_218, %dma_start3A_219] : memref<100000x32xf32, #tpu.memory_space<hbm>> -> memref<100000x32xf32, #tpu.memory_space<hbm>>
          tpu.enqueue_indirect_dma source(%dma_start3A_220 : memref<100000x32xf32, #tpu.memory_space<hbm>>) target(%arg11 : memref<128x32xf32, #tpu.memory_space<vmem>>) offsets(%dma_start3A_217 : memref<128xi32, #tpu.memory_space<vmem>>) semaphore(%arg16 : memref<!tpu.dma_semaphore, #tpu.memory_space<semaphore_mem>>)
        } else {
        }
        %dma_wait3A_200 = arith.constant 0 : i32
        %dma_wait3A_201 = arith.constant 0 : i32
        %dma_wait3A_202 = tpu.memref_slice %arg2[%dma_wait3A_200, %dma_wait3A_201] : memref<100000x32xf32, #tpu.memory_space<hbm>> -> memref<128x32xf32, #tpu.memory_space<hbm>>
        %dma_wait3A_203 = arith.constant 0 : i32
        %dma_wait3A_204 = arith.constant 0 : i32
        %dma_wait3A_205 = tpu.memref_slice %arg2[%dma_wait3A_203, %dma_wait3A_204] : memref<100000x32xf32, #tpu.memory_space<hbm>> -> memref<128x32xf32, #tpu.memory_space<hbm>>
        tpu.wait_dma2 semaphore(%arg19 : memref<!tpu.dma_semaphore, #tpu.memory_space<semaphore_mem>>) src(%dma_wait3A_205 : memref<128x32xf32, #tpu.memory_space<hbm>>) dst(%arg14 : memref<128x32xf32, #tpu.memory_space<vmem>>)
        %dma_start3A_206 = arith.constant 0 : i32
        %dma_start3A_207 = tpu.memref_slice %arg9[%add3A_185, %dma_start3A_206] : memref<40x128xi32, #tpu.memory_space<vmem>> -> memref<1x128xi32, #tpu.memory_space<vmem>>
        %dma_start3A_208 = tpu.memref_squeeze %dma_start3A_207 : memref<1x128xi32, #tpu.memory_space<vmem>> -> memref<128xi32, #tpu.memory_space<vmem>>
        %dma_start3A_209 = arith.constant 0 : i32
        %dma_start3A_210 = arith.constant 0 : i32
        %dma_start3A_211 = tpu.memref_slice %arg7[%dma_start3A_209, %dma_start3A_210] : memref<50048x32xf32, #tpu.memory_space<vmem_shared>> -> memref<50048x32xf32, #tpu.memory_space<vmem_shared>>
        tpu.enqueue_indirect_dma source(%arg14 : memref<128x32xf32, #tpu.memory_space<vmem>>) target(%dma_start3A_211 : memref<50048x32xf32, #tpu.memory_space<vmem_shared>>) offsets(%dma_start3A_208 : memref<128xi32, #tpu.memory_space<vmem>>) semaphore(%arg24 : memref<!tpu.dma_semaphore, #tpu.memory_space<semaphore_mem>>) {add = true}
        %scan3A_212 = arith.constant 0 : i32
        scf.yield %scan3A_212 : i32
      }
      %scan3A_42 = arith.constant 8 : i32
      %dma_wait3A = arith.constant 0 : i32
      %dma_wait3A_43 = arith.constant 0 : i32
      %dma_wait3A_44 = tpu.memref_slice %arg7[%dma_wait3A, %dma_wait3A_43] : memref<50048x32xf32, #tpu.memory_space<vmem_shared>> -> memref<128x32xf32, #tpu.memory_space<vmem_shared>>
      %dma_wait3A_45 = arith.constant 0 : i32
      %dma_wait3A_46 = arith.constant 0 : i32
      %dma_wait3A_47 = tpu.memref_slice %arg7[%dma_wait3A_45, %dma_wait3A_46] : memref<50048x32xf32, #tpu.memory_space<vmem_shared>> -> memref<128x32xf32, #tpu.memory_space<vmem_shared>>
      tpu.wait_dma2 semaphore(%arg22 : memref<!tpu.dma_semaphore, #tpu.memory_space<semaphore_mem>>) src(%arg12 : memref<128x32xf32, #tpu.memory_space<vmem>>) dst(%dma_wait3A_47 : memref<128x32xf32, #tpu.memory_space<vmem_shared>>)
      %dma_wait3A_48 = arith.constant 0 : i32
      %dma_wait3A_49 = arith.constant 0 : i32
      %dma_wait3A_50 = tpu.memref_slice %arg7[%dma_wait3A_48, %dma_wait3A_49] : memref<50048x32xf32, #tpu.memory_space<vmem_shared>> -> memref<128x32xf32, #tpu.memory_space<vmem_shared>>
      %dma_wait3A_51 = arith.constant 0 : i32
      %dma_wait3A_52 = arith.constant 0 : i32
      %dma_wait3A_53 = tpu.memref_slice %arg7[%dma_wait3A_51, %dma_wait3A_52] : memref<50048x32xf32, #tpu.memory_space<vmem_shared>> -> memref<128x32xf32, #tpu.memory_space<vmem_shared>>
      tpu.wait_dma2 semaphore(%arg23 : memref<!tpu.dma_semaphore, #tpu.memory_space<semaphore_mem>>) src(%arg13 : memref<128x32xf32, #tpu.memory_space<vmem>>) dst(%dma_wait3A_53 : memref<128x32xf32, #tpu.memory_space<vmem_shared>>)
      %dma_wait3A_54 = arith.constant 0 : i32
      %dma_wait3A_55 = arith.constant 0 : i32
      %dma_wait3A_56 = tpu.memref_slice %arg7[%dma_wait3A_54, %dma_wait3A_55] : memref<50048x32xf32, #tpu.memory_space<vmem_shared>> -> memref<128x32xf32, #tpu.memory_space<vmem_shared>>
      %dma_wait3A_57 = arith.constant 0 : i32
      %dma_wait3A_58 = arith.constant 0 : i32
      %dma_wait3A_59 = tpu.memref_slice %arg7[%dma_wait3A_57, %dma_wait3A_58] : memref<50048x32xf32, #tpu.memory_space<vmem_shared>> -> memref<128x32xf32, #tpu.memory_space<vmem_shared>>
      tpu.wait_dma2 semaphore(%arg24 : memref<!tpu.dma_semaphore, #tpu.memory_space<semaphore_mem>>) src(%arg14 : memref<128x32xf32, #tpu.memory_space<vmem>>) dst(%dma_wait3A_59 : memref<128x32xf32, #tpu.memory_space<vmem_shared>>)
      %scan3A_60 = arith.constant 0 : i32
      scf.yield %scan3A_60 : i32
    }
    %scan3A_6 = arith.constant 10 : i32
    %barrier3A_7 = arith.constant 0 : index
    tpu.barrier barrier_id(%barrier3A_7)
    %lt3A = arith.constant 15 : i32
    %lt3A_8 = arith.cmpi slt, %arg1, %lt3A : i32
    %convert_element_type3A = arith.extui %lt3A_8 : i1 to i32
    %cond3A = arith.constant 0 : i32
    %cond3A_9 = arith.cmpi ne, %convert_element_type3A, %cond3A : i32
    scf.if %cond3A_9 {
      %mul3A_14 = arith.constant 3128 : i32
      %mul3A_15 = arith.muli %arg1, %mul3A_14 : i32
      %mul3A_16 = arith.constant 50000 : i32
      %mul3A_17 = arith.muli %arg0, %mul3A_16 : i32
      %mul3A_18 = arith.constant 3128 : i32
      %mul3A_19 = arith.muli %arg1, %mul3A_18 : i32
      %add3A = arith.addi %mul3A_17, %mul3A_19 : i32
      "tpu.region"() ({
        %run_scoped3A = tpu.sem_alloc : memref<!tpu.dma_semaphore, #tpu.memory_space<semaphore_mem>>
        %dma_start3A = arith.constant 0 : i32
        %dma_start3A_20 = tpu.memref_slice %arg6[%add3A, %dma_start3A] : memref<100000x32xf32, #tpu.memory_space<hbm>> -> memref<3128x32xf32, #tpu.memory_space<hbm>>
        %dma_start3A_21 = arith.constant 0 : i32
        %dma_start3A_22 = tpu.memref_slice %arg7[%mul3A_15, %dma_start3A_21] : memref<50048x32xf32, #tpu.memory_space<vmem_shared>> -> memref<3128x32xf32, #tpu.memory_space<vmem_shared>>
        tpu.enqueue_dma source(%dma_start3A_22 : memref<3128x32xf32, #tpu.memory_space<vmem_shared>>) target(%dma_start3A_20 : memref<3128x32xf32, #tpu.memory_space<hbm>>) target_semaphore(%run_scoped3A : memref<!tpu.dma_semaphore, #tpu.memory_space<semaphore_mem>>)
        %dma_wait3A = arith.constant 0 : i32
        %dma_wait3A_23 = tpu.memref_slice %arg6[%add3A, %dma_wait3A] : memref<100000x32xf32, #tpu.memory_space<hbm>> -> memref<3128x32xf32, #tpu.memory_space<hbm>>
        %dma_wait3A_24 = arith.constant 0 : i32
        %dma_wait3A_25 = tpu.memref_slice %arg7[%mul3A_15, %dma_wait3A_24] : memref<50048x32xf32, #tpu.memory_space<vmem_shared>> -> memref<3128x32xf32, #tpu.memory_space<vmem_shared>>
        tpu.wait_dma2 semaphore(%run_scoped3A : memref<!tpu.dma_semaphore, #tpu.memory_space<semaphore_mem>>) src(%dma_wait3A_25 : memref<3128x32xf32, #tpu.memory_space<vmem_shared>>) dst(%dma_wait3A_23 : memref<3128x32xf32, #tpu.memory_space<hbm>>)
        tpu.yield
      }) : () -> ()
    } else {
    }
    %eq3A = arith.constant 15 : i32
    %eq3A_10 = arith.cmpi eq, %arg1, %eq3A : i32
    %convert_element_type3A_11 = arith.extui %eq3A_10 : i1 to i32
    %cond3A_12 = arith.constant 0 : i32
    %cond3A_13 = arith.cmpi ne, %convert_element_type3A_11, %cond3A_12 : i32
    scf.if %cond3A_13 {
      %mul3A_14 = arith.constant 50000 : i32
      %mul3A_15 = arith.muli %arg0, %mul3A_14 : i32
      %add3A = arith.constant 46920 : i32
      %add3A_16 = arith.addi %mul3A_15, %add3A : i32
      "tpu.region"() ({
        %run_scoped3A = tpu.sem_alloc : memref<!tpu.dma_semaphore, #tpu.memory_space<semaphore_mem>>
        %dma_start3A = arith.constant 0 : i32
        %dma_start3A_17 = tpu.memref_slice %arg6[%add3A_16, %dma_start3A] : memref<100000x32xf32, #tpu.memory_space<hbm>> -> memref<3080x32xf32, #tpu.memory_space<hbm>>
        %dma_start3A_18 = arith.constant 46920 : i32
        %dma_start3A_19 = arith.constant 0 : i32
        %dma_start3A_20 = tpu.memref_slice %arg7[%dma_start3A_18, %dma_start3A_19] : memref<50048x32xf32, #tpu.memory_space<vmem_shared>> -> memref<3080x32xf32, #tpu.memory_space<vmem_shared>>
        tpu.enqueue_dma source(%dma_start3A_20 : memref<3080x32xf32, #tpu.memory_space<vmem_shared>>) target(%dma_start3A_17 : memref<3080x32xf32, #tpu.memory_space<hbm>>) target_semaphore(%run_scoped3A : memref<!tpu.dma_semaphore, #tpu.memory_space<semaphore_mem>>)
        %dma_wait3A = arith.constant 0 : i32
        %dma_wait3A_21 = tpu.memref_slice %arg6[%add3A_16, %dma_wait3A] : memref<100000x32xf32, #tpu.memory_space<hbm>> -> memref<3080x32xf32, #tpu.memory_space<hbm>>
        %dma_wait3A_22 = arith.constant 46920 : i32
        %dma_wait3A_23 = arith.constant 0 : i32
        %dma_wait3A_24 = tpu.memref_slice %arg7[%dma_wait3A_22, %dma_wait3A_23] : memref<50048x32xf32, #tpu.memory_space<vmem_shared>> -> memref<3080x32xf32, #tpu.memory_space<vmem_shared>>
        tpu.wait_dma2 semaphore(%run_scoped3A : memref<!tpu.dma_semaphore, #tpu.memory_space<semaphore_mem>>) src(%dma_wait3A_24 : memref<3080x32xf32, #tpu.memory_space<vmem_shared>>) dst(%dma_wait3A_21 : memref<3080x32xf32, #tpu.memory_space<hbm>>)
        tpu.yield
      }) : () -> ()
    } else {
    }
    return
  }
}

module attributes {stable_mosaic.version = 14 : i64} {
  func.func @_t1_body(%arg0: i32, %arg1: memref<2000x3xf32, #tpu.memory_space<vmem>>, %arg2: memref<2x2000x16xf32, #tpu.memory_space<vmem>>, %arg3: memref<3x64xf32, #tpu.memory_space<vmem>>, %arg4: memref<2x2000x32xf32, #tpu.memory_space<vmem>>, %arg5: memref<2000x1xf32, #tpu.memory_space<vmem>>) attributes {dimension_semantics = [#tpu.dimension_semantics<arbitrary>], iteration_bounds = array<i64: 25>, scalar_prefetch = 0 : i64, scratch_operands = 0 : i64, tpu.core_type = #tpu.core_type<tc>, window_params = [{transform_indices = @transform_0, window_bounds = array<i64: 2000, 3>}, {transform_indices = @transform_1, window_bounds = array<i64: 2, 2000, 16>}, {pipeline_mode = #tpu.pipeline_mode<synchronous>, transform_indices = @transform_2, window_bounds = array<i64: 3, 64>}, {transform_indices = @transform_3, window_bounds = array<i64: 2, 2000, 32>}, {transform_indices = @transform_4, window_bounds = array<i64: 2000, 1>}]} {
    %get3A = arith.constant 0 : index
    %get3A_0 = arith.constant 0 : index
    %get3A_1 = arith.constant 0 : index
    %get3A_2 = vector.load %arg2[%get3A, %get3A_0, %get3A_1] : memref<2x2000x16xf32, #tpu.memory_space<vmem>>, vector<1x2000x1xf32>
    %get3A_3 = vector.shape_cast %get3A_2 : vector<1x2000x1xf32> to vector<2000x1xf32>
    %get3A_4 = arith.constant 1 : index
    %get3A_5 = arith.constant 0 : index
    %get3A_6 = arith.constant 0 : index
    %get3A_7 = vector.load %arg2[%get3A_4, %get3A_5, %get3A_6] : memref<2x2000x16xf32, #tpu.memory_space<vmem>>, vector<1x2000x1xf32>
    %get3A_8 = vector.shape_cast %get3A_7 : vector<1x2000x1xf32> to vector<2000x1xf32>
    %add3A = arith.addf %get3A_3, %get3A_8 : vector<2000x1xf32>
    %add3A_9 = arith.constant 1.000000e+00 : f32
    %add3A_10 = vector.broadcast %add3A_9 : f32 to vector<2000x1xf32>
    %add3A_11 = arith.addf %add3A, %add3A_10 : vector<2000x1xf32>
    %rsqrt3A = math.rsqrt %add3A_11 : vector<2000x1xf32>
    %get3A_12 = arith.constant 0 : index
    %get3A_13 = arith.constant 0 : index
    %get3A_14 = vector.load %arg1[%get3A_12, %get3A_13] : memref<2000x3xf32, #tpu.memory_space<vmem>>, vector<2000x3xf32>
    %convert_element_type3A = arith.truncf %get3A_14 : vector<2000x3xf32> to vector<2000x3xbf16>
    %get3A_15 = arith.constant 0 : index
    %get3A_16 = arith.constant 0 : index
    %get3A_17 = vector.load %arg3[%get3A_15, %get3A_16] : memref<3x64xf32, #tpu.memory_space<vmem>>, vector<3x64xf32>
    %convert_element_type3A_18 = arith.truncf %get3A_17 : vector<3x64xf32> to vector<3x64xbf16>
    %slice3A = vector.extract_strided_slice %convert_element_type3A {offsets = [0, 0], sizes = [2000, 1], strides = [1, 1]} : vector<2000x3xbf16> to vector<2000x1xbf16>
    %slice3A_19 = vector.extract_strided_slice %convert_element_type3A_18 {offsets = [0, 0], sizes = [1, 64], strides = [1, 1]} : vector<3x64xbf16> to vector<1x64xbf16>
    %mul3A = vector.broadcast %slice3A : vector<2000x1xbf16> to vector<2000x64xbf16>
    %mul3A_20 = vector.broadcast %slice3A_19 : vector<1x64xbf16> to vector<2000x64xbf16>
    %mul3A_21 = arith.mulf %mul3A, %mul3A_20 : vector<2000x64xbf16>
    %slice3A_22 = vector.extract_strided_slice %convert_element_type3A {offsets = [0, 1], sizes = [2000, 1], strides = [1, 1]} : vector<2000x3xbf16> to vector<2000x1xbf16>
    %slice3A_23 = vector.extract_strided_slice %convert_element_type3A_18 {offsets = [1, 0], sizes = [1, 64], strides = [1, 1]} : vector<3x64xbf16> to vector<1x64xbf16>
    %mul3A_24 = vector.broadcast %slice3A_22 : vector<2000x1xbf16> to vector<2000x64xbf16>
    %mul3A_25 = vector.broadcast %slice3A_23 : vector<1x64xbf16> to vector<2000x64xbf16>
    %mul3A_26 = arith.mulf %mul3A_24, %mul3A_25 : vector<2000x64xbf16>
    %add3A_27 = arith.addf %mul3A_21, %mul3A_26 : vector<2000x64xbf16>
    %slice3A_28 = vector.extract_strided_slice %convert_element_type3A {offsets = [0, 2], sizes = [2000, 1], strides = [1, 1]} : vector<2000x3xbf16> to vector<2000x1xbf16>
    %slice3A_29 = vector.extract_strided_slice %convert_element_type3A_18 {offsets = [2, 0], sizes = [1, 64], strides = [1, 1]} : vector<3x64xbf16> to vector<1x64xbf16>
    %mul3A_30 = vector.broadcast %slice3A_28 : vector<2000x1xbf16> to vector<2000x64xbf16>
    %mul3A_31 = vector.broadcast %slice3A_29 : vector<1x64xbf16> to vector<2000x64xbf16>
    %mul3A_32 = arith.mulf %mul3A_30, %mul3A_31 : vector<2000x64xbf16>
    %add3A_33 = arith.addf %add3A_27, %mul3A_32 : vector<2000x64xbf16>
    %convert_element_type3A_34 = arith.extf %add3A_33 : vector<2000x64xbf16> to vector<2000x64xf32>
    %mul3A_35 = vector.broadcast %rsqrt3A : vector<2000x1xf32> to vector<2000x64xf32>
    %mul3A_36 = arith.mulf %convert_element_type3A_34, %mul3A_35 : vector<2000x64xf32>
    %slice3A_37 = vector.extract_strided_slice %mul3A_36 {offsets = [0, 0], sizes = [2000, 32], strides = [1, 1]} : vector<2000x64xf32> to vector<2000x32xf32>
    %swap3A = arith.constant 0 : index
    %swap3A_38 = arith.constant 0 : index
    %swap3A_39 = arith.constant 0 : index
    %swap3A_40 = vector.load %arg4[%swap3A, %swap3A_38, %swap3A_39] : memref<2x2000x32xf32, #tpu.memory_space<vmem>>, vector<1x2000x32xf32>
    %swap3A_41 = vector.shape_cast %swap3A_40 : vector<1x2000x32xf32> to vector<2000x32xf32>
    %swap3A_42 = vector.shape_cast %slice3A_37 : vector<2000x32xf32> to vector<1x2000x32xf32>
    tpu.vector_store %arg4[%swap3A, %swap3A_38, %swap3A_39], %swap3A_42 {strides = array<i32>} : memref<2x2000x32xf32, #tpu.memory_space<vmem>>, vector<1x2000x32xf32>,
    %slice3A_43 = vector.extract_strided_slice %mul3A_36 {offsets = [0, 32], sizes = [2000, 32], strides = [1, 1]} : vector<2000x64xf32> to vector<2000x32xf32>
    %swap3A_44 = arith.constant 1 : index
    %swap3A_45 = arith.constant 0 : index
    %swap3A_46 = arith.constant 0 : index
    %swap3A_47 = vector.load %arg4[%swap3A_44, %swap3A_45, %swap3A_46] : memref<2x2000x32xf32, #tpu.memory_space<vmem>>, vector<1x2000x32xf32>
    %swap3A_48 = vector.shape_cast %swap3A_47 : vector<1x2000x32xf32> to vector<2000x32xf32>
    %swap3A_49 = vector.shape_cast %slice3A_43 : vector<2000x32xf32> to vector<1x2000x32xf32>
    tpu.vector_store %arg4[%swap3A_44, %swap3A_45, %swap3A_46], %swap3A_49 {strides = array<i32>} : memref<2x2000x32xf32, #tpu.memory_space<vmem>>, vector<1x2000x32xf32>,
    %swap3A_50 = arith.constant 0 : index
    %swap3A_51 = arith.constant 0 : index
    %swap3A_52 = vector.load %arg5[%swap3A_50, %swap3A_51] : memref<2000x1xf32, #tpu.memory_space<vmem>>, vector<2000x1xf32>
    tpu.vector_store %arg5[%swap3A_50, %swap3A_51], %rsqrt3A {strides = array<i32>} : memref<2000x1xf32, #tpu.memory_space<vmem>>, vector<2000x1xf32>,
    return
  }
  func.func @transform_0(%arg0: i32) -> (i32, i32) {
    %c0_i32 = arith.constant 0 : i32
    %c0_i32_0 = arith.constant 0 : i32
    return %arg0, %c0_i32 : i32, i32
  }
  func.func @transform_1(%arg0: i32) -> (i32, i32, i32) {
    %c0_i32 = arith.constant 0 : i32
    %c0_i32_0 = arith.constant 0 : i32
    %c0_i32_1 = arith.constant 0 : i32
    return %c0_i32, %arg0, %c0_i32_0 : i32, i32, i32
  }
  func.func @transform_2(%arg0: i32) -> (i32, i32) {
    %c0_i32 = arith.constant 0 : i32
    %c0_i32_0 = arith.constant 0 : i32
    %c0_i32_1 = arith.constant 0 : i32
    return %c0_i32, %c0_i32_0 : i32, i32
  }
  func.func @transform_3(%arg0: i32) -> (i32, i32, i32) {
    %c0_i32 = arith.constant 0 : i32
    %c0_i32_0 = arith.constant 0 : i32
    %c0_i32_1 = arith.constant 0 : i32
    return %c0_i32, %arg0, %c0_i32_0 : i32, i32, i32
  }
  func.func @transform_4(%arg0: i32) -> (i32, i32) {
    %c0_i32 = arith.constant 0 : i32
    %c0_i32_0 = arith.constant 0 : i32
    return %arg0, %c0_i32 : i32, i32
  }
}

module attributes {stable_mosaic.version = 14 : i64} {
  func.func @_t2_body(%arg0: i32, %arg1: memref<2x2000x32xf32, #tpu.memory_space<vmem>>, %arg2: memref<2x2000x32xf32, #tpu.memory_space<vmem>>, %arg3: memref<2000x1xf32, #tpu.memory_space<vmem>>, %arg4: memref<1x64xf32, #tpu.memory_space<vmem>>, %arg5: memref<1x64xf32, #tpu.memory_space<vmem>>, %arg6: memref<1x64xf32, #tpu.memory_space<vmem>>, %arg7: memref<64x64xf32, #tpu.memory_space<vmem>>, %arg8: memref<2x2000x32xf32, #tpu.memory_space<vmem>>) attributes {dimension_semantics = [#tpu.dimension_semantics<arbitrary>], iteration_bounds = array<i64: 25>, scalar_prefetch = 0 : i64, scratch_operands = 0 : i64, tpu.core_type = #tpu.core_type<tc>, window_params = [{transform_indices = @transform_0, window_bounds = array<i64: 2, 2000, 32>}, {transform_indices = @transform_1, window_bounds = array<i64: 2, 2000, 32>}, {transform_indices = @transform_2, window_bounds = array<i64: 2000, 1>}, {pipeline_mode = #tpu.pipeline_mode<synchronous>, transform_indices = @transform_3, window_bounds = array<i64: 1, 64>}, {pipeline_mode = #tpu.pipeline_mode<synchronous>, transform_indices = @transform_4, window_bounds = array<i64: 1, 64>}, {pipeline_mode = #tpu.pipeline_mode<synchronous>, transform_indices = @transform_5, window_bounds = array<i64: 1, 64>}, {pipeline_mode = #tpu.pipeline_mode<synchronous>, transform_indices = @transform_6, window_bounds = array<i64: 64, 64>}, {transform_indices = @transform_7, window_bounds = array<i64: 2, 2000, 32>}]} {
    %get3A = arith.constant 0 : index
    %get3A_0 = arith.constant 0 : index
    %get3A_1 = arith.constant 0 : index
    %get3A_2 = vector.load %arg1[%get3A, %get3A_0, %get3A_1] : memref<2x2000x32xf32, #tpu.memory_space<vmem>>, vector<1x2000x32xf32>
    %get3A_3 = vector.shape_cast %get3A_2 : vector<1x2000x32xf32> to vector<2000x32xf32>
    %get3A_4 = arith.constant 0 : index
    %get3A_5 = arith.constant 0 : index
    %get3A_6 = arith.constant 0 : index
    %get3A_7 = vector.load %arg2[%get3A_4, %get3A_5, %get3A_6] : memref<2x2000x32xf32, #tpu.memory_space<vmem>>, vector<1x2000x32xf32>
    %get3A_8 = vector.shape_cast %get3A_7 : vector<1x2000x32xf32> to vector<2000x32xf32>
    %add3A = arith.addf %get3A_3, %get3A_8 : vector<2000x32xf32>
    %get3A_9 = arith.constant 1 : index
    %get3A_10 = arith.constant 0 : index
    %get3A_11 = arith.constant 0 : index
    %get3A_12 = vector.load %arg1[%get3A_9, %get3A_10, %get3A_11] : memref<2x2000x32xf32, #tpu.memory_space<vmem>>, vector<1x2000x32xf32>
    %get3A_13 = vector.shape_cast %get3A_12 : vector<1x2000x32xf32> to vector<2000x32xf32>
    %get3A_14 = arith.constant 1 : index
    %get3A_15 = arith.constant 0 : index
    %get3A_16 = arith.constant 0 : index
    %get3A_17 = vector.load %arg2[%get3A_14, %get3A_15, %get3A_16] : memref<2x2000x32xf32, #tpu.memory_space<vmem>>, vector<1x2000x32xf32>
    %get3A_18 = vector.shape_cast %get3A_17 : vector<1x2000x32xf32> to vector<2000x32xf32>
    %add3A_19 = arith.addf %get3A_13, %get3A_18 : vector<2000x32xf32>
    %concatenate3A = tpu.concatenate %add3A, %add3A_19 in 1 : vector<2000x32xf32>, vector<2000x32xf32> -> vector<2000x64xf32>
    %get3A_20 = arith.constant 0 : index
    %get3A_21 = arith.constant 0 : index
    %get3A_22 = vector.load %arg3[%get3A_20, %get3A_21] : memref<2000x1xf32, #tpu.memory_space<vmem>>, vector<2000x1xf32>
    %mul3A = vector.broadcast %get3A_22 : vector<2000x1xf32> to vector<2000x64xf32>
    %mul3A_23 = arith.mulf %concatenate3A, %mul3A : vector<2000x64xf32>
    %get3A_24 = arith.constant 0 : index
    %get3A_25 = arith.constant 0 : index
    %get3A_26 = vector.load %arg4[%get3A_24, %get3A_25] : memref<1x64xf32, #tpu.memory_space<vmem>>, vector<1x64xf32>
    %add3A_27 = vector.broadcast %get3A_26 : vector<1x64xf32> to vector<2000x64xf32>
    %add3A_28 = arith.addf %mul3A_23, %add3A_27 : vector<2000x64xf32>
    %get3A_29 = arith.constant 0 : index
    %get3A_30 = arith.constant 0 : index
    %get3A_31 = vector.load %arg5[%get3A_29, %get3A_30] : memref<1x64xf32, #tpu.memory_space<vmem>>, vector<1x64xf32>
    %rsqrt3A = arith.constant 1.000010e+00 : f32
    %rsqrt3A_32 = math.rsqrt %rsqrt3A : f32
    %mul3A_33 = vector.broadcast %rsqrt3A_32 : f32 to vector<1x64xf32>
    %mul3A_34 = arith.mulf %get3A_31, %mul3A_33 : vector<1x64xf32>
    %mul3A_35 = vector.broadcast %mul3A_34 : vector<1x64xf32> to vector<2000x64xf32>
    %mul3A_36 = arith.mulf %add3A_28, %mul3A_35 : vector<2000x64xf32>
    %get3A_37 = arith.constant 0 : index
    %get3A_38 = arith.constant 0 : index
    %get3A_39 = vector.load %arg6[%get3A_37, %get3A_38] : memref<1x64xf32, #tpu.memory_space<vmem>>, vector<1x64xf32>
    %add3A_40 = vector.broadcast %get3A_39 : vector<1x64xf32> to vector<2000x64xf32>
    %add3A_41 = arith.addf %mul3A_36, %add3A_40 : vector<2000x64xf32>
    %max3A = arith.constant 0.000000e+00 : f32
    %max3A_42 = vector.broadcast %max3A : f32 to vector<2000x64xf32>
    %max3A_43 = arith.maximumf %add3A_41, %max3A_42 : vector<2000x64xf32>
    %convert_element_type3A = arith.truncf %max3A_43 : vector<2000x64xf32> to vector<2000x64xbf16>
    %get3A_44 = arith.constant 0 : index
    %get3A_45 = arith.constant 0 : index
    %get3A_46 = vector.load %arg7[%get3A_44, %get3A_45] : memref<64x64xf32, #tpu.memory_space<vmem>>, vector<64x64xf32>
    %convert_element_type3A_47 = arith.truncf %get3A_46 : vector<64x64xf32> to vector<64x64xbf16>
    %dot_general3A = arith.constant dense<0.000000e+00> : vector<2000x64xf32>
    %dot_general3A_48 = tpu.matmul %convert_element_type3A, %convert_element_type3A_47, %dot_general3A {dimension_numbers = #tpu.dot_dimension_numbers<[1], [0], [0], [1], [0, 0, 1, 1], [], []>, transpose_lhs_hint = false} : vector<2000x64xbf16>, vector<64x64xbf16>, vector<2000x64xf32> -> vector<2000x64xf32>
    %get3A_49 = arith.constant 0 : index
    %get3A_50 = arith.constant 0 : index
    %get3A_51 = vector.load %arg3[%get3A_49, %get3A_50] : memref<2000x1xf32, #tpu.memory_space<vmem>>, vector<2000x1xf32>
    %mul3A_52 = vector.broadcast %get3A_51 : vector<2000x1xf32> to vector<2000x64xf32>
    %mul3A_53 = arith.mulf %dot_general3A_48, %mul3A_52 : vector<2000x64xf32>
    %slice3A = vector.extract_strided_slice %mul3A_53 {offsets = [0, 0], sizes = [2000, 32], strides = [1, 1]} : vector<2000x64xf32> to vector<2000x32xf32>
    %swap3A = arith.constant 0 : index
    %swap3A_54 = arith.constant 0 : index
    %swap3A_55 = arith.constant 0 : index
    %swap3A_56 = vector.load %arg8[%swap3A, %swap3A_54, %swap3A_55] : memref<2x2000x32xf32, #tpu.memory_space<vmem>>, vector<1x2000x32xf32>
    %swap3A_57 = vector.shape_cast %swap3A_56 : vector<1x2000x32xf32> to vector<2000x32xf32>
    %swap3A_58 = vector.shape_cast %slice3A : vector<2000x32xf32> to vector<1x2000x32xf32>
    tpu.vector_store %arg8[%swap3A, %swap3A_54, %swap3A_55], %swap3A_58 {strides = array<i32>} : memref<2x2000x32xf32, #tpu.memory_space<vmem>>, vector<1x2000x32xf32>,
    %slice3A_59 = vector.extract_strided_slice %mul3A_53 {offsets = [0, 32], sizes = [2000, 32], strides = [1, 1]} : vector<2000x64xf32> to vector<2000x32xf32>
    %swap3A_60 = arith.constant 1 : index
    %swap3A_61 = arith.constant 0 : index
    %swap3A_62 = arith.constant 0 : index
    %swap3A_63 = vector.load %arg8[%swap3A_60, %swap3A_61, %swap3A_62] : memref<2x2000x32xf32, #tpu.memory_space<vmem>>, vector<1x2000x32xf32>
    %swap3A_64 = vector.shape_cast %swap3A_63 : vector<1x2000x32xf32> to vector<2000x32xf32>
    %swap3A_65 = vector.shape_cast %slice3A_59 : vector<2000x32xf32> to vector<1x2000x32xf32>
    tpu.vector_store %arg8[%swap3A_60, %swap3A_61, %swap3A_62], %swap3A_65 {strides = array<i32>} : memref<2x2000x32xf32, #tpu.memory_space<vmem>>, vector<1x2000x32xf32>,
    return
  }
  func.func @transform_0(%arg0: i32) -> (i32, i32, i32) {
    %c0_i32 = arith.constant 0 : i32
    %c0_i32_0 = arith.constant 0 : i32
    %c0_i32_1 = arith.constant 0 : i32
    return %c0_i32, %arg0, %c0_i32_0 : i32, i32, i32
  }
  func.func @transform_1(%arg0: i32) -> (i32, i32, i32) {
    %c0_i32 = arith.constant 0 : i32
    %c0_i32_0 = arith.constant 0 : i32
    %c0_i32_1 = arith.constant 0 : i32
    return %c0_i32, %arg0, %c0_i32_0 : i32, i32, i32
  }
  func.func @transform_2(%arg0: i32) -> (i32, i32) {
    %c0_i32 = arith.constant 0 : i32
    %c0_i32_0 = arith.constant 0 : i32
    return %arg0, %c0_i32 : i32, i32
  }
  func.func @transform_3(%arg0: i32) -> (i32, i32) {
    %c0_i32 = arith.constant 0 : i32
    %c0_i32_0 = arith.constant 0 : i32
    %c0_i32_1 = arith.constant 0 : i32
    return %c0_i32, %c0_i32_0 : i32, i32
  }
  func.func @transform_4(%arg0: i32) -> (i32, i32) {
    %c0_i32 = arith.constant 0 : i32
    %c0_i32_0 = arith.constant 0 : i32
    %c0_i32_1 = arith.constant 0 : i32
    return %c0_i32, %c0_i32_0 : i32, i32
  }
  func.func @transform_5(%arg0: i32) -> (i32, i32) {
    %c0_i32 = arith.constant 0 : i32
    %c0_i32_0 = arith.constant 0 : i32
    %c0_i32_1 = arith.constant 0 : i32
    return %c0_i32, %c0_i32_0 : i32, i32
  }
  func.func @transform_6(%arg0: i32) -> (i32, i32) {
    %c0_i32 = arith.constant 0 : i32
    %c0_i32_0 = arith.constant 0 : i32
    %c0_i32_1 = arith.constant 0 : i32
    return %c0_i32, %c0_i32_0 : i32, i32
  }
  func.func @transform_7(%arg0: i32) -> (i32, i32, i32) {
    %c0_i32 = arith.constant 0 : i32
    %c0_i32_0 = arith.constant 0 : i32
    %c0_i32_1 = arith.constant 0 : i32
    return %c0_i32, %arg0, %c0_i32_0 : i32, i32, i32
  }
}

module attributes {stable_mosaic.version = 14 : i64} {
  func.func @_t4_body(%arg0: i32, %arg1: memref<2x2000x32xf32, #tpu.memory_space<vmem>>, %arg2: memref<2x2000x32xf32, #tpu.memory_space<vmem>>, %arg3: memref<2000x1xf32, #tpu.memory_space<vmem>>, %arg4: memref<1x64xf32, #tpu.memory_space<vmem>>, %arg5: memref<1x64xf32, #tpu.memory_space<vmem>>, %arg6: memref<1x64xf32, #tpu.memory_space<vmem>>, %arg7: memref<2000x1xi32, #tpu.memory_space<vmem>>, %arg8: memref<128x32xf32, #tpu.memory_space<vmem>>, %arg9: memref<1x32xf32, #tpu.memory_space<vmem>>, %arg10: memref<32x16xf32, #tpu.memory_space<vmem>>, %arg11: memref<1x16xf32, #tpu.memory_space<vmem>>, %arg12: memref<16x1xf32, #tpu.memory_space<vmem>>, %arg13: memref<1x1xf32, #tpu.memory_space<vmem>>, %arg14: memref<64x1xf32, #tpu.memory_space<vmem>>, %arg15: memref<64x64xf32, #tpu.memory_space<vmem>>, %arg16: memref<64x1xf32, #tpu.memory_space<vmem>>, %arg17: memref<64x64xf32, #tpu.memory_space<vmem>>) attributes {dimension_semantics = [#tpu.dimension_semantics<arbitrary>], iteration_bounds = array<i64: 25>, scalar_prefetch = 0 : i64, scratch_operands = 3 : i64, tpu.core_type = #tpu.core_type<tc>, window_params = [{transform_indices = @transform_0, window_bounds = array<i64: 2, 2000, 32>}, {transform_indices = @transform_1, window_bounds = array<i64: 2, 2000, 32>}, {transform_indices = @transform_2, window_bounds = array<i64: 2000, 1>}, {pipeline_mode = #tpu.pipeline_mode<synchronous>, transform_indices = @transform_3, window_bounds = array<i64: 1, 64>}, {pipeline_mode = #tpu.pipeline_mode<synchronous>, transform_indices = @transform_4, window_bounds = array<i64: 1, 64>}, {pipeline_mode = #tpu.pipeline_mode<synchronous>, transform_indices = @transform_5, window_bounds = array<i64: 1, 64>}, {transform_indices = @transform_6, window_bounds = array<i64: 2000, 1>}, {pipeline_mode = #tpu.pipeline_mode<synchronous>, transform_indices = @transform_7, window_bounds = array<i64: 128, 32>}, {pipeline_mode = #tpu.pipeline_mode<synchronous>, transform_indices = @transform_8, window_bounds = array<i64: 1, 32>}, {pipeline_mode = #tpu.pipeline_mode<synchronous>, transform_indices = @transform_9, window_bounds = array<i64: 32, 16>}, {pipeline_mode = #tpu.pipeline_mode<synchronous>, transform_indices = @transform_10, window_bounds = array<i64: 1, 16>}, {pipeline_mode = #tpu.pipeline_mode<synchronous>, transform_indices = @transform_11, window_bounds = array<i64: 16, 1>}, {pipeline_mode = #tpu.pipeline_mode<synchronous>, transform_indices = @transform_12, window_bounds = array<i64: 1, 1>}, {pipeline_mode = #tpu.pipeline_mode<synchronous>, transform_indices = @transform_13, window_bounds = array<i64: 64, 1>}]} {
    %eq3A = arith.constant 0 : i32
    %eq3A_0 = arith.cmpi eq, %arg0, %eq3A : i32
    %convert_element_type3A = arith.extui %eq3A_0 : i1 to i32
    %cond3A = arith.constant 0 : i32
    %cond3A_1 = arith.cmpi ne, %convert_element_type3A, %cond3A : i32
    scf.if %cond3A_1 {
      %broadcast_in_dim3A_96 = arith.constant 0.000000e+00 : f32
      %broadcast_in_dim3A_97 = vector.broadcast %broadcast_in_dim3A_96 : f32 to vector<64x64xf32>
      %swap3A_98 = arith.constant 0 : index
      %swap3A_99 = arith.constant 0 : index
      %swap3A_100 = vector.load %arg15[%swap3A_98, %swap3A_99] : memref<64x64xf32, #tpu.memory_space<vmem>>, vector<64x64xf32>
      tpu.vector_store %arg15[%swap3A_98, %swap3A_99], %broadcast_in_dim3A_97 {strides = array<i32>} : memref<64x64xf32, #tpu.memory_space<vmem>>, vector<64x64xf32>,
      %broadcast_in_dim3A_101 = arith.constant 0.000000e+00 : f32
      %broadcast_in_dim3A_102 = vector.broadcast %broadcast_in_dim3A_101 : f32 to vector<64x1xf32>
      %swap3A_103 = arith.constant 0 : index
      %swap3A_104 = arith.constant 0 : index
      %swap3A_105 = vector.load %arg16[%swap3A_103, %swap3A_104] : memref<64x1xf32, #tpu.memory_space<vmem>>, vector<64x1xf32>
      tpu.vector_store %arg16[%swap3A_103, %swap3A_104], %broadcast_in_dim3A_102 {strides = array<i32>} : memref<64x1xf32, #tpu.memory_space<vmem>>, vector<64x1xf32>,
      %broadcast_in_dim3A_106 = arith.constant 0xFF800000 : f32
      %broadcast_in_dim3A_107 = vector.broadcast %broadcast_in_dim3A_106 : f32 to vector<64x64xf32>
      %swap3A_108 = arith.constant 0 : index
      %swap3A_109 = arith.constant 0 : index
      %swap3A_110 = vector.load %arg17[%swap3A_108, %swap3A_109] : memref<64x64xf32, #tpu.memory_space<vmem>>, vector<64x64xf32>
      tpu.vector_store %arg17[%swap3A_108, %swap3A_109], %broadcast_in_dim3A_107 {strides = array<i32>} : memref<64x64xf32, #tpu.memory_space<vmem>>, vector<64x64xf32>,
    } else {
    }
    %get3A = arith.constant 0 : index
    %get3A_2 = arith.constant 0 : index
    %get3A_3 = arith.constant 0 : index
    %get3A_4 = vector.load %arg1[%get3A, %get3A_2, %get3A_3] : memref<2x2000x32xf32, #tpu.memory_space<vmem>>, vector<1x2000x32xf32>
    %get3A_5 = vector.shape_cast %get3A_4 : vector<1x2000x32xf32> to vector<2000x32xf32>
    %get3A_6 = arith.constant 0 : index
    %get3A_7 = arith.constant 0 : index
    %get3A_8 = arith.constant 0 : index
    %get3A_9 = vector.load %arg2[%get3A_6, %get3A_7, %get3A_8] : memref<2x2000x32xf32, #tpu.memory_space<vmem>>, vector<1x2000x32xf32>
    %get3A_10 = vector.shape_cast %get3A_9 : vector<1x2000x32xf32> to vector<2000x32xf32>
    %add3A = arith.addf %get3A_5, %get3A_10 : vector<2000x32xf32>
    %get3A_11 = arith.constant 1 : index
    %get3A_12 = arith.constant 0 : index
    %get3A_13 = arith.constant 0 : index
    %get3A_14 = vector.load %arg1[%get3A_11, %get3A_12, %get3A_13] : memref<2x2000x32xf32, #tpu.memory_space<vmem>>, vector<1x2000x32xf32>
    %get3A_15 = vector.shape_cast %get3A_14 : vector<1x2000x32xf32> to vector<2000x32xf32>
    %get3A_16 = arith.constant 1 : index
    %get3A_17 = arith.constant 0 : index
    %get3A_18 = arith.constant 0 : index
    %get3A_19 = vector.load %arg2[%get3A_16, %get3A_17, %get3A_18] : memref<2x2000x32xf32, #tpu.memory_space<vmem>>, vector<1x2000x32xf32>
    %get3A_20 = vector.shape_cast %get3A_19 : vector<1x2000x32xf32> to vector<2000x32xf32>
    %add3A_21 = arith.addf %get3A_15, %get3A_20 : vector<2000x32xf32>
    %concatenate3A = tpu.concatenate %add3A, %add3A_21 in 1 : vector<2000x32xf32>, vector<2000x32xf32> -> vector<2000x64xf32>
    %get3A_22 = arith.constant 0 : index
    %get3A_23 = arith.constant 0 : index
    %get3A_24 = vector.load %arg3[%get3A_22, %get3A_23] : memref<2000x1xf32, #tpu.memory_space<vmem>>, vector<2000x1xf32>
    %mul3A = vector.broadcast %get3A_24 : vector<2000x1xf32> to vector<2000x64xf32>
    %mul3A_25 = arith.mulf %concatenate3A, %mul3A : vector<2000x64xf32>
    %get3A_26 = arith.constant 0 : index
    %get3A_27 = arith.constant 0 : index
    %get3A_28 = vector.load %arg4[%get3A_26, %get3A_27] : memref<1x64xf32, #tpu.memory_space<vmem>>, vector<1x64xf32>
    %add3A_29 = vector.broadcast %get3A_28 : vector<1x64xf32> to vector<2000x64xf32>
    %add3A_30 = arith.addf %mul3A_25, %add3A_29 : vector<2000x64xf32>
    %get3A_31 = arith.constant 0 : index
    %get3A_32 = arith.constant 0 : index
    %get3A_33 = vector.load %arg5[%get3A_31, %get3A_32] : memref<1x64xf32, #tpu.memory_space<vmem>>, vector<1x64xf32>
    %rsqrt3A = arith.constant 1.000010e+00 : f32
    %rsqrt3A_34 = math.rsqrt %rsqrt3A : f32
    %mul3A_35 = vector.broadcast %rsqrt3A_34 : f32 to vector<1x64xf32>
    %mul3A_36 = arith.mulf %get3A_33, %mul3A_35 : vector<1x64xf32>
    %mul3A_37 = vector.broadcast %mul3A_36 : vector<1x64xf32> to vector<2000x64xf32>
    %mul3A_38 = arith.mulf %add3A_30, %mul3A_37 : vector<2000x64xf32>
    %get3A_39 = arith.constant 0 : index
    %get3A_40 = arith.constant 0 : index
    %get3A_41 = vector.load %arg6[%get3A_39, %get3A_40] : memref<1x64xf32, #tpu.memory_space<vmem>>, vector<1x64xf32>
    %add3A_42 = vector.broadcast %get3A_41 : vector<1x64xf32> to vector<2000x64xf32>
    %add3A_43 = arith.addf %mul3A_38, %add3A_42 : vector<2000x64xf32>
    %max3A = arith.constant 0.000000e+00 : f32
    %max3A_44 = vector.broadcast %max3A : f32 to vector<2000x64xf32>
    %max3A_45 = arith.maximumf %add3A_43, %max3A_44 : vector<2000x64xf32>
    %get3A_46 = arith.constant 0 : index
    %get3A_47 = arith.constant 0 : index
    %get3A_48 = vector.load %arg7[%get3A_46, %get3A_47] : memref<2000x1xi32, #tpu.memory_space<vmem>>, vector<2000x1xi32>
    %iota3A = tpu.iota {dimensions = array<i32: 1>} : vector<2000x64xi32>
    %eq3A_49 = vector.broadcast %get3A_48 : vector<2000x1xi32> to vector<2000x64xi32>
    %eq3A_50 = arith.cmpi eq, %eq3A_49, %iota3A : vector<2000x64xi32>
    %convert_element_type3A_51 = arith.extui %eq3A_50 : vector<2000x64xi1> to vector<2000x64xi32>
    %convert_element_type3A_52 = arith.sitofp %convert_element_type3A_51 : vector<2000x64xi32> to vector<2000x64xf32>
    %get3A_53 = arith.constant 0 : index
    %get3A_54 = arith.constant 0 : index
    %get3A_55 = vector.load %arg15[%get3A_53, %get3A_54] : memref<64x64xf32, #tpu.memory_space<vmem>>, vector<64x64xf32>
    %dot_general3A = arith.constant dense<0.000000e+00> : vector<64x64xf32>
    %dot_general3A_56 = tpu.matmul %convert_element_type3A_52, %max3A_45, %dot_general3A {dimension_numbers = #tpu.dot_dimension_numbers<[0], [0], [1], [1], [0, 1, 1, 1], [], []>, precision = #tpu.contract_precision<fp32>, transpose_lhs_hint = false} : vector<2000x64xf32>, vector<2000x64xf32>, vector<64x64xf32> -> vector<64x64xf32>
    %add3A_57 = arith.addf %get3A_55, %dot_general3A_56 : vector<64x64xf32>
    %swap3A = arith.constant 0 : index
    %swap3A_58 = arith.constant 0 : index
    %swap3A_59 = vector.load %arg15[%swap3A, %swap3A_58] : memref<64x64xf32, #tpu.memory_space<vmem>>, vector<64x64xf32>
    tpu.vector_store %arg15[%swap3A, %swap3A_58], %add3A_57 {strides = array<i32>} : memref<64x64xf32, #tpu.memory_space<vmem>>, vector<64x64xf32>,
    %get3A_60 = arith.constant 0 : index
    %get3A_61 = arith.constant 0 : index
    %get3A_62 = vector.load %arg16[%get3A_60, %get3A_61] : memref<64x1xf32, #tpu.memory_space<vmem>>, vector<64x1xf32>
    %broadcast_in_dim3A = arith.constant 1.000000e+00 : f32
    %broadcast_in_dim3A_63 = vector.broadcast %broadcast_in_dim3A : f32 to vector<2000x1xf32>
    %dot_general3A_64 = arith.constant dense<0.000000e+00> : vector<64x1xf32>
    %dot_general3A_65 = tpu.matmul %convert_element_type3A_52, %broadcast_in_dim3A_63, %dot_general3A_64 {dimension_numbers = #tpu.dot_dimension_numbers<[0], [0], [1], [1], [0, 1, 1, 1], [], []>, precision = #tpu.contract_precision<fp32>, transpose_lhs_hint = false} : vector<2000x64xf32>, vector<2000x1xf32>, vector<64x1xf32> -> vector<64x1xf32>
    %add3A_66 = arith.addf %get3A_62, %dot_general3A_65 : vector<64x1xf32>
    %swap3A_67 = arith.constant 0 : index
    %swap3A_68 = arith.constant 0 : index
    %swap3A_69 = vector.load %arg16[%swap3A_67, %swap3A_68] : memref<64x1xf32, #tpu.memory_space<vmem>>, vector<64x1xf32>
    tpu.vector_store %arg16[%swap3A_67, %swap3A_68], %add3A_66 {strides = array<i32>} : memref<64x1xf32, #tpu.memory_space<vmem>>, vector<64x1xf32>,
    %reduce_min3A = vector.shape_cast %get3A_48 : vector<2000x1xi32> to vector<1x2000x1xi32>
    %reduce_min3A_70 = arith.constant dense<2147483647> : vector<1xi32>
    %reduce_min3A_71 = vector.multi_reduction <minsi>, %reduce_min3A, %reduce_min3A_70 [1, 2] : vector<1x2000x1xi32> to vector<1xi32>
    %reduce_min3A_72 = vector.shape_cast %reduce_min3A_71 : vector<1xi32> to vector<1x1x1xi32>
    %reduce_min3A_73 = vector.extract %reduce_min3A_72[0, 0, 0] : i32 from vector<1x1x1xi32>
    %reduce_max3A = vector.shape_cast %get3A_48 : vector<2000x1xi32> to vector<1x2000x1xi32>
    %reduce_max3A_74 = arith.constant dense<-2147483648> : vector<1xi32>
    %reduce_max3A_75 = vector.multi_reduction <maxsi>, %reduce_max3A, %reduce_max3A_74 [1, 2] : vector<1x2000x1xi32> to vector<1xi32>
    %reduce_max3A_76 = vector.shape_cast %reduce_max3A_75 : vector<1xi32> to vector<1x1x1xi32>
    %reduce_max3A_77 = vector.extract %reduce_max3A_76[0, 0, 0] : i32 from vector<1x1x1xi32>
    %iota3A_78 = tpu.iota {dimensions = array<i32: 0>} : vector<64x64xi32>
    %add3A_79 = arith.constant 1 : i32
    %add3A_80 = arith.addi %reduce_max3A_77, %add3A_79 : i32
    %while3A = arith.constant 0 : i32
    %while3A_81 = arith.subi %add3A_80, %reduce_min3A_73 : i32
    %while3A_82 = arith.addi %reduce_min3A_73, %while3A_81 : i32
    %while3A_83 = arith.constant 1 : i32
    %while3A_84 = arith.divsi %while3A_81, %while3A_83 : i32
    %while3A_85 = arith.muli %while3A_84, %while3A_83 : i32
    %while3A_86 = arith.addi %reduce_min3A_73, %while3A_85 : i32
    %while3A_87 = arith.constant 1 : i32
    %while3A_88 = scf.for %while3A_96 = %reduce_min3A_73 to %while3A_86 step %while3A_87 iter_args(%while3A_97 = %while3A) -> (i32)  : i32 {
      %eq3A_98 = vector.broadcast %while3A_96 : i32 to vector<2000x1xi32>
      %eq3A_99 = arith.cmpi eq, %get3A_48, %eq3A_98 : vector<2000x1xi32>
      %jit3A = arith.constant 0xFF800000 : f32
      %broadcast_in_dim3A_100 = vector.shape_cast %eq3A_99 : vector<2000x1xi1> to vector<2000x1xi1>
      %broadcast_in_dim3A_101 = vector.broadcast %broadcast_in_dim3A_100 : vector<2000x1xi1> to vector<2000x64xi1>
      %broadcast_in_dim3A_102 = vector.broadcast %jit3A : f32 to vector<2000x64xf32>
      %select_n3A = arith.select %broadcast_in_dim3A_101, %max3A_45, %broadcast_in_dim3A_102 : vector<2000x64xi1>, vector<2000x64xf32>
      %reduce_max3A_103 = arith.constant dense<0xFF800000> : vector<64xf32>
      %reduce_max3A_104 = vector.multi_reduction <maximumf>, %select_n3A, %reduce_max3A_103 [0] : vector<2000x64xf32> to vector<64xf32>
      %broadcast_in_dim3A_105 = vector.shape_cast %reduce_max3A_104 : vector<64xf32> to vector<1x64xf32>
      %eq3A_106 = vector.broadcast %while3A_96 : i32 to vector<64x64xi32>
      %eq3A_107 = arith.cmpi eq, %iota3A_78, %eq3A_106 : vector<64x64xi32>
      %broadcast_in_dim3A_108 = vector.shape_cast %broadcast_in_dim3A_105 : vector<1x64xf32> to vector<1x64xf32>
      %broadcast_in_dim3A_109 = vector.broadcast %broadcast_in_dim3A_108 : vector<1x64xf32> to vector<64x64xf32>
      %jit3A_110 = arith.constant 0xFF800000 : f32
      %broadcast_in_dim3A_111 = vector.broadcast %jit3A_110 : f32 to vector<64x64xf32>
      %select_n3A_112 = arith.select %eq3A_107, %broadcast_in_dim3A_109, %broadcast_in_dim3A_111 : vector<64x64xi1>, vector<64x64xf32>
      %get3A_113 = arith.constant 0 : index
      %get3A_114 = arith.constant 0 : index
      %get3A_115 = vector.load %arg17[%get3A_113, %get3A_114] : memref<64x64xf32, #tpu.memory_space<vmem>>, vector<64x64xf32>
      %max3A_116 = arith.maximumf %get3A_115, %select_n3A_112 : vector<64x64xf32>
      %swap3A_117 = arith.constant 0 : index
      %swap3A_118 = arith.constant 0 : index
      %swap3A_119 = vector.load %arg17[%swap3A_117, %swap3A_118] : memref<64x64xf32, #tpu.memory_space<vmem>>, vector<64x64xf32>
      tpu.vector_store %arg17[%swap3A_117, %swap3A_118], %max3A_116 {strides = array<i32>} : memref<64x64xf32, #tpu.memory_space<vmem>>, vector<64x64xf32>,
      %while3A_120 = arith.constant 0 : i32
      scf.yield %while3A_120 : i32
    }
    %while3A_89 = arith.constant 1 : i32
    %while3A_90 = scf.for %while3A_96 = %while3A_86 to %while3A_82 step %while3A_89 iter_args(%while3A_97 = %while3A_88) -> (i32)  : i32 {
      %eq3A_98 = vector.broadcast %while3A_96 : i32 to vector<2000x1xi32>
      %eq3A_99 = arith.cmpi eq, %get3A_48, %eq3A_98 : vector<2000x1xi32>
      %jit3A = arith.constant 0xFF800000 : f32
      %broadcast_in_dim3A_100 = vector.shape_cast %eq3A_99 : vector<2000x1xi1> to vector<2000x1xi1>
      %broadcast_in_dim3A_101 = vector.broadcast %broadcast_in_dim3A_100 : vector<2000x1xi1> to vector<2000x64xi1>
      %broadcast_in_dim3A_102 = vector.broadcast %jit3A : f32 to vector<2000x64xf32>
      %select_n3A = arith.select %broadcast_in_dim3A_101, %max3A_45, %broadcast_in_dim3A_102 : vector<2000x64xi1>, vector<2000x64xf32>
      %reduce_max3A_103 = arith.constant dense<0xFF800000> : vector<64xf32>
      %reduce_max3A_104 = vector.multi_reduction <maximumf>, %select_n3A, %reduce_max3A_103 [0] : vector<2000x64xf32> to vector<64xf32>
      %broadcast_in_dim3A_105 = vector.shape_cast %reduce_max3A_104 : vector<64xf32> to vector<1x64xf32>
      %eq3A_106 = vector.broadcast %while3A_96 : i32 to vector<64x64xi32>
      %eq3A_107 = arith.cmpi eq, %iota3A_78, %eq3A_106 : vector<64x64xi32>
      %broadcast_in_dim3A_108 = vector.shape_cast %broadcast_in_dim3A_105 : vector<1x64xf32> to vector<1x64xf32>
      %broadcast_in_dim3A_109 = vector.broadcast %broadcast_in_dim3A_108 : vector<1x64xf32> to vector<64x64xf32>
      %jit3A_110 = arith.constant 0xFF800000 : f32
      %broadcast_in_dim3A_111 = vector.broadcast %jit3A_110 : f32 to vector<64x64xf32>
      %select_n3A_112 = arith.select %eq3A_107, %broadcast_in_dim3A_109, %broadcast_in_dim3A_111 : vector<64x64xi1>, vector<64x64xf32>
      %get3A_113 = arith.constant 0 : index
      %get3A_114 = arith.constant 0 : index
      %get3A_115 = vector.load %arg17[%get3A_113, %get3A_114] : memref<64x64xf32, #tpu.memory_space<vmem>>, vector<64x64xf32>
      %max3A_116 = arith.maximumf %get3A_115, %select_n3A_112 : vector<64x64xf32>
      %swap3A_117 = arith.constant 0 : index
      %swap3A_118 = arith.constant 0 : index
      %swap3A_119 = vector.load %arg17[%swap3A_117, %swap3A_118] : memref<64x64xf32, #tpu.memory_space<vmem>>, vector<64x64xf32>
      tpu.vector_store %arg17[%swap3A_117, %swap3A_118], %max3A_116 {strides = array<i32>} : memref<64x64xf32, #tpu.memory_space<vmem>>, vector<64x64xf32>,
      %while3A_120 = arith.constant 0 : i32
      scf.yield %while3A_120 : i32
    }
    %eq3A_91 = arith.constant 24 : i32
    %eq3A_92 = arith.cmpi eq, %arg0, %eq3A_91 : i32
    %convert_element_type3A_93 = arith.extui %eq3A_92 : i1 to i32
    %cond3A_94 = arith.constant 0 : i32
    %cond3A_95 = arith.cmpi ne, %convert_element_type3A_93, %cond3A_94 : i32
    scf.if %cond3A_95 {
      %get3A_96 = arith.constant 0 : index
      %get3A_97 = arith.constant 0 : index
      %get3A_98 = vector.load %arg15[%get3A_96, %get3A_97] : memref<64x64xf32, #tpu.memory_space<vmem>>, vector<64x64xf32>
      %get3A_99 = arith.constant 0 : index
      %get3A_100 = arith.constant 0 : index
      %get3A_101 = vector.load %arg16[%get3A_99, %get3A_100] : memref<64x1xf32, #tpu.memory_space<vmem>>, vector<64x1xf32>
      %max3A_102 = arith.constant 1.000000e+00 : f32
      %max3A_103 = vector.broadcast %max3A_102 : f32 to vector<64x1xf32>
      %max3A_104 = arith.maximumf %get3A_101, %max3A_103 : vector<64x1xf32>
      %div3A = vector.broadcast %max3A_104 : vector<64x1xf32> to vector<64x64xf32>
      %div3A_105 = arith.divf %get3A_98, %div3A : vector<64x64xf32>
      %get3A_106 = arith.constant 0 : index
      %get3A_107 = arith.constant 0 : index
      %get3A_108 = vector.load %arg17[%get3A_106, %get3A_107] : memref<64x64xf32, #tpu.memory_space<vmem>>, vector<64x64xf32>
      %concatenate3A_109 = tpu.concatenate %div3A_105, %get3A_108 in 1 : vector<64x64xf32>, vector<64x64xf32> -> vector<64x128xf32>
      %convert_element_type3A_110 = arith.truncf %concatenate3A_109 : vector<64x128xf32> to vector<64x128xbf16>
      %get3A_111 = arith.constant 0 : index
      %get3A_112 = arith.constant 0 : index
      %get3A_113 = vector.load %arg8[%get3A_111, %get3A_112] : memref<128x32xf32, #tpu.memory_space<vmem>>, vector<128x32xf32>
      %convert_element_type3A_114 = arith.truncf %get3A_113 : vector<128x32xf32> to vector<128x32xbf16>
      %dot_general3A_115 = arith.constant dense<0.000000e+00> : vector<64x32xf32>
      %dot_general3A_116 = tpu.matmul %convert_element_type3A_110, %convert_element_type3A_114, %dot_general3A_115 {dimension_numbers = #tpu.dot_dimension_numbers<[1], [0], [0], [1], [0, 0, 1, 1], [], []>, transpose_lhs_hint = false} : vector<64x128xbf16>, vector<128x32xbf16>, vector<64x32xf32> -> vector<64x32xf32>
      %get3A_117 = arith.constant 0 : index
      %get3A_118 = arith.constant 0 : index
      %get3A_119 = vector.load %arg9[%get3A_117, %get3A_118] : memref<1x32xf32, #tpu.memory_space<vmem>>, vector<1x32xf32>
      %add3A_120 = vector.broadcast %get3A_119 : vector<1x32xf32> to vector<64x32xf32>
      %add3A_121 = arith.addf %dot_general3A_116, %add3A_120 : vector<64x32xf32>
      %max3A_122 = arith.constant 0.000000e+00 : f32
      %max3A_123 = vector.broadcast %max3A_122 : f32 to vector<64x32xf32>
      %max3A_124 = arith.maximumf %add3A_121, %max3A_123 : vector<64x32xf32>
      %convert_element_type3A_125 = arith.truncf %max3A_124 : vector<64x32xf32> to vector<64x32xbf16>
      %get3A_126 = arith.constant 0 : index
      %get3A_127 = arith.constant 0 : index
      %get3A_128 = vector.load %arg10[%get3A_126, %get3A_127] : memref<32x16xf32, #tpu.memory_space<vmem>>, vector<32x16xf32>
      %convert_element_type3A_129 = arith.truncf %get3A_128 : vector<32x16xf32> to vector<32x16xbf16>
      %dot_general3A_130 = arith.constant dense<0.000000e+00> : vector<64x16xf32>
      %dot_general3A_131 = tpu.matmul %convert_element_type3A_125, %convert_element_type3A_129, %dot_general3A_130 {dimension_numbers = #tpu.dot_dimension_numbers<[1], [0], [0], [1], [0, 0, 1, 1], [], []>, transpose_lhs_hint = false} : vector<64x32xbf16>, vector<32x16xbf16>, vector<64x16xf32> -> vector<64x16xf32>
      %get3A_132 = arith.constant 0 : index
      %get3A_133 = arith.constant 0 : index
      %get3A_134 = vector.load %arg11[%get3A_132, %get3A_133] : memref<1x16xf32, #tpu.memory_space<vmem>>, vector<1x16xf32>
      %add3A_135 = vector.broadcast %get3A_134 : vector<1x16xf32> to vector<64x16xf32>
      %add3A_136 = arith.addf %dot_general3A_131, %add3A_135 : vector<64x16xf32>
      %max3A_137 = arith.constant 0.000000e+00 : f32
      %max3A_138 = vector.broadcast %max3A_137 : f32 to vector<64x16xf32>
      %max3A_139 = arith.maximumf %add3A_136, %max3A_138 : vector<64x16xf32>
      %convert_element_type3A_140 = arith.truncf %max3A_139 : vector<64x16xf32> to vector<64x16xbf16>
      %get3A_141 = arith.constant 0 : index
      %get3A_142 = arith.constant 0 : index
      %get3A_143 = vector.load %arg12[%get3A_141, %get3A_142] : memref<16x1xf32, #tpu.memory_space<vmem>>, vector<16x1xf32>
      %convert_element_type3A_144 = arith.truncf %get3A_143 : vector<16x1xf32> to vector<16x1xbf16>
      %dot_general3A_145 = arith.constant dense<0.000000e+00> : vector<64x1xf32>
      %dot_general3A_146 = tpu.matmul %convert_element_type3A_140, %convert_element_type3A_144, %dot_general3A_145 {dimension_numbers = #tpu.dot_dimension_numbers<[1], [0], [0], [1], [0, 0, 1, 1], [], []>, transpose_lhs_hint = false} : vector<64x16xbf16>, vector<16x1xbf16>, vector<64x1xf32> -> vector<64x1xf32>
      %get3A_147 = arith.constant 0 : index
      %get3A_148 = arith.constant 0 : index
      %get3A_149 = vector.load %arg13[%get3A_147, %get3A_148] : memref<1x1xf32, #tpu.memory_space<vmem>>, vector<1x1xf32>
      %add3A_150 = vector.broadcast %get3A_149 : vector<1x1xf32> to vector<64x1xf32>
      %add3A_151 = arith.addf %dot_general3A_146, %add3A_150 : vector<64x1xf32>
      %swap3A_152 = arith.constant 0 : index
      %swap3A_153 = arith.constant 0 : index
      %swap3A_154 = vector.load %arg14[%swap3A_152, %swap3A_153] : memref<64x1xf32, #tpu.memory_space<vmem>>, vector<64x1xf32>
      tpu.vector_store %arg14[%swap3A_152, %swap3A_153], %add3A_151 {strides = array<i32>} : memref<64x1xf32, #tpu.memory_space<vmem>>, vector<64x1xf32>,
    } else {
    }
    return
  }
  func.func @transform_0(%arg0: i32) -> (i32, i32, i32) {
    %c0_i32 = arith.constant 0 : i32
    %c0_i32_0 = arith.constant 0 : i32
    %c0_i32_1 = arith.constant 0 : i32
    return %c0_i32, %arg0, %c0_i32_0 : i32, i32, i32
  }
  func.func @transform_1(%arg0: i32) -> (i32, i32, i32) {
    %c0_i32 = arith.constant 0 : i32
    %c0_i32_0 = arith.constant 0 : i32
    %c0_i32_1 = arith.constant 0 : i32
    return %c0_i32, %arg0, %c0_i32_0 : i32, i32, i32
  }
  func.func @transform_2(%arg0: i32) -> (i32, i32) {
    %c0_i32 = arith.constant 0 : i32
    %c0_i32_0 = arith.constant 0 : i32
    return %arg0, %c0_i32 : i32, i32
  }
  func.func @transform_3(%arg0: i32) -> (i32, i32) {
    %c0_i32 = arith.constant 0 : i32
    %c0_i32_0 = arith.constant 0 : i32
    %c0_i32_1 = arith.constant 0 : i32
    return %c0_i32, %c0_i32_0 : i32, i32
  }
  func.func @transform_4(%arg0: i32) -> (i32, i32) {
    %c0_i32 = arith.constant 0 : i32
    %c0_i32_0 = arith.constant 0 : i32
    %c0_i32_1 = arith.constant 0 : i32
    return %c0_i32, %c0_i32_0 : i32, i32
  }
  func.func @transform_5(%arg0: i32) -> (i32, i32) {
    %c0_i32 = arith.constant 0 : i32
    %c0_i32_0 = arith.constant 0 : i32
    %c0_i32_1 = arith.constant 0 : i32
    return %c0_i32, %c0_i32_0 : i32, i32
  }
  func.func @transform_6(%arg0: i32) -> (i32, i32) {
    %c0_i32 = arith.constant 0 : i32
    %c0_i32_0 = arith.constant 0 : i32
    return %arg0, %c0_i32 : i32, i32
  }
  func.func @transform_7(%arg0: i32) -> (i32, i32) {
    %c0_i32 = arith.constant 0 : i32
    %c0_i32_0 = arith.constant 0 : i32
    %c0_i32_1 = arith.constant 0 : i32
    return %c0_i32, %c0_i32_0 : i32, i32
  }
  func.func @transform_8(%arg0: i32) -> (i32, i32) {
    %c0_i32 = arith.constant 0 : i32
    %c0_i32_0 = arith.constant 0 : i32
    %c0_i32_1 = arith.constant 0 : i32
    return %c0_i32, %c0_i32_0 : i32, i32
  }
  func.func @transform_9(%arg0: i32) -> (i32, i32) {
    %c0_i32 = arith.constant 0 : i32
    %c0_i32_0 = arith.constant 0 : i32
    %c0_i32_1 = arith.constant 0 : i32
    return %c0_i32, %c0_i32_0 : i32, i32
  }
  func.func @transform_10(%arg0: i32) -> (i32, i32) {
    %c0_i32 = arith.constant 0 : i32
    %c0_i32_0 = arith.constant 0 : i32
    %c0_i32_1 = arith.constant 0 : i32
    return %c0_i32, %c0_i32_0 : i32, i32
  }
  func.func @transform_11(%arg0: i32) -> (i32, i32) {
    %c0_i32 = arith.constant 0 : i32
    %c0_i32_0 = arith.constant 0 : i32
    %c0_i32_1 = arith.constant 0 : i32
    return %c0_i32, %c0_i32_0 : i32, i32
  }
  func.func @transform_12(%arg0: i32) -> (i32, i32) {
    %c0_i32 = arith.constant 0 : i32
    %c0_i32_0 = arith.constant 0 : i32
    %c0_i32_1 = arith.constant 0 : i32
    return %c0_i32, %c0_i32_0 : i32, i32
  }
  func.func @transform_13(%arg0: i32) -> (i32, i32) {
    %c0_i32 = arith.constant 0 : i32
    %c0_i32_0 = arith.constant 0 : i32
    %c0_i32_1 = arith.constant 0 : i32
    return %c0_i32, %c0_i32_0 : i32, i32
  }
}

</mosaic_0001>

<sc_bundles>
// kernel: kernel.10.cloned.1.call-start
scs
__scs_entry_jumppad:
0x0: {  	(pc) =	sbr.rel $0x88, $3  }
0x1: {  	(tag) =	ssettag $0x0;
	lr =	simm.s32 $0x1  }
0x2: {  	[smem:$0x3F8C] =	sst lr;
	_ =	strace $0xD0000000  }
0x3: {  	_ = 	snop  }
0x4: {  	_ = 	snop  }
0x5: {  	_ = 	snop  }
0x6: {  	_ = 	snop  }
0x7: {  	_ = 	snop  }
__scs_overlays_trampoline_lowered:
0x8: {  	[smem:$0x3F9B] =	sst s0  }
0x9: {  	[smem:$0x3F9C] =	sst s1  }
0xa: {  	[smem:$0x3F9D] =	sst s2  }
0xb: {  	[smem:$0x3F9E] =	sst s3  }
0xc: {  	[smem:$0x3F9F] =	sst s4  }
0xd: {  	[smem:$0x3FA0] =	sst s5  }
0xe: {  	[smem:$0x3FA1] =	sst s6  }
0xf: {  	[smem:$0x3FA2] =	sst s7  }
0x10: {  	[smem:$0x3FA3] =	sst s8  }
0x11: {  	[smem:$0x3FA4] =	sst s9;
	s0 =	simm.s32 @!p0 $0x0  }
0x12: {  	s1 =	sld [smem:$0x3F8A];
	s0 =	simm.s32 @p0 $0x1  }
0x13: {  	[smem:$0x3FA5] =	sst s0;
	s0 =	simm.s32 @!p1 $0x0  }
0x14: {  	s2 =	sld [smem:$0x3F89];
	s0 =	simm.s32 @p1 $0x1  }
0x15: {  	[smem:$0x3FA6] =	sst s0;
	s0 =	simm.s32 @!p2 $0x0  }
0x16: {  	s3 =	sld [smem:$0x3FDB];
	s0 =	simm.s32 @p2 $0x1  }
0x17: {  	s4 =	simm.s32 $0x1BF5;
	[smem:$0x3FA8] =	sst s0  }
0x18: {  	s0 =	sld [smem:$0x3F8B];
	_ =	swait.ge [sflag:s4], $0x0  }
0x19: {  	s7 =	sld [smem:$0x3F8C]  }
0x1a: {  	s8 =	sadd.s32 $0xFFFFE003, lr  }
0x1b: {  	s9 =	sadd.s32 $0xFFFFFEF7, lr;
	s5 =	simm.s32 $0xFFFFFFFF;
	p2 =	slt.u32 s8, $0xFFFFF086  }
0x1c: {  	p1 =	slt.u32 s9, $0xF7A;
	s5 =	simm.s32 @!p2 $0x0  }
0x1d: {  	s5 =	simm.s32 @p1 $0x1;
	p0 =	seq.s32 s7, s2  }
0x1e: {  	s7 =	smul.u32 @!p0 $0xF7A, s2;
	p2 =	seq.s32 @!p0 s5, $0x0  }
0x1f: {  	s9 =	smul.u32 $0xF7A, s1;
	s8 =	simm.s32 @!p0 $0x1BF5;
	p2 =	por !p2, p0  }
0x20: {  	[sflag:s8] =	ssyncset.s32 @!p0 $0xFFFFF086;
	s6 =	sadd.s32 @!p0 s3, s7;
	s7 =	simm.s32 @!p0 $0x108  }
0x21: {  	s3 =	sadd.s32 s3, s9;
	s6 =	sadd.s32 @!p0 $0x88, s6;
	s7 =	simm.s32 @p2 $0x1082  }
0x22: {  	[simem:s7], [sflag:s8] =	dma.local @!p0 [hbm:s6], $0xF7A  }
0x23: {  	s9 =	sor.u32 $0xD0000000, s2;
	s6 =	simm.s32 $0x108;
	_ =	swait.ge @!p0 [sflag:s8], $0x0  }
0x24: {  	s3 =	sadd.s32 $0x88, s3;
	s6 =	simm.s32 @!p1 $0x1082;
	[sflag:s4] =	ssyncset.s32 $0xFFFFF086  }
0x25: {  	[simem:s6], [sflag:s4] =	dma.local [hbm:s3], $0xF7A  }
0x26: {  	[smem:$0x3F8C] =	sst s1;
	(tag) =	ssettag s2;
	_ =	strace s9  }
0x27: {  	s1 =	sld [smem:$0x3F9C]  }
0x28: {  	s2 =	sld [smem:$0x3F9D]  }
0x29: {  	s4 =	sld [smem:$0x3F9F]  }
0x2a: {  	p0 =	seq.s32 s5, $0x0;
	s5 =	sld [smem:$0x3FA0]  }
0x2b: {  	s6 =	sld [smem:$0x3FA1]  }
0x2c: {  	s7 =	sld [smem:$0x3FA2]  }
0x2d: {  	s3 =	simm.s32 $0x108;
	s8 =	sld [smem:$0x3FA3]  }
0x2e: {  	s3 =	simm.s32 @!p0 $0x1082;
	s9 =	sld [smem:$0x3FA4]  }
0x2f: {  	lr =	sadd.s32 s0, s3;
	s0 =	sld [smem:$0x3F9B]  }
0x30: {  	s3 =	sld [smem:$0x3F9E]  }
0x31: {  	[smem:$0x3FA7] =	sst s10  }
0x32: {  	s10 =	sld [smem:$0x3FA5];
	_ =	sdelay $0x3  }
0x33: {  	p0 =	seq.s32 s10, $0x1;
	s10 =	sld [smem:$0x3FA7];
	_ =	sdelay $0x3  }
0x34: {  	[smem:$0x3FA7] =	sst s10  }
0x35: {  	s10 =	sld [smem:$0x3FA6];
	_ =	sdelay $0x3  }
0x36: {  	p1 =	seq.s32 s10, $0x1;
	s10 =	sld [smem:$0x3FA7];
	_ =	sdelay $0x3  }
0x37: {  	[smem:$0x3FA7] =	sst s10  }
0x38: {  	s10 =	sld [smem:$0x3FA8]  }
0x39: {  	_ = 	snop;
	(pc) =	sbr.ind lr, $3  }
0x3a: {  	_ = 	snop  }
0x3b: {  	_ = 	snop  }
0x3c: {  	p2 =	seq.s32 s10, $0x1;
	s10 =	sld [smem:$0x3FA7]  }
0x3d: {  	_ =	shalt  }
0x3e: {  	_ =	shalt  }
0x3f: {  	_ =	shalt  }
0x40: {  	_ =	shalt  }
0x41: {  	_ =	shalt  }
0x42: {  	_ =	shalt  }
0x43: {  	_ =	shalt  }
0x44: {  	_ =	shalt  }
0x45: {  	_ =	shalt  }
0x46: {  	_ =	shalt  }
0x47: {  	_ =	shalt  }
0x48: {  	_ =	shalt  }
0x49: {  	_ =	shalt  }
0x4a: {  	_ =	shalt  }
0x4b: {  	_ =	shalt  }
0x4c: {  	_ =	shalt  }
0x4d: {  	_ =	shalt  }
0x4e: {  	_ =	shalt  }
0x4f: {  	_ =	shalt  }
0x50: {  	_ =	shalt  }
0x51: {  	_ =	shalt  }
0x52: {  	_ =	shalt  }
0x53: {  	_ =	shalt  }
0x54: {  	_ =	shalt  }
0x55: {  	_ =	shalt  }
0x56: {  	_ =	shalt  }
0x57: {  	_ =	shalt  }
0x58: {  	_ =	shalt  }
0x59: {  	_ =	shalt  }
0x5a: {  	_ =	shalt  }
0x5b: {  	_ =	shalt  }
0x5c: {  	_ =	shalt  }
0x5d: {  	_ =	shalt  }
0x5e: {  	_ =	shalt  }
0x5f: {  	_ =	shalt  }
0x60: {  	_ =	shalt  }
0x61: {  	_ =	shalt  }
0x62: {  	_ =	shalt  }
0x63: {  	_ =	shalt  }
0x64: {  	_ =	shalt  }
0x65: {  	_ =	shalt  }
0x66: {  	_ =	shalt  }
0x67: {  	_ =	shalt  }
0x68: {  	_ =	shalt  }
0x69: {  	_ =	shalt  }
0x6a: {  	_ =	shalt  }
0x6b: {  	_ =	shalt  }
0x6c: {  	_ =	shalt  }
0x6d: {  	_ =	shalt  }
0x6e: {  	_ =	shalt  }
0x6f: {  	_ =	shalt  }
0x70: {  	_ =	shalt  }
0x71: {  	_ =	shalt  }
0x72: {  	_ =	shalt  }
0x73: {  	_ =	shalt  }
0x74: {  	_ =	shalt  }
0x75: {  	_ =	shalt  }
0x76: {  	_ =	shalt  }
0x77: {  	_ =	shalt  }
0x78: {  	_ =	shalt  }
0x79: {  	_ =	shalt  }
0x7a: {  	_ =	shalt  }
0x7b: {  	_ =	shalt  }
0x7c: {  	_ =	shalt  }
0x7d: {  	_ =	shalt  }
0x7e: {  	_ =	shalt  }
0x7f: {  	_ =	shalt  }
0x80: {  	_ =	shalt  }
0x81: {  	_ =	shalt  }
0x82: {  	_ =	shalt  }
0x83: {  	_ =	shalt  }
0x84: {  	_ =	shalt  }
0x85: {  	_ =	shalt  }
0x86: {  	_ =	shalt  }
0x87: {  	_ =	shalt  }
.Lfunc_end0:
.L_simem_size_0:
called_computation_lowered:
.L_overlay_start_0:
0x88: {  	s2 =	sld [smem:$0x3FD9]  }
0x89: {  	s3 =	sld [smem:$0x3FFE];
	_ =	sdelay $0x1  }
0x8a: {  	s1 =	srdreg.scid  }
0x8b: {  	s0 =	sand.u32 $0x1, s1  }
0x8c: {  	s16 =	sshll.u32 s0, $0xA;
	s2 =	sadd.s32 s3, s2  }
0x8d: {  	s2 =	sadd.s32 s2, s16  }
0x8e: {  	[smem:$0x3FB3] =	sst s2  }
0x8f: {  	_ = 	snop  }
0x90: {  	(tm) =	ssettm $0x1  }
0x91: {  	s17 =	sld [smem:$0x3FFB];
	_ =	sdelay $0x3  }
0x92: {  	_ =	strace s17  }
0x93: {  	s2 =	sld [smem:$0x3FFC];
	_ =	sdelay $0x3  }
0x94: {  	_ =	strace s2  }
0x95: {  	s2 =	sld [smem:$0x3FFD];
	_ =	sdelay $0x3  }
0x96: {  	_ =	strace s2  }
0x97: {  	_ =	strace $0x8FFFFFFF  }
0x98: {  	s18 =	sld [smem:$0x3FDB];
	_ =	sdelay $0x1  }
0x99: {  	s19 =	simm.s32 $_scs_section_size  }
0x9a: {  	s4 =	simm.s32 $_size__tile_overlayer_lowered;
	s5 =	simm.s32 $_tile_overlayer_lowered  }
0x9b: {  	s22 =	simm.s32 $0x1BFF;
	s21 =	sshll.u32 s5, $0x1;
	s2 =	sadd.s32 s19, s18  }
0x9c: {  	s6 =	simm.s32 $0x0;
	s20 =	sshll.u32 s4, $0x1;
	s4 =	sadd.s32 s21, s2  }
0x9d: {  	[timem:s6], [sflag:s22] =	dma.local [hbm:s4], s20  }
0x9e: {  	_ =	swait.ge [sflag:s22], s20  }
0x9f: {  	s3 =	ssub.s32 $0x0, s20;
	[sflag:s22] =	ssyncset.done $0x0  }
0xa0: {  	[sflag:s22] =	ssyncadd.s32 s3;
	_ =	sdelay $0x1  }
0xa1: {  	s23 =	simm.s32 $0x1B8B  }
0xa2: {  	_ =	swait.ge [sflag:s23], $0x1  }
0xa3: {  	[sflag:s23] =	ssyncset.done $0x0  }
0xa4: {  	s25 =	simm.s32 $0x1B8E;
	s24 =	sld [smem:$0x3FFE];
	[sflag:s23] =	ssyncadd.s32 $0xFFFFFFFF  }
0xa5: {  	s26 =	simm.s32 $execute0_lowered;
	[smem:$0x3FD2] =	sst s25  }
0xa6: {  	s4 =	sshll.u32 s26, $0x1;
	_ =	strace $0x80000046;
	[dreg:$0x1] =	wrdreg $0xFFFFFFFF  }
0xa7: {  	s28 =	simm.s32 $_size_execute0_lowered;
	s2 =	sadd.s32 s2, s4;
	[dreg:$0x0] =	wrdreg $0x0  }
0xa8: {  	s4 =	sshll.u32 s28, $0x1;
	[dreg:$0x2] =	wrdreg s2  }
0xa9: {  	[dreg:$0x3] =	wrdreg s4  }
0xaa: {  	[dreg:$0x4] =	wrdreg $0xC0  }
0xab: {  	_ =	task [dreg:s6], $0x5FFFF  }
0xac: {  	[dreg:$0x1] =	wrdreg $0xFFFFFFFF  }
0xad: {  	[dreg:$0x0] =	wrdreg $0x60  }
0xae: {  	[dreg:$0x2] =	wrdreg s24  }
0xaf: {  	[dreg:$0x3] =	wrdreg $0x0  }
0xb0: {  	[dreg:$0x4] =	wrdreg $0x9  }
0xb1: {  	_ =	task.clear_ibuf [dreg:s6], $0x5FFFF;
	_ =	strace $0x90000046  }
0xb2: {  	s29 =	simm.s32 $0x9;
	_ =	strace $0x80000048  }
0xb3: {  	_ =	swait.ge [sflag:s29], $0x1  }
0xb4: {  	[sflag:s29] =	ssyncadd.s32 $0xFFFFFFFF  }
0xb5: {  	_ =	strace $0x90000048  }
0xb6: {  	_ =	sfence  }
0xb7: {  	s30 =	sld [smem:$0x0];
	_ =	sdelay $0x2  }
0xb8: {  	s31 =	sshll.u32 s1, $0xD;
	s1 =	sshrl.u32 s1, $0x2  }
0xb9: {  	s3 =	sand.u32 $0x4000, s31;
	s1 =	sadd.s32 s1, s30  }
0xba: {  	s0 =	sor.u32 s3, s0;
	s1 =	sshll.u32 s1, $0x11  }
0xbb: {  	s0 =	sor.u32 s1, s0  }
0xbc: {  	s0 =	sadd.s32 $0x8F2B, s0  }
0xbd: {  	[sflag:s0] =	ssyncadd.remote.s32 $0x1  }
0xbe: {  	_ =	sfence.sel $0xFFFF  }
0xbf: {  	[dreg:$0x0] =	wrdreg $0xFFFFFFFF;
	(pc) =	sbr.abs _section_cstart, $3  }
0xc0: {  	[dreg:$0x1] =	wrdreg $0xFFFFFFFF  }
0xc1: {  	_ =	task.clear_ibuf [dreg:s6], $0x2FFFF;
	_ =	strace $0x9FFFFFFF  }
0xc2: {  	(tm) =	ssettm $0x7FFFFFFF  }
0xc3: {  	_ =	shalt  }
tec
execute0_lowered:
.L_overlay_start_1:
0x0: {  	(tag) =	ssettag $0x1  }
0x1: {  	s0 =	rddreg [dreg:$0x0]  }
0x2: {  	s1 =	rddreg [dreg:$0x1];
	s2 =	simm.s32 $0x0  }
0x3: {  	s22 =	srdreg.scid;
	s10 =	stileid.u32;
	s14 =	simm.s32 $0x2  }
0x4: {  	s15 =	simm.s32 $0xD780;
	s16 =	simm.s32 $0xC380;
	s17 =	simm.s32 $0x80  }
0x5: {  	s12 =	simm.s32 $0xCD80;
	s13 =	simm.s32 $0xCE00;
	s18 =	simm.s32 $0xD000  }
0x6: {  	s19 =	simm.s32 $0xD080;
	s20 =	simm.s32 $0xD100;
	s21 =	simm.s32 $0xD180  }
0x7: {  	s28 =	simm.s32 $0xD400;
	s29 =	simm.s32 $0xD480;
	s30 =	simm.s32 $0xD500  }
0x8: {  	s31 =	simm.s32 $0xD580;
	[smem:$0x7FF] =	sst s2;
	s4 =	sadd.s32 $0x3000, s0  }
0x9: {  	s2 =	sand.u32 $0x1, s22;
	s3 =	sadd.s32 $0x1DA00, s0;
	s5 =	smul.u32 $0x1870, s10  }
0xa: {  	s6 =	sadd.s32 $0x1C000, s0;
	s7 =	smul.u32 $0x30E00, s10;
	s0 =	sadd.s32 $0x1DC00, s0  }
0xb: {  	s8 =	sshll.u32 s10, $0x6;
	p0 =	seq.s32 s10, $0xF;
	s22 =	simm.s32 $0xD200  }
0xc: {  	_ =	strace $0x80000047;
	[dreg:$0x3] =	wrdreg s3;
	s25 =	smul.u32 $0x186A0, s2  }
0xd: {  	s23 =	ssub.s32 $0x2, s2;
	[dreg:$0x4] =	wrdreg s6;
	s9 =	smul.u32 $0xC3500, s2  }
0xe: {  	s11 =	sor.u32 $0x1C02, s8;
	s2 =	sshll.u32 s2, $0x4;
	s24 =	sshrl.u32 s23, $0x1  }
0xf: {  	s7 =	sshrl.u32 s7, $0x2;
	s2 =	sor.u32 s10, s2;
	s10 =	simm.s32 $0x0  }
0x10: {  	[dreg:$0x6] =	wrdreg s11;
	s3 =	ssub.s32 s23, s24;
	s7 =	sadd.s32 s7, s1  }
0x11: {  	s5 =	sadd.s32 s5, s25;
	s26 =	sshrl.u32 s9, $0x3;
	s9 =	smul.u32 $0xC8, s2  }
0x12: {  	s25 =	simm.s32 $0xCE80;
	s2 =	simm.s32 $0xCF80;
	[dreg:$0xc] =	wrdreg s10  }
0x13: {  	s23 =	simm.s32 $0xD280;
	s5 =	sadd.s32 s0, s5;
	[dreg:$0x5] =	wrdreg s7  }
0x14: {  	s24 =	simm.s32 $0xD300;
	s6 =	smax.u32 s3, $0x1;
	[dreg:$0x7] =	wrdreg s5  }
0x15: {  	s0 =	sadd.s32 s0, s26;
	s8 =	sshrl.u32 s7, $0x3;
	[dreg:$0x9] =	wrdreg s6  }
0x16: {  	s26 =	simm.s32 $0xD380;
	s0 =	sadd.s32 $0x16E90, s0;
	[dreg:$0xa] =	wrdreg s8  }
0x17: {  	s3 =	simm.s32 $0xD680;
	[dreg:$0x8] =	wrdreg s0;
	s0 =	sadd.s32 $0xB7480, s1  }
0x18: {  	s8 =	simm.s32 $0xCF00;
	s5 =	simm.s32 $0xD700;
	s0 =	sshrl.u32 @p0 s0, $0x3  }
0x19: {  	s6 =	simm.s32 $0x1;
	[dreg:$0xb] =	wrdreg s0;
	s0 =	simm.s32 $0xD600  }
.LBB2_1:
0x1a: {  	s7 =	rddreg [dreg:$0x4]  }
0x1b: {  	s10 =	rddreg [dreg:$0xa]  }
0x1c: {  	[spmem:s10], [sflag:s11] =	dma.local [hbm:s7], $0x1870  }
0x1d: {  	_ =	swait.ge [sflag:s14], $0x1870  }
0x1e: {  	[sflag:s14] =	ssyncset.done $0x0  }
0x1f: {  	s10 =	simm.s32 $0x0;
	s11 =	rddreg [dreg:$0x3];
	[sflag:s14] =	ssyncadd.s32 $0xFFFFE790  }
0x20: {  	[tilespmem:s15], [sflag:$0x2] =	stream.linear.gather [hbm4b:s11+s10], $0x800, $0x38;
	[tilespmem:$0xDF80] =	vst v63  }
0x21: {  	_ =	swait.ge [sflag:s14], $0x800  }
0x22: {  	[sflag:s14] =	ssyncset.done $0x0  }
0x23: {  	[sflag:s14] =	ssyncadd.s32 $0xFFFFF800  }
0x24: {  	s7 =	simm.s32 $0x0;
	[bflag:$0x0] =	sbarrier.arrive $0xFFFF  }
.LBB2_2:
0x25: {  	s10 =	smul.u32 $0x28, s7;
	_ =	sdelay $0x1  }
0x26: {  	s10 =	sadd.s32 s9, s10  }
0x27: {  	s10 =	sshll.u32 s10, $0x4  }
0x28: {  	s11 =	simm.s32 $0x0;
	s10 =	sadd.s32 s4, s10  }
0x29: {  	[tilespmem:s16], [sflag:$0x2] =	stream.linear.gather [hbm4b:s10+s11], $0x1400, $0x38;
	[tilespmem:$0xDF80] =	vst v63  }
0x2a: {  	_ =	swait.ge [sflag:s14], $0x1400  }
0x2b: {  	[sflag:s14] =	ssyncset.done $0x0  }
0x2c: {  	[sflag:s14] =	ssyncadd.s32 $0xFFFFEC00  }
0x2d: {  	[spmem:s1] =	stream.indirect.scatter.add.f32 [tilespmem:s15], [sflag:$0x1], $0x10, s16, s17, $0xb8;
	[tilespmem:$0xDF80] =	vst v63  }
0x2e: {  	s11 =	simm.s32 $0xC400  }
0x2f: {  	[spmem:s1] =	stream.indirect.scatter.add.f32 [tilespmem:s15], [sflag:$0x1], $0x10, s11, s17, $0xb8;
	[tilespmem:$0xDF80] =	vst v63  }
0x30: {  	s11 =	simm.s32 $0xC480  }
0x31: {  	[spmem:s1] =	stream.indirect.scatter.add.f32 [tilespmem:s15], [sflag:$0x1], $0x10, s11, s17, $0xb8;
	[tilespmem:$0xDF80] =	vst v63  }
0x32: {  	s11 =	simm.s32 $0xC500  }
0x33: {  	[spmem:s1] =	stream.indirect.scatter.add.f32 [tilespmem:s15], [sflag:$0x1], $0x10, s11, s17, $0xb8;
	[tilespmem:$0xDF80] =	vst v63  }
0x34: {  	s11 =	simm.s32 $0xC580  }
0x35: {  	[spmem:s1] =	stream.indirect.scatter.add.f32 [tilespmem:s15], [sflag:$0x1], $0x10, s11, s17, $0xb8;
	[tilespmem:$0xDF80] =	vst v63  }
0x36: {  	s11 =	simm.s32 $0xC600  }
0x37: {  	[spmem:s1] =	stream.indirect.scatter.add.f32 [tilespmem:s15], [sflag:$0x1], $0x10, s11, s17, $0xb8;
	[tilespmem:$0xDF80] =	vst v63  }
0x38: {  	s11 =	simm.s32 $0xC680  }
0x39: {  	[spmem:s1] =	stream.indirect.scatter.add.f32 [tilespmem:s15], [sflag:$0x1], $0x10, s11, s17, $0xb8;
	[tilespmem:$0xDF80] =	vst v63  }
0x3a: {  	s11 =	simm.s32 $0xC700  }
0x3b: {  	[spmem:s1] =	stream.indirect.scatter.add.f32 [tilespmem:s15], [sflag:$0x1], $0x10, s11, s17, $0xb8;
	[tilespmem:$0xDF80] =	vst v63  }
0x3c: {  	s11 =	simm.s32 $0xC780  }
0x3d: {  	[spmem:s1] =	stream.indirect.scatter.add.f32 [tilespmem:s15], [sflag:$0x1], $0x10, s11, s17, $0xb8;
	[tilespmem:$0xDF80] =	vst v63  }
0x3e: {  	s11 =	simm.s32 $0xC800  }
0x3f: {  	[spmem:s1] =	stream.indirect.scatter.add.f32 [tilespmem:s15], [sflag:$0x1], $0x10, s11, s17, $0xb8;
	[tilespmem:$0xDF80] =	vst v63  }
0x40: {  	s11 =	simm.s32 $0xC880  }
0x41: {  	[spmem:s1] =	stream.indirect.scatter.add.f32 [tilespmem:s15], [sflag:$0x1], $0x10, s11, s17, $0xb8;
	[tilespmem:$0xDF80] =	vst v63  }
0x42: {  	s11 =	simm.s32 $0xC900  }
0x43: {  	[spmem:s1] =	stream.indirect.scatter.add.f32 [tilespmem:s15], [sflag:$0x1], $0x10, s11, s17, $0xb8;
	[tilespmem:$0xDF80] =	vst v63  }
0x44: {  	s11 =	simm.s32 $0xC980  }
0x45: {  	[spmem:s1] =	stream.indirect.scatter.add.f32 [tilespmem:s15], [sflag:$0x1], $0x10, s11, s17, $0xb8;
	[tilespmem:$0xDF80] =	vst v63  }
0x46: {  	s11 =	simm.s32 $0xCA00  }
0x47: {  	[spmem:s1] =	stream.indirect.scatter.add.f32 [tilespmem:s15], [sflag:$0x1], $0x10, s11, s17, $0xb8;
	[tilespmem:$0xDF80] =	vst v63  }
0x48: {  	s11 =	simm.s32 $0xCA80  }
0x49: {  	[spmem:s1] =	stream.indirect.scatter.add.f32 [tilespmem:s15], [sflag:$0x1], $0x10, s11, s17, $0xb8;
	[tilespmem:$0xDF80] =	vst v63  }
0x4a: {  	s11 =	simm.s32 $0xCB00  }
0x4b: {  	[spmem:s1] =	stream.indirect.scatter.add.f32 [tilespmem:s15], [sflag:$0x1], $0x10, s11, s17, $0xb8;
	[tilespmem:$0xDF80] =	vst v63  }
0x4c: {  	s11 =	simm.s32 $0xCB80  }
0x4d: {  	[spmem:s1] =	stream.indirect.scatter.add.f32 [tilespmem:s15], [sflag:$0x1], $0x10, s11, s17, $0xb8;
	[tilespmem:$0xDF80] =	vst v63  }
0x4e: {  	s11 =	simm.s32 $0xCC00  }
0x4f: {  	[spmem:s1] =	stream.indirect.scatter.add.f32 [tilespmem:s15], [sflag:$0x1], $0x10, s11, s17, $0xb8;
	[tilespmem:$0xDF80] =	vst v63  }
0x50: {  	s11 =	simm.s32 $0xCC80  }
0x51: {  	[spmem:s1] =	stream.indirect.scatter.add.f32 [tilespmem:s15], [sflag:$0x1], $0x10, s11, s17, $0xb8;
	[tilespmem:$0xDF80] =	vst v63  }
0x52: {  	s11 =	simm.s32 $0xCD00  }
0x53: {  	[spmem:s1] =	stream.indirect.scatter.add.f32 [tilespmem:s15], [sflag:$0x1], $0x10, s11, s17, $0xb8;
	[tilespmem:$0xDF80] =	vst v63  }
0x54: {  	_ = 	snop  }
0x55: {  	[spmem:s1] =	stream.indirect.scatter.add.f32 [tilespmem:s15], [sflag:$0x1], $0x10, s12, s17, $0xb8;
	[tilespmem:$0xDF80] =	vst v63  }
0x56: {  	_ = 	snop  }
0x57: {  	[spmem:s1] =	stream.indirect.scatter.add.f32 [tilespmem:s15], [sflag:$0x1], $0x10, s13, s17, $0xb8;
	[tilespmem:$0xDF80] =	vst v63  }
0x58: {  	_ = 	snop  }
0x59: {  	[spmem:s1] =	stream.indirect.scatter.add.f32 [tilespmem:s15], [sflag:$0x1], $0x10, s25, s17, $0xb8;
	[tilespmem:$0xDF80] =	vst v63  }
0x5a: {  	_ = 	snop  }
0x5b: {  	[spmem:s1] =	stream.indirect.scatter.add.f32 [tilespmem:s15], [sflag:$0x1], $0x10, s8, s17, $0xb8;
	[tilespmem:$0xDF80] =	vst v63  }
0x5c: {  	_ = 	snop  }
0x5d: {  	[spmem:s1] =	stream.indirect.scatter.add.f32 [tilespmem:s15], [sflag:$0x1], $0x10, s2, s17, $0xb8;
	[tilespmem:$0xDF80] =	vst v63  }
0x5e: {  	_ = 	snop  }
0x5f: {  	[spmem:s1] =	stream.indirect.scatter.add.f32 [tilespmem:s15], [sflag:$0x1], $0x10, s18, s17, $0xb8;
	[tilespmem:$0xDF80] =	vst v63  }
0x60: {  	_ = 	snop  }
0x61: {  	[spmem:s1] =	stream.indirect.scatter.add.f32 [tilespmem:s15], [sflag:$0x1], $0x10, s19, s17, $0xb8;
	[tilespmem:$0xDF80] =	vst v63  }
0x62: {  	_ = 	snop  }
0x63: {  	[spmem:s1] =	stream.indirect.scatter.add.f32 [tilespmem:s15], [sflag:$0x1], $0x10, s20, s17, $0xb8;
	[tilespmem:$0xDF80] =	vst v63  }
0x64: {  	_ = 	snop  }
0x65: {  	[spmem:s1] =	stream.indirect.scatter.add.f32 [tilespmem:s15], [sflag:$0x1], $0x10, s21, s17, $0xb8;
	[tilespmem:$0xDF80] =	vst v63  }
0x66: {  	_ = 	snop  }
0x67: {  	[spmem:s1] =	stream.indirect.scatter.add.f32 [tilespmem:s15], [sflag:$0x1], $0x10, s22, s17, $0xb8;
	[tilespmem:$0xDF80] =	vst v63  }
0x68: {  	_ = 	snop  }
0x69: {  	[spmem:s1] =	stream.indirect.scatter.add.f32 [tilespmem:s15], [sflag:$0x1], $0x10, s23, s17, $0xb8;
	[tilespmem:$0xDF80] =	vst v63  }
0x6a: {  	_ = 	snop  }
0x6b: {  	[spmem:s1] =	stream.indirect.scatter.add.f32 [tilespmem:s15], [sflag:$0x1], $0x10, s24, s17, $0xb8;
	[tilespmem:$0xDF80] =	vst v63  }
0x6c: {  	_ = 	snop  }
0x6d: {  	[spmem:s1] =	stream.indirect.scatter.add.f32 [tilespmem:s15], [sflag:$0x1], $0x10, s26, s17, $0xb8;
	[tilespmem:$0xDF80] =	vst v63  }
0x6e: {  	_ = 	snop  }
0x6f: {  	[spmem:s1] =	stream.indirect.scatter.add.f32 [tilespmem:s15], [sflag:$0x1], $0x10, s28, s17, $0xb8;
	[tilespmem:$0xDF80] =	vst v63  }
0x70: {  	_ = 	snop  }
0x71: {  	[spmem:s1] =	stream.indirect.scatter.add.f32 [tilespmem:s15], [sflag:$0x1], $0x10, s29, s17, $0xb8;
	[tilespmem:$0xDF80] =	vst v63  }
0x72: {  	_ = 	snop  }
0x73: {  	[spmem:s1] =	stream.indirect.scatter.add.f32 [tilespmem:s15], [sflag:$0x1], $0x10, s30, s17, $0xb8;
	[tilespmem:$0xDF80] =	vst v63  }
0x74: {  	_ = 	snop  }
0x75: {  	[spmem:s1] =	stream.indirect.scatter.add.f32 [tilespmem:s15], [sflag:$0x1], $0x10, s31, s17, $0xb8;
	[tilespmem:$0xDF80] =	vst v63  }
0x76: {  	_ = 	snop  }
0x77: {  	[spmem:s1] =	stream.indirect.scatter.add.f32 [tilespmem:s15], [sflag:$0x1], $0x10, s0, s17, $0xb8;
	[tilespmem:$0xDF80] =	vst v63  }
0x78: {  	_ = 	snop  }
0x79: {  	[spmem:s1] =	stream.indirect.scatter.add.f32 [tilespmem:s15], [sflag:$0x1], $0x10, s3, s17, $0xb8;
	[tilespmem:$0xDF80] =	vst v63  }
0x7a: {  	_ = 	snop  }
0x7b: {  	[spmem:s1] =	stream.indirect.scatter.add.f32 [tilespmem:s15], [sflag:$0x1], $0x10, s5, s17, $0xb8;
	[tilespmem:$0xDF80] =	vst v63  }
0x7c: {  	_ =	swait.ge [sflag:s6], $0x800  }
0x7d: {  	s10 =	simm.s32 $0x27;
	[sflag:s6] =	ssyncset.done $0x0  }
.LBB2_3:
0x7e: {  	p1 =	sne.s32 s10, $0x1;
	s10 =	sadd.s32 $0xFFFFFFFF, s10;
	[sflag:s6] =	ssyncadd.s32 $0xFFFFF800  }
.Ltmp0:
0x7f: {  	(pc) =	sbr.rel @p1 .LBB2_3-.Ltmp0, $3  }
0x80: {  	_ =	sdelay $0x1  }
0x81: {  	_ =	swait.ge [sflag:s6], $0x800  }
0x82: {  	[sflag:s6] =	ssyncset.done $0x0  }
0x83: {  	s7 =	sadd.s32 $0x1, s7  }
0x84: {  	p1 =	sne.s32 s7, $0x5  }
.Ltmp1:
0x85: {  	_ = 	snop;
	(pc) =	sbr.rel @p1 .LBB2_2-.Ltmp1, $2  }
0x86: {  	_ =	sdelay $0x2  }
0x87: {  	[sflag:s6] =	ssyncadd.s32 $0xFFFFF800  }
0x88: {  	[bflag:$0x0] =	sbarrier.arrive $0xFFFF  }
0x89: {  	s12 =	rddreg [dreg:$0x6]  }
0x8a: {  	s7 =	rddreg [dreg:$0x8]  }
0x8b: {  	s10 =	rddreg [dreg:$0xb]  }
0x8c: {  	[hbm:s7], [sflag:s12] =	dma.local @p0 [spmem:s10], $0x1810  }
0x8d: {  	s7 =	simm.s32 @p0 $0x2  }
0x8e: {  	_ =	swait.ge @p0 [sflag:s7], $0x1810  }
0x8f: {  	[sflag:s7] =	ssyncset.done @p0 $0x0  }
0x90: {  	[sflag:s7] =	ssyncadd.s32 @p0 $0xFFFFE7F0;
	s7 =	rddreg [dreg:$0x5]  }
0x91: {  	s10 =	rddreg [dreg:$0x7];
	s7 =	sshrl.u32 @!p0 s7, $0x3  }
0x92: {  	[hbm:s10], [sflag:s12] =	dma.local @!p0 [spmem:s7], $0x1870  }
0x93: {  	s7 =	simm.s32 @!p0 $0x2  }
0x94: {  	_ =	swait.ge @!p0 [sflag:s7], $0x1870  }
0x95: {  	s11 =	rddreg [dreg:$0xc]  }
0x96: {  	s10 =	rddreg [dreg:$0x9];
	s11 =	sadd.s32 $0x1, s11  }
0x97: {  	p1 =	sne.s32 s11, s10  }
.Ltmp2:
0x98: {  	_ = 	snop;
	(pc) =	sbr.rel @p1 .LBB2_1-.Ltmp2, $4  }
0x99: {  	_ = 	snop  }
0x9a: {  	[sflag:s7] =	ssyncset.done @!p0 $0x0  }
0x9b: {  	[sflag:s7] =	ssyncadd.s32 @!p0 $0xFFFFE790  }
0x9c: {  	[dreg:$0xc] =	wrdreg s11;
	s11 =	smov.u32 s12;
	s12 =	simm.s32 $0xCD80  }
0x9d: {  	_ =	sfence.sel $0x180000  }
0x9e: {  	[bflag:$0x0] =	sbarrier.arrive $0xFFFF  }
0x9f: {  	_ =	strace $0x90000047  }
0xa0: {  	s0 =	stileid.u32;
	[bflag:$0x2] =	sbarrier.arrive $0xFFFF  }
0xa1: {  	p0 =	sne.s32 s0, $0x0;
	s0 =	rddreg [dreg:$0x2]  }
0xa2: {  	s0 =	sadd.s32 @!p0 $0x100000, s0  }
0xa3: {  	[sflag:s0] =	ssyncadd.tile.s32 @!p0 $0x1;
	_ =	shalt  }
.Lfunc_end2:
_tile_overlayer_lowered:
.L_overlay_start_2:
0xa4: {  	(tag) =	ssettag $0x2  }
0xa5: {  	s0 =	rddreg [dreg:$0x0];
	s2 =	stileid.u32  }
0xa6: {  	s1 =	rddreg [dreg:$0x1];
	p0 =	sne.s32 s2, $0x0  }
0xa7: {  	s3 =	rddreg [dreg:$0x2];
	[bflag:$0x3] =	sbarrier.arrive $0xFFFF;
	s2 =	simm.s32 @!p0 $0x1C02  }
0xa8: {  	[timem:s3], [sflag:s2] =	dma.local @!p0 [hbm:s0], s1  }
0xa9: {  	s0 =	simm.s32 @!p0 $0x2  }
0xaa: {  	_ =	swait.ge @!p0 [sflag:s0], s1  }
0xab: {  	s1 =	ssub.s32 @!p0 $0x0, s1;
	[sflag:s0] =	ssyncset.done @!p0 $0x0  }
0xac: {  	[sflag:s0] =	ssyncadd.s32 @!p0 s1  }
0xad: {  	[bflag:$0x3] =	sbarrier.arrive $0xFFFF  }
0xae: {  	_ =	shalt  }

// kernel: kernel.13.cloned.1.call-start
scs
__scs_entry_jumppad:
0x0: {  	(pc) =	sbr.rel $0x88, $3  }
0x1: {  	(tag) =	ssettag $0x0;
	lr =	simm.s32 $0x1  }
0x2: {  	[smem:$0x3F8C] =	sst lr;
	_ =	strace $0xD0000000  }
0x3: {  	_ = 	snop  }
0x4: {  	_ = 	snop  }
0x5: {  	_ = 	snop  }
0x6: {  	_ = 	snop  }
0x7: {  	_ = 	snop  }
__scs_overlays_trampoline_lowered:
0x8: {  	[smem:$0x3F9B] =	sst s0  }
0x9: {  	[smem:$0x3F9C] =	sst s1  }
0xa: {  	[smem:$0x3F9D] =	sst s2  }
0xb: {  	[smem:$0x3F9E] =	sst s3  }
0xc: {  	[smem:$0x3F9F] =	sst s4  }
0xd: {  	[smem:$0x3FA0] =	sst s5  }
0xe: {  	[smem:$0x3FA1] =	sst s6  }
0xf: {  	[smem:$0x3FA2] =	sst s7  }
0x10: {  	[smem:$0x3FA3] =	sst s8  }
0x11: {  	[smem:$0x3FA4] =	sst s9;
	s0 =	simm.s32 @!p0 $0x0  }
0x12: {  	s1 =	sld [smem:$0x3F8A];
	s0 =	simm.s32 @p0 $0x1  }
0x13: {  	[smem:$0x3FA5] =	sst s0;
	s0 =	simm.s32 @!p1 $0x0  }
0x14: {  	s2 =	sld [smem:$0x3F89];
	s0 =	simm.s32 @p1 $0x1  }
0x15: {  	[smem:$0x3FA6] =	sst s0;
	s0 =	simm.s32 @!p2 $0x0  }
0x16: {  	s3 =	sld [smem:$0x3FDB];
	s0 =	simm.s32 @p2 $0x1  }
0x17: {  	s4 =	simm.s32 $0x1BF5;
	[smem:$0x3FA8] =	sst s0  }
0x18: {  	s0 =	sld [smem:$0x3F8B];
	_ =	swait.ge [sflag:s4], $0x0  }
0x19: {  	s7 =	sld [smem:$0x3F8C]  }
0x1a: {  	s8 =	sadd.s32 $0xFFFFE003, lr  }
0x1b: {  	s9 =	sadd.s32 $0xFFFFFEF7, lr;
	s5 =	simm.s32 $0xFFFFFFFF;
	p2 =	slt.u32 s8, $0xFFFFF086  }
0x1c: {  	p1 =	slt.u32 s9, $0xF7A;
	s5 =	simm.s32 @!p2 $0x0  }
0x1d: {  	s5 =	simm.s32 @p1 $0x1;
	p0 =	seq.s32 s7, s2  }
0x1e: {  	s7 =	smul.u32 @!p0 $0xF7A, s2;
	p2 =	seq.s32 @!p0 s5, $0x0  }
0x1f: {  	s9 =	smul.u32 $0xF7A, s1;
	s8 =	simm.s32 @!p0 $0x1BF5;
	p2 =	por !p2, p0  }
0x20: {  	[sflag:s8] =	ssyncset.s32 @!p0 $0xFFFFF086;
	s6 =	sadd.s32 @!p0 s3, s7;
	s7 =	simm.s32 @!p0 $0x108  }
0x21: {  	s3 =	sadd.s32 s3, s9;
	s6 =	sadd.s32 @!p0 $0x88, s6;
	s7 =	simm.s32 @p2 $0x1082  }
0x22: {  	[simem:s7], [sflag:s8] =	dma.local @!p0 [hbm:s6], $0xF7A  }
0x23: {  	s9 =	sor.u32 $0xD0000000, s2;
	s6 =	simm.s32 $0x108;
	_ =	swait.ge @!p0 [sflag:s8], $0x0  }
0x24: {  	s3 =	sadd.s32 $0x88, s3;
	s6 =	simm.s32 @!p1 $0x1082;
	[sflag:s4] =	ssyncset.s32 $0xFFFFF086  }
0x25: {  	[simem:s6], [sflag:s4] =	dma.local [hbm:s3], $0xF7A  }
0x26: {  	[smem:$0x3F8C] =	sst s1;
	(tag) =	ssettag s2;
	_ =	strace s9  }
0x27: {  	s1 =	sld [smem:$0x3F9C]  }
0x28: {  	s2 =	sld [smem:$0x3F9D]  }
0x29: {  	s4 =	sld [smem:$0x3F9F]  }
0x2a: {  	p0 =	seq.s32 s5, $0x0;
	s5 =	sld [smem:$0x3FA0]  }
0x2b: {  	s6 =	sld [smem:$0x3FA1]  }
0x2c: {  	s7 =	sld [smem:$0x3FA2]  }
0x2d: {  	s3 =	simm.s32 $0x108;
	s8 =	sld [smem:$0x3FA3]  }
0x2e: {  	s3 =	simm.s32 @!p0 $0x1082;
	s9 =	sld [smem:$0x3FA4]  }
0x2f: {  	lr =	sadd.s32 s0, s3;
	s0 =	sld [smem:$0x3F9B]  }
0x30: {  	s3 =	sld [smem:$0x3F9E]  }
0x31: {  	[smem:$0x3FA7] =	sst s10  }
0x32: {  	s10 =	sld [smem:$0x3FA5];
	_ =	sdelay $0x3  }
0x33: {  	p0 =	seq.s32 s10, $0x1;
	s10 =	sld [smem:$0x3FA7];
	_ =	sdelay $0x3  }
0x34: {  	[smem:$0x3FA7] =	sst s10  }
0x35: {  	s10 =	sld [smem:$0x3FA6];
	_ =	sdelay $0x3  }
0x36: {  	p1 =	seq.s32 s10, $0x1;
	s10 =	sld [smem:$0x3FA7];
	_ =	sdelay $0x3  }
0x37: {  	[smem:$0x3FA7] =	sst s10  }
0x38: {  	s10 =	sld [smem:$0x3FA8]  }
0x39: {  	_ = 	snop;
	(pc) =	sbr.ind lr, $3  }
0x3a: {  	_ = 	snop  }
0x3b: {  	_ = 	snop  }
0x3c: {  	p2 =	seq.s32 s10, $0x1;
	s10 =	sld [smem:$0x3FA7]  }
0x3d: {  	_ =	shalt  }
0x3e: {  	_ =	shalt  }
0x3f: {  	_ =	shalt  }
0x40: {  	_ =	shalt  }
0x41: {  	_ =	shalt  }
0x42: {  	_ =	shalt  }
0x43: {  	_ =	shalt  }
0x44: {  	_ =	shalt  }
0x45: {  	_ =	shalt  }
0x46: {  	_ =	shalt  }
0x47: {  	_ =	shalt  }
0x48: {  	_ =	shalt  }
0x49: {  	_ =	shalt  }
0x4a: {  	_ =	shalt  }
0x4b: {  	_ =	shalt  }
0x4c: {  	_ =	shalt  }
0x4d: {  	_ =	shalt  }
0x4e: {  	_ =	shalt  }
0x4f: {  	_ =	shalt  }
0x50: {  	_ =	shalt  }
0x51: {  	_ =	shalt  }
0x52: {  	_ =	shalt  }
0x53: {  	_ =	shalt  }
0x54: {  	_ =	shalt  }
0x55: {  	_ =	shalt  }
0x56: {  	_ =	shalt  }
0x57: {  	_ =	shalt  }
0x58: {  	_ =	shalt  }
0x59: {  	_ =	shalt  }
0x5a: {  	_ =	shalt  }
0x5b: {  	_ =	shalt  }
0x5c: {  	_ =	shalt  }
0x5d: {  	_ =	shalt  }
0x5e: {  	_ =	shalt  }
0x5f: {  	_ =	shalt  }
0x60: {  	_ =	shalt  }
0x61: {  	_ =	shalt  }
0x62: {  	_ =	shalt  }
0x63: {  	_ =	shalt  }
0x64: {  	_ =	shalt  }
0x65: {  	_ =	shalt  }
0x66: {  	_ =	shalt  }
0x67: {  	_ =	shalt  }
0x68: {  	_ =	shalt  }
0x69: {  	_ =	shalt  }
0x6a: {  	_ =	shalt  }
0x6b: {  	_ =	shalt  }
0x6c: {  	_ =	shalt  }
0x6d: {  	_ =	shalt  }
0x6e: {  	_ =	shalt  }
0x6f: {  	_ =	shalt  }
0x70: {  	_ =	shalt  }
0x71: {  	_ =	shalt  }
0x72: {  	_ =	shalt  }
0x73: {  	_ =	shalt  }
0x74: {  	_ =	shalt  }
0x75: {  	_ =	shalt  }
0x76: {  	_ =	shalt  }
0x77: {  	_ =	shalt  }
0x78: {  	_ =	shalt  }
0x79: {  	_ =	shalt  }
0x7a: {  	_ =	shalt  }
0x7b: {  	_ =	shalt  }
0x7c: {  	_ =	shalt  }
0x7d: {  	_ =	shalt  }
0x7e: {  	_ =	shalt  }
0x7f: {  	_ =	shalt  }
0x80: {  	_ =	shalt  }
0x81: {  	_ =	shalt  }
0x82: {  	_ =	shalt  }
0x83: {  	_ =	shalt  }
0x84: {  	_ =	shalt  }
0x85: {  	_ =	shalt  }
0x86: {  	_ =	shalt  }
0x87: {  	_ =	shalt  }
.Lfunc_end0:
.L_simem_size_0:
called_computation.1_lowered:
.L_overlay_start_0:
0x88: {  	s2 =	sld [smem:$0x3FD9]  }
0x89: {  	s3 =	sld [smem:$0x3FFE];
	_ =	sdelay $0x1  }
0x8a: {  	s1 =	srdreg.scid  }
0x8b: {  	s0 =	sand.u32 $0x1, s1  }
0x8c: {  	s16 =	sshll.u32 s0, $0xA;
	s2 =	sadd.s32 s3, s2  }
0x8d: {  	s2 =	sadd.s32 s2, s16  }
0x8e: {  	[smem:$0x3FB3] =	sst s2  }
0x8f: {  	_ = 	snop  }
0x90: {  	(tm) =	ssettm $0x1  }
0x91: {  	s17 =	sld [smem:$0x3FFB];
	_ =	sdelay $0x3  }
0x92: {  	_ =	strace s17  }
0x93: {  	s2 =	sld [smem:$0x3FFC];
	_ =	sdelay $0x3  }
0x94: {  	_ =	strace s2  }
0x95: {  	s2 =	sld [smem:$0x3FFD];
	_ =	sdelay $0x3  }
0x96: {  	_ =	strace s2  }
0x97: {  	_ =	strace $0x8FFFFFFF  }
0x98: {  	s18 =	sld [smem:$0x3FDB];
	_ =	sdelay $0x1  }
0x99: {  	s19 =	simm.s32 $_scs_section_size  }
0x9a: {  	s4 =	simm.s32 $_size__tile_overlayer_lowered;
	s5 =	simm.s32 $_tile_overlayer_lowered  }
0x9b: {  	s22 =	simm.s32 $0x1BFF;
	s21 =	sshll.u32 s5, $0x1;
	s2 =	sadd.s32 s19, s18  }
0x9c: {  	s6 =	simm.s32 $0x0;
	s20 =	sshll.u32 s4, $0x1;
	s4 =	sadd.s32 s21, s2  }
0x9d: {  	[timem:s6], [sflag:s22] =	dma.local [hbm:s4], s20  }
0x9e: {  	_ =	swait.ge [sflag:s22], s20  }
0x9f: {  	s3 =	ssub.s32 $0x0, s20;
	[sflag:s22] =	ssyncset.done $0x0  }
0xa0: {  	[sflag:s22] =	ssyncadd.s32 s3;
	_ =	sdelay $0x1  }
0xa1: {  	s23 =	simm.s32 $0x1B8B  }
0xa2: {  	_ =	swait.ge [sflag:s23], $0x1  }
0xa3: {  	[sflag:s23] =	ssyncset.done $0x0  }
0xa4: {  	s25 =	simm.s32 $0x1B8E;
	s24 =	sld [smem:$0x3FFE];
	[sflag:s23] =	ssyncadd.s32 $0xFFFFFFFF  }
0xa5: {  	s26 =	simm.s32 $execute0_lowered;
	[smem:$0x3FD2] =	sst s25  }
0xa6: {  	s4 =	sshll.u32 s26, $0x1;
	_ =	strace $0x80000049;
	[dreg:$0x1] =	wrdreg $0xFFFFFFFF  }
0xa7: {  	s28 =	simm.s32 $_size_execute0_lowered;
	s2 =	sadd.s32 s2, s4;
	[dreg:$0x0] =	wrdreg $0x0  }
0xa8: {  	s4 =	sshll.u32 s28, $0x1;
	[dreg:$0x2] =	wrdreg s2  }
0xa9: {  	[dreg:$0x3] =	wrdreg s4  }
0xaa: {  	[dreg:$0x4] =	wrdreg $0xC0  }
0xab: {  	_ =	task [dreg:s6], $0x5FFFF  }
0xac: {  	[dreg:$0x1] =	wrdreg $0xFFFFFFFF  }
0xad: {  	[dreg:$0x0] =	wrdreg $0x60  }
0xae: {  	[dreg:$0x2] =	wrdreg s24  }
0xaf: {  	[dreg:$0x3] =	wrdreg $0x0  }
0xb0: {  	[dreg:$0x4] =	wrdreg $0x9  }
0xb1: {  	_ =	task.clear_ibuf [dreg:s6], $0x5FFFF;
	_ =	strace $0x90000049  }
0xb2: {  	s29 =	simm.s32 $0x9;
	_ =	strace $0x8000004B  }
0xb3: {  	_ =	swait.ge [sflag:s29], $0x1  }
0xb4: {  	[sflag:s29] =	ssyncadd.s32 $0xFFFFFFFF  }
0xb5: {  	_ =	strace $0x9000004B  }
0xb6: {  	_ =	sfence  }
0xb7: {  	s30 =	sld [smem:$0x0];
	_ =	sdelay $0x2  }
0xb8: {  	s31 =	sshll.u32 s1, $0xD;
	s1 =	sshrl.u32 s1, $0x2  }
0xb9: {  	s3 =	sand.u32 $0x4000, s31;
	s1 =	sadd.s32 s1, s30  }
0xba: {  	s0 =	sor.u32 s3, s0;
	s1 =	sshll.u32 s1, $0x11  }
0xbb: {  	s0 =	sor.u32 s1, s0  }
0xbc: {  	s0 =	sadd.s32 $0x8F2B, s0  }
0xbd: {  	[sflag:s0] =	ssyncadd.remote.s32 $0x1  }
0xbe: {  	_ =	sfence.sel $0xFFFF  }
0xbf: {  	[dreg:$0x0] =	wrdreg $0xFFFFFFFF;
	(pc) =	sbr.abs _section_cstart, $3  }
0xc0: {  	[dreg:$0x1] =	wrdreg $0xFFFFFFFF  }
0xc1: {  	_ =	task.clear_ibuf [dreg:s6], $0x2FFFF;
	_ =	strace $0x9FFFFFFF  }
0xc2: {  	(tm) =	ssettm $0x7FFFFFFF  }
0xc3: {  	_ =	shalt  }
tec
execute0_lowered:
.L_overlay_start_1:
0x0: {  	(tag) =	ssettag $0x1  }
0x1: {  	s0 =	rddreg [dreg:$0x0]  }
0x2: {  	s1 =	rddreg [dreg:$0x1]  }
0x3: {  	s14 =	simm.s32 $0x0;
	s2 =	srdreg.scid;
	s12 =	stileid.u32  }
0x4: {  	s16 =	simm.s32 $0xB;
	s17 =	simm.s32 $0x18700;
	s18 =	simm.s32 $0x19B00  }
0x5: {  	s19 =	simm.s32 $0x80;
	s20 =	simm.s32 $0x1AF00;
	s29 =	simm.s32 $0x1DF00  }
0x6: {  	s30 =	simm.s32 $0x2;
	s13 =	simm.s32 $0x6;
	s28 =	simm.s32 $0x9  }
0x7: {  	s31 =	simm.s32 $0xA;
	[smem:$0x7FF] =	sst s14;
	s4 =	sadd.s32 $0x1C000, s0  }
0x8: {  	s5 =	sadd.s32 $0x112000, s0;
	s2 =	sand.u32 $0x1, s2;
	s7 =	smul.u32 $0x30E0, s12  }
0x9: {  	s6 =	sadd.s32 $0x3000, s0;
	s8 =	sadd.s32 $0x7DC00, s0;
	s9 =	smul.u32 $0x61C00, s12  }
0xa: {  	s0 =	sadd.s32 $0x80E00, s0;
	s10 =	sshll.u32 s12, $0x6;
	p0 =	seq.s32 s12, $0xF  }
0xb: {  	_ =	strace $0x8000004A;
	s3 =	ssub.s32 $0x2, s2;
	s23 =	smul.u32 $0x186A00, s2  }
0xc: {  	[dreg:$0x4] =	wrdreg s8;
	s11 =	smul.u32 $0x30D40, s2;
	s15 =	sor.u32 $0x1C0B, s10  }
0xd: {  	s10 =	smul.u32 $0x190, s12;
	s12 =	simm.s32 $0x1AE80;
	s22 =	sshrl.u32 s3, $0x1  }
0xe: {  	s9 =	sshrl.u32 s9, $0x2;
	[dreg:$0x6] =	wrdreg s15;
	s3 =	ssub.s32 s3, s22  }
0xf: {  	s9 =	sadd.s32 s9, s1;
	s8 =	sshrl.u32 s23, $0x3;
	s7 =	sadd.s32 s7, s11  }
0x10: {  	s11 =	smul.u32 $0x1900, s2;
	s22 =	simm.s32 $0x1BF00;
	s2 =	simm.s32 $0x5  }
0x11: {  	s23 =	simm.s32 $0x8;
	s8 =	sadd.s32 s0, s8;
	s0 =	sadd.s32 s0, s7  }
0x12: {  	s25 =	smax.u32 s3, $0x1;
	[dreg:$0x5] =	wrdreg s9;
	s26 =	sshrl.u32 s9, $0x3  }
0x13: {  	s3 =	simm.s32 $0x1EF00;
	s7 =	simm.s32 $0x3;
	[dreg:$0x7] =	wrdreg s0  }
0x14: {  	s24 =	sadd.s32 $0x2DD20, s8;
	s0 =	sadd.s32 $0x16E900, s1;
	[dreg:$0x9] =	wrdreg s25  }
0x15: {  	[dreg:$0xa] =	wrdreg s26;
	s26 =	simm.s32 $0x1;
	s8 =	simm.s32 $0x4  }
0x16: {  	s25 =	simm.s32 $0x7;
	[dreg:$0x8] =	wrdreg s24;
	s0 =	sshrl.u32 @p0 s0, $0x3  }
0x17: {  	s24 =	simm.s32 $0x1CF00;
	[dreg:$0xb] =	wrdreg s0;
	s0 =	simm.s32 $0x19A80  }
.LBB2_1:
0x18: {  	[dreg:$0x3] =	wrdreg s14  }
0x19: {  	s9 =	rddreg [dreg:$0x4]  }
0x1a: {  	s21 =	rddreg [dreg:$0xa]  }
0x1b: {  	[spmem:s21], [sflag:s15] =	dma.local [hbm:s9], $0x30E0  }
0x1c: {  	_ =	swait.ge [sflag:s16], $0x30E0  }
0x1d: {  	[sflag:s16] =	ssyncset.done $0x0  }
0x1e: {  	[sflag:s16] =	ssyncadd.s32 $0xFFFFCF20  }
0x1f: {  	s14 =	simm.s32 $0x0;
	[bflag:$0x0] =	sbarrier.arrive $0xFFFF  }
.LBB2_2:
0x20: {  	s9 =	smul.u32 $0x28, s14;
	_ =	sdelay $0x1  }
0x21: {  	s9 =	sadd.s32 s10, s9  }
0x22: {  	s15 =	sadd.s32 s11, s9  }
0x23: {  	s15 =	sshll.u32 s15, $0x4  }
0x24: {  	s21 =	simm.s32 $0x0;
	s15 =	sadd.s32 s5, s15  }
0x25: {  	[tilespmem:s17], [sflag:$0xB] =	stream.linear.gather [hbm4b:s15+s21], $0x1400, $0x38;
	[tilespmem:$0x1FF00] =	vst v63  }
0x26: {  	_ =	swait.ge [sflag:s16], $0x1400  }
0x27: {  	s9 =	sshll.u32 s9, $0x4;
	[sflag:s16] =	ssyncset.done $0x0  }
0x28: {  	s9 =	sadd.s32 s6, s9;
	[sflag:s16] =	ssyncadd.s32 $0xFFFFEC00  }
0x29: {  	[tilespmem:s18], [sflag:$0xB] =	stream.linear.gather [hbm4b:s9+s21], $0x1400, $0x38;
	[tilespmem:$0x1FF00] =	vst v63  }
0x2a: {  	_ =	swait.ge [sflag:s16], $0x1400  }
0x2b: {  	[sflag:s16] =	ssyncset.done $0x0  }
0x2c: {  	[sflag:s16] =	ssyncadd.s32 $0xFFFFEC00  }
0x2d: {  	[tilespmem:s20], [sflag:$0x1] =	stream.indirect.gather [hbm4b:s4+s19], $0x20, s17, s19, $0xb8;
	[tilespmem:$0x1FF00] =	vst v63  }
0x2e: {  	s21 =	simm.s32 $0x18780  }
0x2f: {  	[tilespmem:s22], [sflag:$0x2] =	stream.indirect.gather [hbm4b:s4+s19], $0x20, s21, s19, $0xb8;
	[tilespmem:$0x1FF00] =	vst v63  }
0x30: {  	s15 =	simm.s32 $0x18800  }
0x31: {  	[tilespmem:s24], [sflag:$0x3] =	stream.indirect.gather [hbm4b:s4+s19], $0x20, s15, s19, $0xb8;
	[tilespmem:$0x1FF00] =	vst v63  }
0x32: {  	_ =	swait.ge [sflag:s26], $0x1000  }
0x33: {  	[sflag:s26] =	ssyncset.done $0x0  }
0x34: {  	[sflag:s26] =	ssyncadd.s32 $0xFFFFF000  }
0x35: {  	[spmem:s1] =	stream.indirect.scatter.add.f32 [tilespmem:s20], [sflag:$0x6], $0x20, s18, s19, $0xb8;
	[tilespmem:$0x1FF00] =	vst v63  }
0x36: {  	s21 =	simm.s32 $0x18880  }
0x37: {  	[tilespmem:s29], [sflag:$0x4] =	stream.indirect.gather [hbm4b:s4+s19], $0x20, s21, s19, $0xb8;
	[tilespmem:$0x1FF00] =	vst v63  }
0x38: {  	_ =	swait.ge [sflag:s30], $0x1000  }
0x39: {  	[sflag:s30] =	ssyncset.done $0x0  }
0x3a: {  	s15 =	simm.s32 $0x19B80;
	[sflag:s30] =	ssyncadd.s32 $0xFFFFF000  }
0x3b: {  	[spmem:s1] =	stream.indirect.scatter.add.f32 [tilespmem:s22], [sflag:$0x7], $0x20, s15, s19, $0xb8;
	[tilespmem:$0x1FF00] =	vst v63  }
0x3c: {  	s21 =	simm.s32 $0x18900  }
0x3d: {  	[tilespmem:s3], [sflag:$0x5] =	stream.indirect.gather [hbm4b:s4+s19], $0x20, s21, s19, $0xb8;
	[tilespmem:$0x1FF00] =	vst v63  }
0x3e: {  	_ =	swait.ge [sflag:s7], $0x1000  }
0x3f: {  	[sflag:s7] =	ssyncset.done $0x0  }
0x40: {  	s15 =	simm.s32 $0x19C00;
	[sflag:s7] =	ssyncadd.s32 $0xFFFFF000  }
0x41: {  	[spmem:s1] =	stream.indirect.scatter.add.f32 [tilespmem:s24], [sflag:$0x8], $0x20, s15, s19, $0xb8;
	[tilespmem:$0x1FF00] =	vst v63  }
0x42: {  	_ =	swait.ge [sflag:s13], $0x1000  }
0x43: {  	[sflag:s13] =	ssyncset.done $0x0  }
0x44: {  	s21 =	simm.s32 $0x18980;
	[sflag:s13] =	ssyncadd.s32 $0xFFFFF000  }
0x45: {  	[tilespmem:s20], [sflag:$0x1] =	stream.indirect.gather [hbm4b:s4+s19], $0x20, s21, s19, $0xb8;
	[tilespmem:$0x1FF00] =	vst v63  }
0x46: {  	_ =	swait.ge [sflag:s8], $0x1000  }
0x47: {  	[sflag:s8] =	ssyncset.done $0x0  }
0x48: {  	s15 =	simm.s32 $0x19C80;
	[sflag:s8] =	ssyncadd.s32 $0xFFFFF000  }
0x49: {  	[spmem:s1] =	stream.indirect.scatter.add.f32 [tilespmem:s29], [sflag:$0x9], $0x20, s15, s19, $0xb8;
	[tilespmem:$0x1FF00] =	vst v63  }
0x4a: {  	_ =	swait.ge [sflag:s25], $0x1000  }
0x4b: {  	[sflag:s25] =	ssyncset.done $0x0  }
0x4c: {  	s21 =	simm.s32 $0x18A00;
	[sflag:s25] =	ssyncadd.s32 $0xFFFFF000  }
0x4d: {  	[tilespmem:s22], [sflag:$0x2] =	stream.indirect.gather [hbm4b:s4+s19], $0x20, s21, s19, $0xb8;
	[tilespmem:$0x1FF00] =	vst v63  }
0x4e: {  	_ =	swait.ge [sflag:s2], $0x1000  }
0x4f: {  	[sflag:s2] =	ssyncset.done $0x0  }
0x50: {  	s15 =	simm.s32 $0x19D00;
	[sflag:s2] =	ssyncadd.s32 $0xFFFFF000  }
0x51: {  	[spmem:s1] =	stream.indirect.scatter.add.f32 [tilespmem:s3], [sflag:$0xA], $0x20, s15, s19, $0xb8;
	[tilespmem:$0x1FF00] =	vst v63  }
0x52: {  	_ =	swait.ge [sflag:s23], $0x1000  }
0x53: {  	[sflag:s23] =	ssyncset.done $0x0  }
0x54: {  	s21 =	simm.s32 $0x18A80;
	[sflag:s23] =	ssyncadd.s32 $0xFFFFF000  }
0x55: {  	[tilespmem:s24], [sflag:$0x3] =	stream.indirect.gather [hbm4b:s4+s19], $0x20, s21, s19, $0xb8;
	[tilespmem:$0x1FF00] =	vst v63  }
0x56: {  	_ =	swait.ge [sflag:s26], $0x1000  }
0x57: {  	[sflag:s26] =	ssyncset.done $0x0  }
0x58: {  	s15 =	simm.s32 $0x19D80;
	[sflag:s26] =	ssyncadd.s32 $0xFFFFF000  }
0x59: {  	[spmem:s1] =	stream.indirect.scatter.add.f32 [tilespmem:s20], [sflag:$0x6], $0x20, s15, s19, $0xb8;
	[tilespmem:$0x1FF00] =	vst v63  }
0x5a: {  	_ =	swait.ge [sflag:s28], $0x1000  }
0x5b: {  	[sflag:s28] =	ssyncset.done $0x0  }
0x5c: {  	s21 =	simm.s32 $0x18B00;
	[sflag:s28] =	ssyncadd.s32 $0xFFFFF000  }
0x5d: {  	[tilespmem:s29], [sflag:$0x4] =	stream.indirect.gather [hbm4b:s4+s19], $0x20, s21, s19, $0xb8;
	[tilespmem:$0x1FF00] =	vst v63  }
0x5e: {  	_ =	swait.ge [sflag:s30], $0x1000  }
0x5f: {  	[sflag:s30] =	ssyncset.done $0x0  }
0x60: {  	s15 =	simm.s32 $0x19E00;
	[sflag:s30] =	ssyncadd.s32 $0xFFFFF000  }
0x61: {  	[spmem:s1] =	stream.indirect.scatter.add.f32 [tilespmem:s22], [sflag:$0x7], $0x20, s15, s19, $0xb8;
	[tilespmem:$0x1FF00] =	vst v63  }
0x62: {  	_ =	swait.ge [sflag:s31], $0x1000  }
0x63: {  	[sflag:s31] =	ssyncset.done $0x0  }
0x64: {  	s21 =	simm.s32 $0x18B80;
	[sflag:s31] =	ssyncadd.s32 $0xFFFFF000  }
0x65: {  	[tilespmem:s3], [sflag:$0x5] =	stream.indirect.gather [hbm4b:s4+s19], $0x20, s21, s19, $0xb8;
	[tilespmem:$0x1FF00] =	vst v63  }
0x66: {  	_ =	swait.ge [sflag:s7], $0x1000  }
0x67: {  	[sflag:s7] =	ssyncset.done $0x0  }
0x68: {  	s15 =	simm.s32 $0x19E80;
	[sflag:s7] =	ssyncadd.s32 $0xFFFFF000  }
0x69: {  	[spmem:s1] =	stream.indirect.scatter.add.f32 [tilespmem:s24], [sflag:$0x8], $0x20, s15, s19, $0xb8;
	[tilespmem:$0x1FF00] =	vst v63  }
0x6a: {  	_ =	swait.ge [sflag:s13], $0x1000  }
0x6b: {  	[sflag:s13] =	ssyncset.done $0x0  }
0x6c: {  	s21 =	simm.s32 $0x18C00;
	[sflag:s13] =	ssyncadd.s32 $0xFFFFF000  }
0x6d: {  	[tilespmem:s20], [sflag:$0x1] =	stream.indirect.gather [hbm4b:s4+s19], $0x20, s21, s19, $0xb8;
	[tilespmem:$0x1FF00] =	vst v63  }
0x6e: {  	_ =	swait.ge [sflag:s8], $0x1000  }
0x6f: {  	[sflag:s8] =	ssyncset.done $0x0  }
0x70: {  	s15 =	simm.s32 $0x19F00;
	[sflag:s8] =	ssyncadd.s32 $0xFFFFF000  }
0x71: {  	[spmem:s1] =	stream.indirect.scatter.add.f32 [tilespmem:s29], [sflag:$0x9], $0x20, s15, s19, $0xb8;
	[tilespmem:$0x1FF00] =	vst v63  }
0x72: {  	_ =	swait.ge [sflag:s25], $0x1000  }
0x73: {  	[sflag:s25] =	ssyncset.done $0x0  }
0x74: {  	s21 =	simm.s32 $0x18C80;
	[sflag:s25] =	ssyncadd.s32 $0xFFFFF000  }
0x75: {  	[tilespmem:s22], [sflag:$0x2] =	stream.indirect.gather [hbm4b:s4+s19], $0x20, s21, s19, $0xb8;
	[tilespmem:$0x1FF00] =	vst v63  }
0x76: {  	_ =	swait.ge [sflag:s2], $0x1000  }
0x77: {  	[sflag:s2] =	ssyncset.done $0x0  }
0x78: {  	s9 =	simm.s32 $0x19F80;
	s15 =	simm.s32 $0xA00;
	[sflag:s2] =	ssyncadd.s32 $0xFFFFF000  }
.LBB2_3:
0x79: {  	[spmem:s1] =	stream.indirect.scatter.add.f32 [tilespmem:s3], [sflag:$0xA], $0x20, s9, s19, $0xb8;
	[tilespmem:$0x1FF00] =	vst v63  }
0x7a: {  	s9 =	smov.u32 s15;
	s15 =	sadd.s32 $0xA00, s15;
	_ =	swait.ge [sflag:s23], $0x1000  }
0x7b: {  	s9 =	sshra.s32 s9, $0x2;
	p1 =	sne.s32 s15, $0x3C00;
	[sflag:s23] =	ssyncset.done $0x0  }
0x7c: {  	s21 =	sadd.s32 $0x18A80, s9;
	[sflag:s23] =	ssyncadd.s32 $0xFFFFF000  }
0x7d: {  	[tilespmem:s24], [sflag:$0x3] =	stream.indirect.gather [hbm4b:s4+s19], $0x20, s21, s19, $0xb8;
	[tilespmem:$0x1FF00] =	vst v63  }
0x7e: {  	_ =	swait.ge [sflag:s26], $0x1000  }
0x7f: {  	[sflag:s26] =	ssyncset.done $0x0  }
0x80: {  	s21 =	sadd.s32 $0x19D80, s9;
	[sflag:s26] =	ssyncadd.s32 $0xFFFFF000  }
0x81: {  	[spmem:s1] =	stream.indirect.scatter.add.f32 [tilespmem:s20], [sflag:$0x6], $0x20, s21, s19, $0xb8;
	[tilespmem:$0x1FF00] =	vst v63  }
0x82: {  	_ =	swait.ge [sflag:s28], $0x1000  }
0x83: {  	[sflag:s28] =	ssyncset.done $0x0  }
0x84: {  	s21 =	sadd.s32 $0x18B00, s9;
	[sflag:s28] =	ssyncadd.s32 $0xFFFFF000  }
0x85: {  	[tilespmem:s29], [sflag:$0x4] =	stream.indirect.gather [hbm4b:s4+s19], $0x20, s21, s19, $0xb8;
	[tilespmem:$0x1FF00] =	vst v63  }
0x86: {  	_ =	swait.ge [sflag:s30], $0x1000  }
0x87: {  	[sflag:s30] =	ssyncset.done $0x0  }
0x88: {  	s21 =	sadd.s32 $0x19E00, s9;
	[sflag:s30] =	ssyncadd.s32 $0xFFFFF000  }
0x89: {  	[spmem:s1] =	stream.indirect.scatter.add.f32 [tilespmem:s22], [sflag:$0x7], $0x20, s21, s19, $0xb8;
	[tilespmem:$0x1FF00] =	vst v63  }
0x8a: {  	_ =	swait.ge [sflag:s31], $0x1000  }
0x8b: {  	[sflag:s31] =	ssyncset.done $0x0  }
0x8c: {  	s21 =	sadd.s32 $0x18B80, s9;
	[sflag:s31] =	ssyncadd.s32 $0xFFFFF000  }
0x8d: {  	[tilespmem:s3], [sflag:$0x5] =	stream.indirect.gather [hbm4b:s4+s19], $0x20, s21, s19, $0xb8;
	[tilespmem:$0x1FF00] =	vst v63  }
0x8e: {  	_ =	swait.ge [sflag:s7], $0x1000  }
0x8f: {  	[sflag:s7] =	ssyncset.done $0x0  }
0x90: {  	s21 =	sadd.s32 $0x19E80, s9;
	[sflag:s7] =	ssyncadd.s32 $0xFFFFF000  }
0x91: {  	[spmem:s1] =	stream.indirect.scatter.add.f32 [tilespmem:s24], [sflag:$0x8], $0x20, s21, s19, $0xb8;
	[tilespmem:$0x1FF00] =	vst v63  }
0x92: {  	_ =	swait.ge [sflag:s13], $0x1000  }
0x93: {  	[sflag:s13] =	ssyncset.done $0x0  }
0x94: {  	s21 =	sadd.s32 $0x18C00, s9;
	[sflag:s13] =	ssyncadd.s32 $0xFFFFF000  }
0x95: {  	[tilespmem:s20], [sflag:$0x1] =	stream.indirect.gather [hbm4b:s4+s19], $0x20, s21, s19, $0xb8;
	[tilespmem:$0x1FF00] =	vst v63  }
0x96: {  	_ =	swait.ge [sflag:s8], $0x1000  }
0x97: {  	[sflag:s8] =	ssyncset.done $0x0  }
0x98: {  	s21 =	sadd.s32 $0x19F00, s9;
	[sflag:s8] =	ssyncadd.s32 $0xFFFFF000  }
0x99: {  	[spmem:s1] =	stream.indirect.scatter.add.f32 [tilespmem:s29], [sflag:$0x9], $0x20, s21, s19, $0xb8;
	[tilespmem:$0x1FF00] =	vst v63  }
0x9a: {  	_ =	swait.ge [sflag:s25], $0x1000  }
0x9b: {  	[sflag:s25] =	ssyncset.done $0x0  }
.Ltmp0:
0x9c: {  	s21 =	sadd.s32 $0x18C80, s9;
	[sflag:s25] =	ssyncadd.s32 $0xFFFFF000;
	(pc) =	sbr.rel @p1 .LBB2_3-.Ltmp0, $4  }
0x9d: {  	[tilespmem:s22], [sflag:$0x2] =	stream.indirect.gather [hbm4b:s4+s19], $0x20, s21, s19, $0xb8;
	[tilespmem:$0x1FF00] =	vst v63  }
0x9e: {  	_ =	swait.ge [sflag:s2], $0x1000  }
0x9f: {  	[sflag:s2] =	ssyncset.done $0x0  }
0xa0: {  	s9 =	sadd.s32 $0x19F80, s9;
	[sflag:s2] =	ssyncadd.s32 $0xFFFFF000  }
0xa1: {  	[spmem:s1] =	stream.indirect.scatter.add.f32 [tilespmem:s3], [sflag:$0xA], $0x20, s9, s19, $0xb8;
	[tilespmem:$0x1FF00] =	vst v63  }
0xa2: {  	_ =	swait.ge [sflag:s23], $0x1000  }
0xa3: {  	s9 =	sshra.s32 s15, $0x2;
	[sflag:s23] =	ssyncset.done $0x0  }
0xa4: {  	s15 =	sadd.s32 $0x18A80, s9;
	[sflag:s23] =	ssyncadd.s32 $0xFFFFF000  }
0xa5: {  	[tilespmem:s24], [sflag:$0x3] =	stream.indirect.gather [hbm4b:s4+s19], $0x20, s15, s19, $0xb8;
	[tilespmem:$0x1FF00] =	vst v63  }
0xa6: {  	_ =	swait.ge [sflag:s26], $0x1000  }
0xa7: {  	[sflag:s26] =	ssyncset.done $0x0  }
0xa8: {  	s21 =	sadd.s32 $0x19D80, s9;
	[sflag:s26] =	ssyncadd.s32 $0xFFFFF000  }
0xa9: {  	[spmem:s1] =	stream.indirect.scatter.add.f32 [tilespmem:s20], [sflag:$0x6], $0x20, s21, s19, $0xb8;
	[tilespmem:$0x1FF00] =	vst v63  }
0xaa: {  	_ =	swait.ge [sflag:s28], $0x1000  }
0xab: {  	[sflag:s28] =	ssyncset.done $0x0  }
0xac: {  	s21 =	sadd.s32 $0x18B00, s9;
	[sflag:s28] =	ssyncadd.s32 $0xFFFFF000  }
0xad: {  	[tilespmem:s29], [sflag:$0x4] =	stream.indirect.gather [hbm4b:s4+s19], $0x20, s21, s19, $0xb8;
	[tilespmem:$0x1FF00] =	vst v63  }
0xae: {  	_ =	swait.ge [sflag:s30], $0x1000  }
0xaf: {  	[sflag:s30] =	ssyncset.done $0x0  }
0xb0: {  	s21 =	sadd.s32 $0x19E00, s9;
	[sflag:s30] =	ssyncadd.s32 $0xFFFFF000  }
0xb1: {  	[spmem:s1] =	stream.indirect.scatter.add.f32 [tilespmem:s22], [sflag:$0x7], $0x20, s21, s19, $0xb8;
	[tilespmem:$0x1FF00] =	vst v63  }
0xb2: {  	_ =	swait.ge [sflag:s31], $0x1000  }
0xb3: {  	[sflag:s31] =	ssyncset.done $0x0  }
0xb4: {  	[sflag:s31] =	ssyncadd.s32 $0xFFFFF000  }
0xb5: {  	[tilespmem:s3], [sflag:$0x5] =	stream.indirect.gather [hbm4b:s4+s19], $0x20, s0, s19, $0xb8;
	[tilespmem:$0x1FF00] =	vst v63  }
0xb6: {  	_ =	swait.ge [sflag:s7], $0x1000  }
0xb7: {  	[sflag:s7] =	ssyncset.done $0x0  }
0xb8: {  	s21 =	sadd.s32 $0x19E80, s9;
	[sflag:s7] =	ssyncadd.s32 $0xFFFFF000  }
0xb9: {  	[spmem:s1] =	stream.indirect.scatter.add.f32 [tilespmem:s24], [sflag:$0x8], $0x20, s21, s19, $0xb8;
	[tilespmem:$0x1FF00] =	vst v63  }
0xba: {  	_ =	swait.ge [sflag:s13], $0x1000  }
0xbb: {  	[sflag:s13] =	ssyncset.done $0x0  }
0xbc: {  	[sflag:s13] =	ssyncadd.s32 $0xFFFFF000  }
0xbd: {  	_ =	swait.ge [sflag:s8], $0x1000  }
0xbe: {  	[sflag:s8] =	ssyncset.done $0x0  }
0xbf: {  	s9 =	sadd.s32 $0x19F00, s9;
	[sflag:s8] =	ssyncadd.s32 $0xFFFFF000  }
0xc0: {  	[spmem:s1] =	stream.indirect.scatter.add.f32 [tilespmem:s29], [sflag:$0x9], $0x20, s9, s19, $0xb8;
	[tilespmem:$0x1FF00] =	vst v63  }
0xc1: {  	_ =	swait.ge [sflag:s25], $0x1000  }
0xc2: {  	[sflag:s25] =	ssyncset.done $0x0  }
0xc3: {  	[sflag:s25] =	ssyncadd.s32 $0xFFFFF000  }
0xc4: {  	_ =	swait.ge [sflag:s2], $0x1000  }
0xc5: {  	[sflag:s2] =	ssyncset.done $0x0  }
0xc6: {  	[sflag:s2] =	ssyncadd.s32 $0xFFFFF000  }
0xc7: {  	[spmem:s1] =	stream.indirect.scatter.add.f32 [tilespmem:s3], [sflag:$0xA], $0x20, s12, s19, $0xb8;
	[tilespmem:$0x1FF00] =	vst v63  }
0xc8: {  	_ =	swait.ge [sflag:s23], $0x1000  }
0xc9: {  	[sflag:s23] =	ssyncset.done $0x0  }
0xca: {  	s14 =	sadd.s32 $0x1, s14;
	[sflag:s23] =	ssyncadd.s32 $0xFFFFF000  }
0xcb: {  	p1 =	sne.s32 s14, $0xA;
	_ =	swait.ge [sflag:s28], $0x1000  }
.Ltmp1:
0xcc: {  	[sflag:s28] =	ssyncset.done $0x0;
	(pc) =	sbr.rel @p1 .LBB2_2-.Ltmp1, $4  }
0xcd: {  	[sflag:s28] =	ssyncadd.s32 $0xFFFFF000  }
0xce: {  	_ =	swait.ge [sflag:s31], $0x1000  }
0xcf: {  	[sflag:s31] =	ssyncset.done $0x0  }
0xd0: {  	[sflag:s31] =	ssyncadd.s32 $0xFFFFF000  }
0xd1: {  	[bflag:$0x0] =	sbarrier.arrive $0xFFFF  }
0xd2: {  	s15 =	rddreg [dreg:$0x6]  }
0xd3: {  	s9 =	rddreg [dreg:$0x8]  }
0xd4: {  	s14 =	rddreg [dreg:$0xb]  }
0xd5: {  	[hbm:s9], [sflag:s15] =	dma.local @p0 [spmem:s14], $0x3020  }
0xd6: {  	s9 =	simm.s32 @p0 $0xB  }
0xd7: {  	_ =	swait.ge @p0 [sflag:s9], $0x3020  }
0xd8: {  	[sflag:s9] =	ssyncset.done @p0 $0x0  }
0xd9: {  	[sflag:s9] =	ssyncadd.s32 @p0 $0xFFFFCFE0;
	s9 =	rddreg [dreg:$0x5]  }
0xda: {  	s14 =	rddreg [dreg:$0x7];
	s9 =	sshrl.u32 @!p0 s9, $0x3  }
0xdb: {  	[hbm:s14], [sflag:s15] =	dma.local @!p0 [spmem:s9], $0x30E0  }
0xdc: {  	s9 =	simm.s32 @!p0 $0xB  }
0xdd: {  	_ =	swait.ge @!p0 [sflag:s9], $0x30E0  }
0xde: {  	s21 =	rddreg [dreg:$0x3]  }
0xdf: {  	s14 =	sadd.s32 $0x1, s21;
	s21 =	rddreg [dreg:$0x9]  }
0xe0: {  	p1 =	sne.s32 s14, s21  }
.Ltmp2:
0xe1: {  	_ = 	snop;
	(pc) =	sbr.rel @p1 .LBB2_1-.Ltmp2, $3  }
0xe2: {  	_ =	sdelay $0x1  }
0xe3: {  	[sflag:s9] =	ssyncset.done @!p0 $0x0  }
0xe4: {  	[sflag:s9] =	ssyncadd.s32 @!p0 $0xFFFFCF20  }
0xe5: {  	_ =	sfence.sel $0x180000  }
0xe6: {  	[bflag:$0x0] =	sbarrier.arrive $0xFFFF  }
0xe7: {  	_ =	strace $0x9000004A  }
0xe8: {  	s0 =	stileid.u32;
	[bflag:$0x2] =	sbarrier.arrive $0xFFFF  }
0xe9: {  	p0 =	sne.s32 s0, $0x0;
	s0 =	rddreg [dreg:$0x2]  }
0xea: {  	s0 =	sadd.s32 @!p0 $0x100000, s0  }
0xeb: {  	[sflag:s0] =	ssyncadd.tile.s32 @!p0 $0x1;
	_ =	shalt  }
.Lfunc_end2:
_tile_overlayer_lowered:
.L_overlay_start_2:
0xec: {  	(tag) =	ssettag $0x2  }
0xed: {  	s0 =	rddreg [dreg:$0x0];
	s2 =	stileid.u32  }
0xee: {  	s1 =	rddreg [dreg:$0x1];
	p0 =	sne.s32 s2, $0x0  }
0xef: {  	s3 =	rddreg [dreg:$0x2];
	[bflag:$0x3] =	sbarrier.arrive $0xFFFF;
	s2 =	simm.s32 @!p0 $0x1C0B  }
0xf0: {  	[timem:s3], [sflag:s2] =	dma.local @!p0 [hbm:s0], s1  }
0xf1: {  	s0 =	simm.s32 @!p0 $0xB  }
0xf2: {  	_ =	swait.ge @!p0 [sflag:s0], s1  }
0xf3: {  	s1 =	ssub.s32 @!p0 $0x0, s1;
	[sflag:s0] =	ssyncset.done @!p0 $0x0  }
0xf4: {  	[sflag:s0] =	ssyncadd.s32 @!p0 s1  }
0xf5: {  	[bflag:$0x3] =	sbarrier.arrive $0xFFFF  }
0xf6: {  	_ =	shalt  }

// kernel: kernel.16.cloned.1.call-start
scs
__scs_entry_jumppad:
0x0: {  	(pc) =	sbr.rel $0x88, $3  }
0x1: {  	(tag) =	ssettag $0x0;
	lr =	simm.s32 $0x1  }
0x2: {  	[smem:$0x3F8C] =	sst lr;
	_ =	strace $0xD0000000  }
0x3: {  	_ = 	snop  }
0x4: {  	_ = 	snop  }
0x5: {  	_ = 	snop  }
0x6: {  	_ = 	snop  }
0x7: {  	_ = 	snop  }
__scs_overlays_trampoline_lowered:
0x8: {  	[smem:$0x3F9B] =	sst s0  }
0x9: {  	[smem:$0x3F9C] =	sst s1  }
0xa: {  	[smem:$0x3F9D] =	sst s2  }
0xb: {  	[smem:$0x3F9E] =	sst s3  }
0xc: {  	[smem:$0x3F9F] =	sst s4  }
0xd: {  	[smem:$0x3FA0] =	sst s5  }
0xe: {  	[smem:$0x3FA1] =	sst s6  }
0xf: {  	[smem:$0x3FA2] =	sst s7  }
0x10: {  	[smem:$0x3FA3] =	sst s8  }
0x11: {  	[smem:$0x3FA4] =	sst s9;
	s0 =	simm.s32 @!p0 $0x0  }
0x12: {  	s1 =	sld [smem:$0x3F8A];
	s0 =	simm.s32 @p0 $0x1  }
0x13: {  	[smem:$0x3FA5] =	sst s0;
	s0 =	simm.s32 @!p1 $0x0  }
0x14: {  	s2 =	sld [smem:$0x3F89];
	s0 =	simm.s32 @p1 $0x1  }
0x15: {  	[smem:$0x3FA6] =	sst s0;
	s0 =	simm.s32 @!p2 $0x0  }
0x16: {  	s3 =	sld [smem:$0x3FDB];
	s0 =	simm.s32 @p2 $0x1  }
0x17: {  	s4 =	simm.s32 $0x1BF5;
	[smem:$0x3FA8] =	sst s0  }
0x18: {  	s0 =	sld [smem:$0x3F8B];
	_ =	swait.ge [sflag:s4], $0x0  }
0x19: {  	s7 =	sld [smem:$0x3F8C]  }
0x1a: {  	s8 =	sadd.s32 $0xFFFFE003, lr  }
0x1b: {  	s9 =	sadd.s32 $0xFFFFFEF7, lr;
	s5 =	simm.s32 $0xFFFFFFFF;
	p2 =	slt.u32 s8, $0xFFFFF086  }
0x1c: {  	p1 =	slt.u32 s9, $0xF7A;
	s5 =	simm.s32 @!p2 $0x0  }
0x1d: {  	s5 =	simm.s32 @p1 $0x1;
	p0 =	seq.s32 s7, s2  }
0x1e: {  	s7 =	smul.u32 @!p0 $0xF7A, s2;
	p2 =	seq.s32 @!p0 s5, $0x0  }
0x1f: {  	s9 =	smul.u32 $0xF7A, s1;
	s8 =	simm.s32 @!p0 $0x1BF5;
	p2 =	por !p2, p0  }
0x20: {  	[sflag:s8] =	ssyncset.s32 @!p0 $0xFFFFF086;
	s6 =	sadd.s32 @!p0 s3, s7;
	s7 =	simm.s32 @!p0 $0x108  }
0x21: {  	s3 =	sadd.s32 s3, s9;
	s6 =	sadd.s32 @!p0 $0x88, s6;
	s7 =	simm.s32 @p2 $0x1082  }
0x22: {  	[simem:s7], [sflag:s8] =	dma.local @!p0 [hbm:s6], $0xF7A  }
0x23: {  	s9 =	sor.u32 $0xD0000000, s2;
	s6 =	simm.s32 $0x108;
	_ =	swait.ge @!p0 [sflag:s8], $0x0  }
0x24: {  	s3 =	sadd.s32 $0x88, s3;
	s6 =	simm.s32 @!p1 $0x1082;
	[sflag:s4] =	ssyncset.s32 $0xFFFFF086  }
0x25: {  	[simem:s6], [sflag:s4] =	dma.local [hbm:s3], $0xF7A  }
0x26: {  	[smem:$0x3F8C] =	sst s1;
	(tag) =	ssettag s2;
	_ =	strace s9  }
0x27: {  	s1 =	sld [smem:$0x3F9C]  }
0x28: {  	s2 =	sld [smem:$0x3F9D]  }
0x29: {  	s4 =	sld [smem:$0x3F9F]  }
0x2a: {  	p0 =	seq.s32 s5, $0x0;
	s5 =	sld [smem:$0x3FA0]  }
0x2b: {  	s6 =	sld [smem:$0x3FA1]  }
0x2c: {  	s7 =	sld [smem:$0x3FA2]  }
0x2d: {  	s3 =	simm.s32 $0x108;
	s8 =	sld [smem:$0x3FA3]  }
0x2e: {  	s3 =	simm.s32 @!p0 $0x1082;
	s9 =	sld [smem:$0x3FA4]  }
0x2f: {  	lr =	sadd.s32 s0, s3;
	s0 =	sld [smem:$0x3F9B]  }
0x30: {  	s3 =	sld [smem:$0x3F9E]  }
0x31: {  	[smem:$0x3FA7] =	sst s10  }
0x32: {  	s10 =	sld [smem:$0x3FA5];
	_ =	sdelay $0x3  }
0x33: {  	p0 =	seq.s32 s10, $0x1;
	s10 =	sld [smem:$0x3FA7];
	_ =	sdelay $0x3  }
0x34: {  	[smem:$0x3FA7] =	sst s10  }
0x35: {  	s10 =	sld [smem:$0x3FA6];
	_ =	sdelay $0x3  }
0x36: {  	p1 =	seq.s32 s10, $0x1;
	s10 =	sld [smem:$0x3FA7];
	_ =	sdelay $0x3  }
0x37: {  	[smem:$0x3FA7] =	sst s10  }
0x38: {  	s10 =	sld [smem:$0x3FA8]  }
0x39: {  	_ = 	snop;
	(pc) =	sbr.ind lr, $3  }
0x3a: {  	_ = 	snop  }
0x3b: {  	_ = 	snop  }
0x3c: {  	p2 =	seq.s32 s10, $0x1;
	s10 =	sld [smem:$0x3FA7]  }
0x3d: {  	_ =	shalt  }
0x3e: {  	_ =	shalt  }
0x3f: {  	_ =	shalt  }
0x40: {  	_ =	shalt  }
0x41: {  	_ =	shalt  }
0x42: {  	_ =	shalt  }
0x43: {  	_ =	shalt  }
0x44: {  	_ =	shalt  }
0x45: {  	_ =	shalt  }
0x46: {  	_ =	shalt  }
0x47: {  	_ =	shalt  }
0x48: {  	_ =	shalt  }
0x49: {  	_ =	shalt  }
0x4a: {  	_ =	shalt  }
0x4b: {  	_ =	shalt  }
0x4c: {  	_ =	shalt  }
0x4d: {  	_ =	shalt  }
0x4e: {  	_ =	shalt  }
0x4f: {  	_ =	shalt  }
0x50: {  	_ =	shalt  }
0x51: {  	_ =	shalt  }
0x52: {  	_ =	shalt  }
0x53: {  	_ =	shalt  }
0x54: {  	_ =	shalt  }
0x55: {  	_ =	shalt  }
0x56: {  	_ =	shalt  }
0x57: {  	_ =	shalt  }
0x58: {  	_ =	shalt  }
0x59: {  	_ =	shalt  }
0x5a: {  	_ =	shalt  }
0x5b: {  	_ =	shalt  }
0x5c: {  	_ =	shalt  }
0x5d: {  	_ =	shalt  }
0x5e: {  	_ =	shalt  }
0x5f: {  	_ =	shalt  }
0x60: {  	_ =	shalt  }
0x61: {  	_ =	shalt  }
0x62: {  	_ =	shalt  }
0x63: {  	_ =	shalt  }
0x64: {  	_ =	shalt  }
0x65: {  	_ =	shalt  }
0x66: {  	_ =	shalt  }
0x67: {  	_ =	shalt  }
0x68: {  	_ =	shalt  }
0x69: {  	_ =	shalt  }
0x6a: {  	_ =	shalt  }
0x6b: {  	_ =	shalt  }
0x6c: {  	_ =	shalt  }
0x6d: {  	_ =	shalt  }
0x6e: {  	_ =	shalt  }
0x6f: {  	_ =	shalt  }
0x70: {  	_ =	shalt  }
0x71: {  	_ =	shalt  }
0x72: {  	_ =	shalt  }
0x73: {  	_ =	shalt  }
0x74: {  	_ =	shalt  }
0x75: {  	_ =	shalt  }
0x76: {  	_ =	shalt  }
0x77: {  	_ =	shalt  }
0x78: {  	_ =	shalt  }
0x79: {  	_ =	shalt  }
0x7a: {  	_ =	shalt  }
0x7b: {  	_ =	shalt  }
0x7c: {  	_ =	shalt  }
0x7d: {  	_ =	shalt  }
0x7e: {  	_ =	shalt  }
0x7f: {  	_ =	shalt  }
0x80: {  	_ =	shalt  }
0x81: {  	_ =	shalt  }
0x82: {  	_ =	shalt  }
0x83: {  	_ =	shalt  }
0x84: {  	_ =	shalt  }
0x85: {  	_ =	shalt  }
0x86: {  	_ =	shalt  }
0x87: {  	_ =	shalt  }
.Lfunc_end0:
.L_simem_size_0:
called_computation.2_lowered:
.L_overlay_start_0:
0x88: {  	s2 =	sld [smem:$0x3FD9]  }
0x89: {  	s3 =	sld [smem:$0x3FFE];
	_ =	sdelay $0x1  }
0x8a: {  	s1 =	srdreg.scid  }
0x8b: {  	s0 =	sand.u32 $0x1, s1  }
0x8c: {  	s16 =	sshll.u32 s0, $0xA;
	s2 =	sadd.s32 s3, s2  }
0x8d: {  	s2 =	sadd.s32 s2, s16  }
0x8e: {  	[smem:$0x3FB3] =	sst s2  }
0x8f: {  	_ = 	snop  }
0x90: {  	(tm) =	ssettm $0x1  }
0x91: {  	s17 =	sld [smem:$0x3FFB];
	_ =	sdelay $0x3  }
0x92: {  	_ =	strace s17  }
0x93: {  	s2 =	sld [smem:$0x3FFC];
	_ =	sdelay $0x3  }
0x94: {  	_ =	strace s2  }
0x95: {  	s2 =	sld [smem:$0x3FFD];
	_ =	sdelay $0x3  }
0x96: {  	_ =	strace s2  }
0x97: {  	_ =	strace $0x8FFFFFFF  }
0x98: {  	s18 =	sld [smem:$0x3FDB];
	_ =	sdelay $0x1  }
0x99: {  	s19 =	simm.s32 $_scs_section_size  }
0x9a: {  	s4 =	simm.s32 $_size__tile_overlayer_lowered;
	s5 =	simm.s32 $_tile_overlayer_lowered  }
0x9b: {  	s22 =	simm.s32 $0x1BFF;
	s21 =	sshll.u32 s5, $0x1;
	s2 =	sadd.s32 s19, s18  }
0x9c: {  	s6 =	simm.s32 $0x0;
	s20 =	sshll.u32 s4, $0x1;
	s4 =	sadd.s32 s21, s2  }
0x9d: {  	[timem:s6], [sflag:s22] =	dma.local [hbm:s4], s20  }
0x9e: {  	_ =	swait.ge [sflag:s22], s20  }
0x9f: {  	s3 =	ssub.s32 $0x0, s20;
	[sflag:s22] =	ssyncset.done $0x0  }
0xa0: {  	[sflag:s22] =	ssyncadd.s32 s3;
	_ =	sdelay $0x1  }
0xa1: {  	s23 =	simm.s32 $0x1B8B  }
0xa2: {  	_ =	swait.ge [sflag:s23], $0x1  }
0xa3: {  	[sflag:s23] =	ssyncset.done $0x0  }
0xa4: {  	s25 =	simm.s32 $0x1B8E;
	s24 =	sld [smem:$0x3FFE];
	[sflag:s23] =	ssyncadd.s32 $0xFFFFFFFF  }
0xa5: {  	s26 =	simm.s32 $execute0_lowered;
	[smem:$0x3FD2] =	sst s25  }
0xa6: {  	s4 =	sshll.u32 s26, $0x1;
	_ =	strace $0x8000004C;
	[dreg:$0x1] =	wrdreg $0xFFFFFFFF  }
0xa7: {  	s28 =	simm.s32 $_size_execute0_lowered;
	s2 =	sadd.s32 s2, s4;
	[dreg:$0x0] =	wrdreg $0x0  }
0xa8: {  	s4 =	sshll.u32 s28, $0x1;
	[dreg:$0x2] =	wrdreg s2  }
0xa9: {  	[dreg:$0x3] =	wrdreg s4  }
0xaa: {  	[dreg:$0x4] =	wrdreg $0xC0  }
0xab: {  	_ =	task [dreg:s6], $0x5FFFF  }
0xac: {  	[dreg:$0x1] =	wrdreg $0xFFFFFFFF  }
0xad: {  	[dreg:$0x0] =	wrdreg $0x60  }
0xae: {  	[dreg:$0x2] =	wrdreg s24  }
0xaf: {  	[dreg:$0x3] =	wrdreg $0x0  }
0xb0: {  	[dreg:$0x4] =	wrdreg $0x9  }
0xb1: {  	_ =	task.clear_ibuf [dreg:s6], $0x5FFFF;
	_ =	strace $0x9000004C  }
0xb2: {  	s29 =	simm.s32 $0x9;
	_ =	strace $0x8000004E  }
0xb3: {  	_ =	swait.ge [sflag:s29], $0x1  }
0xb4: {  	[sflag:s29] =	ssyncadd.s32 $0xFFFFFFFF  }
0xb5: {  	_ =	strace $0x9000004E  }
0xb6: {  	_ =	sfence  }
0xb7: {  	s30 =	sld [smem:$0x0];
	_ =	sdelay $0x2  }
0xb8: {  	s31 =	sshll.u32 s1, $0xD;
	s1 =	sshrl.u32 s1, $0x2  }
0xb9: {  	s3 =	sand.u32 $0x4000, s31;
	s1 =	sadd.s32 s1, s30  }
0xba: {  	s0 =	sor.u32 s3, s0;
	s1 =	sshll.u32 s1, $0x11  }
0xbb: {  	s0 =	sor.u32 s1, s0  }
0xbc: {  	s0 =	sadd.s32 $0x8F2B, s0  }
0xbd: {  	[sflag:s0] =	ssyncadd.remote.s32 $0x1  }
0xbe: {  	_ =	sfence.sel $0xFFFF  }
0xbf: {  	[dreg:$0x0] =	wrdreg $0xFFFFFFFF;
	(pc) =	sbr.abs _section_cstart, $3  }
0xc0: {  	[dreg:$0x1] =	wrdreg $0xFFFFFFFF  }
0xc1: {  	_ =	task.clear_ibuf [dreg:s6], $0x2FFFF;
	_ =	strace $0x9FFFFFFF  }
0xc2: {  	(tm) =	ssettm $0x7FFFFFFF  }
0xc3: {  	_ =	shalt  }
tec
execute0_lowered:
.L_overlay_start_1:
0x0: {  	(tag) =	ssettag $0x1  }
0x1: {  	s0 =	rddreg [dreg:$0x0]  }
0x2: {  	s1 =	rddreg [dreg:$0x1]  }
0x3: {  	s14 =	simm.s32 $0x0;
	s2 =	srdreg.scid;
	s12 =	stileid.u32  }
0x4: {  	s16 =	simm.s32 $0xB;
	s17 =	simm.s32 $0x18700;
	s18 =	simm.s32 $0x19B00  }
0x5: {  	s19 =	simm.s32 $0x80;
	s20 =	simm.s32 $0x1AF00;
	s29 =	simm.s32 $0x1DF00  }
0x6: {  	s30 =	simm.s32 $0x2;
	s13 =	simm.s32 $0x6;
	s28 =	simm.s32 $0x9  }
0x7: {  	s31 =	simm.s32 $0xA;
	[smem:$0x7FF] =	sst s14;
	s4 =	sadd.s32 $0x1C000, s0  }
0x8: {  	s5 =	sadd.s32 $0x112000, s0;
	s2 =	sand.u32 $0x1, s2;
	s7 =	smul.u32 $0x30E0, s12  }
0x9: {  	s6 =	sadd.s32 $0x3000, s0;
	s8 =	sadd.s32 $0x7DC00, s0;
	s9 =	smul.u32 $0x61C00, s12  }
0xa: {  	s0 =	sadd.s32 $0x80E00, s0;
	s10 =	sshll.u32 s12, $0x6;
	p0 =	seq.s32 s12, $0xF  }
0xb: {  	_ =	strace $0x8000004D;
	s3 =	ssub.s32 $0x2, s2;
	s23 =	smul.u32 $0x186A00, s2  }
0xc: {  	[dreg:$0x4] =	wrdreg s8;
	s11 =	smul.u32 $0x30D40, s2;
	s15 =	sor.u32 $0x1C0B, s10  }
0xd: {  	s10 =	smul.u32 $0x190, s12;
	s12 =	simm.s32 $0x1AE80;
	s22 =	sshrl.u32 s3, $0x1  }
0xe: {  	s9 =	sshrl.u32 s9, $0x2;
	[dreg:$0x6] =	wrdreg s15;
	s3 =	ssub.s32 s3, s22  }
0xf: {  	s9 =	sadd.s32 s9, s1;
	s8 =	sshrl.u32 s23, $0x3;
	s7 =	sadd.s32 s7, s11  }
0x10: {  	s11 =	smul.u32 $0x1900, s2;
	s22 =	simm.s32 $0x1BF00;
	s2 =	simm.s32 $0x5  }
0x11: {  	s23 =	simm.s32 $0x8;
	s8 =	sadd.s32 s0, s8;
	s0 =	sadd.s32 s0, s7  }
0x12: {  	s25 =	smax.u32 s3, $0x1;
	[dreg:$0x5] =	wrdreg s9;
	s26 =	sshrl.u32 s9, $0x3  }
0x13: {  	s3 =	simm.s32 $0x1EF00;
	s7 =	simm.s32 $0x3;
	[dreg:$0x7] =	wrdreg s0  }
0x14: {  	s24 =	sadd.s32 $0x2DD20, s8;
	s0 =	sadd.s32 $0x16E900, s1;
	[dreg:$0x9] =	wrdreg s25  }
0x15: {  	[dreg:$0xa] =	wrdreg s26;
	s26 =	simm.s32 $0x1;
	s8 =	simm.s32 $0x4  }
0x16: {  	s25 =	simm.s32 $0x7;
	[dreg:$0x8] =	wrdreg s24;
	s0 =	sshrl.u32 @p0 s0, $0x3  }
0x17: {  	s24 =	simm.s32 $0x1CF00;
	[dreg:$0xb] =	wrdreg s0;
	s0 =	simm.s32 $0x19A80  }
.LBB2_1:
0x18: {  	[dreg:$0x3] =	wrdreg s14  }
0x19: {  	s9 =	rddreg [dreg:$0x4]  }
0x1a: {  	s21 =	rddreg [dreg:$0xa]  }
0x1b: {  	[spmem:s21], [sflag:s15] =	dma.local [hbm:s9], $0x30E0  }
0x1c: {  	_ =	swait.ge [sflag:s16], $0x30E0  }
0x1d: {  	[sflag:s16] =	ssyncset.done $0x0  }
0x1e: {  	[sflag:s16] =	ssyncadd.s32 $0xFFFFCF20  }
0x1f: {  	s14 =	simm.s32 $0x0;
	[bflag:$0x0] =	sbarrier.arrive $0xFFFF  }
.LBB2_2:
0x20: {  	s9 =	smul.u32 $0x28, s14;
	_ =	sdelay $0x1  }
0x21: {  	s9 =	sadd.s32 s10, s9  }
0x22: {  	s15 =	sadd.s32 s11, s9  }
0x23: {  	s15 =	sshll.u32 s15, $0x4  }
0x24: {  	s21 =	simm.s32 $0x0;
	s15 =	sadd.s32 s5, s15  }
0x25: {  	[tilespmem:s17], [sflag:$0xB] =	stream.linear.gather [hbm4b:s15+s21], $0x1400, $0x38;
	[tilespmem:$0x1FF00] =	vst v63  }
0x26: {  	_ =	swait.ge [sflag:s16], $0x1400  }
0x27: {  	s9 =	sshll.u32 s9, $0x4;
	[sflag:s16] =	ssyncset.done $0x0  }
0x28: {  	s9 =	sadd.s32 s6, s9;
	[sflag:s16] =	ssyncadd.s32 $0xFFFFEC00  }
0x29: {  	[tilespmem:s18], [sflag:$0xB] =	stream.linear.gather [hbm4b:s9+s21], $0x1400, $0x38;
	[tilespmem:$0x1FF00] =	vst v63  }
0x2a: {  	_ =	swait.ge [sflag:s16], $0x1400  }
0x2b: {  	[sflag:s16] =	ssyncset.done $0x0  }
0x2c: {  	[sflag:s16] =	ssyncadd.s32 $0xFFFFEC00  }
0x2d: {  	[tilespmem:s20], [sflag:$0x1] =	stream.indirect.gather [hbm4b:s4+s19], $0x20, s17, s19, $0xb8;
	[tilespmem:$0x1FF00] =	vst v63  }
0x2e: {  	s21 =	simm.s32 $0x18780  }
0x2f: {  	[tilespmem:s22], [sflag:$0x2] =	stream.indirect.gather [hbm4b:s4+s19], $0x20, s21, s19, $0xb8;
	[tilespmem:$0x1FF00] =	vst v63  }
0x30: {  	s15 =	simm.s32 $0x18800  }
0x31: {  	[tilespmem:s24], [sflag:$0x3] =	stream.indirect.gather [hbm4b:s4+s19], $0x20, s15, s19, $0xb8;
	[tilespmem:$0x1FF00] =	vst v63  }
0x32: {  	_ =	swait.ge [sflag:s26], $0x1000  }
0x33: {  	[sflag:s26] =	ssyncset.done $0x0  }
0x34: {  	[sflag:s26] =	ssyncadd.s32 $0xFFFFF000  }
0x35: {  	[spmem:s1] =	stream.indirect.scatter.add.f32 [tilespmem:s20], [sflag:$0x6], $0x20, s18, s19, $0xb8;
	[tilespmem:$0x1FF00] =	vst v63  }
0x36: {  	s21 =	simm.s32 $0x18880  }
0x37: {  	[tilespmem:s29], [sflag:$0x4] =	stream.indirect.gather [hbm4b:s4+s19], $0x20, s21, s19, $0xb8;
	[tilespmem:$0x1FF00] =	vst v63  }
0x38: {  	_ =	swait.ge [sflag:s30], $0x1000  }
0x39: {  	[sflag:s30] =	ssyncset.done $0x0  }
0x3a: {  	s15 =	simm.s32 $0x19B80;
	[sflag:s30] =	ssyncadd.s32 $0xFFFFF000  }
0x3b: {  	[spmem:s1] =	stream.indirect.scatter.add.f32 [tilespmem:s22], [sflag:$0x7], $0x20, s15, s19, $0xb8;
	[tilespmem:$0x1FF00] =	vst v63  }
0x3c: {  	s21 =	simm.s32 $0x18900  }
0x3d: {  	[tilespmem:s3], [sflag:$0x5] =	stream.indirect.gather [hbm4b:s4+s19], $0x20, s21, s19, $0xb8;
	[tilespmem:$0x1FF00] =	vst v63  }
0x3e: {  	_ =	swait.ge [sflag:s7], $0x1000  }
0x3f: {  	[sflag:s7] =	ssyncset.done $0x0  }
0x40: {  	s15 =	simm.s32 $0x19C00;
	[sflag:s7] =	ssyncadd.s32 $0xFFFFF000  }
0x41: {  	[spmem:s1] =	stream.indirect.scatter.add.f32 [tilespmem:s24], [sflag:$0x8], $0x20, s15, s19, $0xb8;
	[tilespmem:$0x1FF00] =	vst v63  }
0x42: {  	_ =	swait.ge [sflag:s13], $0x1000  }
0x43: {  	[sflag:s13] =	ssyncset.done $0x0  }
0x44: {  	s21 =	simm.s32 $0x18980;
	[sflag:s13] =	ssyncadd.s32 $0xFFFFF000  }
0x45: {  	[tilespmem:s20], [sflag:$0x1] =	stream.indirect.gather [hbm4b:s4+s19], $0x20, s21, s19, $0xb8;
	[tilespmem:$0x1FF00] =	vst v63  }
0x46: {  	_ =	swait.ge [sflag:s8], $0x1000  }
0x47: {  	[sflag:s8] =	ssyncset.done $0x0  }
0x48: {  	s15 =	simm.s32 $0x19C80;
	[sflag:s8] =	ssyncadd.s32 $0xFFFFF000  }
0x49: {  	[spmem:s1] =	stream.indirect.scatter.add.f32 [tilespmem:s29], [sflag:$0x9], $0x20, s15, s19, $0xb8;
	[tilespmem:$0x1FF00] =	vst v63  }
0x4a: {  	_ =	swait.ge [sflag:s25], $0x1000  }
0x4b: {  	[sflag:s25] =	ssyncset.done $0x0  }
0x4c: {  	s21 =	simm.s32 $0x18A00;
	[sflag:s25] =	ssyncadd.s32 $0xFFFFF000  }
0x4d: {  	[tilespmem:s22], [sflag:$0x2] =	stream.indirect.gather [hbm4b:s4+s19], $0x20, s21, s19, $0xb8;
	[tilespmem:$0x1FF00] =	vst v63  }
0x4e: {  	_ =	swait.ge [sflag:s2], $0x1000  }
0x4f: {  	[sflag:s2] =	ssyncset.done $0x0  }
0x50: {  	s15 =	simm.s32 $0x19D00;
	[sflag:s2] =	ssyncadd.s32 $0xFFFFF000  }
0x51: {  	[spmem:s1] =	stream.indirect.scatter.add.f32 [tilespmem:s3], [sflag:$0xA], $0x20, s15, s19, $0xb8;
	[tilespmem:$0x1FF00] =	vst v63  }
0x52: {  	_ =	swait.ge [sflag:s23], $0x1000  }
0x53: {  	[sflag:s23] =	ssyncset.done $0x0  }
0x54: {  	s21 =	simm.s32 $0x18A80;
	[sflag:s23] =	ssyncadd.s32 $0xFFFFF000  }
0x55: {  	[tilespmem:s24], [sflag:$0x3] =	stream.indirect.gather [hbm4b:s4+s19], $0x20, s21, s19, $0xb8;
	[tilespmem:$0x1FF00] =	vst v63  }
0x56: {  	_ =	swait.ge [sflag:s26], $0x1000  }
0x57: {  	[sflag:s26] =	ssyncset.done $0x0  }
0x58: {  	s15 =	simm.s32 $0x19D80;
	[sflag:s26] =	ssyncadd.s32 $0xFFFFF000  }
0x59: {  	[spmem:s1] =	stream.indirect.scatter.add.f32 [tilespmem:s20], [sflag:$0x6], $0x20, s15, s19, $0xb8;
	[tilespmem:$0x1FF00] =	vst v63  }
0x5a: {  	_ =	swait.ge [sflag:s28], $0x1000  }
0x5b: {  	[sflag:s28] =	ssyncset.done $0x0  }
0x5c: {  	s21 =	simm.s32 $0x18B00;
	[sflag:s28] =	ssyncadd.s32 $0xFFFFF000  }
0x5d: {  	[tilespmem:s29], [sflag:$0x4] =	stream.indirect.gather [hbm4b:s4+s19], $0x20, s21, s19, $0xb8;
	[tilespmem:$0x1FF00] =	vst v63  }
0x5e: {  	_ =	swait.ge [sflag:s30], $0x1000  }
0x5f: {  	[sflag:s30] =	ssyncset.done $0x0  }
0x60: {  	s15 =	simm.s32 $0x19E00;
	[sflag:s30] =	ssyncadd.s32 $0xFFFFF000  }
0x61: {  	[spmem:s1] =	stream.indirect.scatter.add.f32 [tilespmem:s22], [sflag:$0x7], $0x20, s15, s19, $0xb8;
	[tilespmem:$0x1FF00] =	vst v63  }
0x62: {  	_ =	swait.ge [sflag:s31], $0x1000  }
0x63: {  	[sflag:s31] =	ssyncset.done $0x0  }
0x64: {  	s21 =	simm.s32 $0x18B80;
	[sflag:s31] =	ssyncadd.s32 $0xFFFFF000  }
0x65: {  	[tilespmem:s3], [sflag:$0x5] =	stream.indirect.gather [hbm4b:s4+s19], $0x20, s21, s19, $0xb8;
	[tilespmem:$0x1FF00] =	vst v63  }
0x66: {  	_ =	swait.ge [sflag:s7], $0x1000  }
0x67: {  	[sflag:s7] =	ssyncset.done $0x0  }
0x68: {  	s15 =	simm.s32 $0x19E80;
	[sflag:s7] =	ssyncadd.s32 $0xFFFFF000  }
0x69: {  	[spmem:s1] =	stream.indirect.scatter.add.f32 [tilespmem:s24], [sflag:$0x8], $0x20, s15, s19, $0xb8;
	[tilespmem:$0x1FF00] =	vst v63  }
0x6a: {  	_ =	swait.ge [sflag:s13], $0x1000  }
0x6b: {  	[sflag:s13] =	ssyncset.done $0x0  }
0x6c: {  	s21 =	simm.s32 $0x18C00;
	[sflag:s13] =	ssyncadd.s32 $0xFFFFF000  }
0x6d: {  	[tilespmem:s20], [sflag:$0x1] =	stream.indirect.gather [hbm4b:s4+s19], $0x20, s21, s19, $0xb8;
	[tilespmem:$0x1FF00] =	vst v63  }
0x6e: {  	_ =	swait.ge [sflag:s8], $0x1000  }
0x6f: {  	[sflag:s8] =	ssyncset.done $0x0  }
0x70: {  	s15 =	simm.s32 $0x19F00;
	[sflag:s8] =	ssyncadd.s32 $0xFFFFF000  }
0x71: {  	[spmem:s1] =	stream.indirect.scatter.add.f32 [tilespmem:s29], [sflag:$0x9], $0x20, s15, s19, $0xb8;
	[tilespmem:$0x1FF00] =	vst v63  }
0x72: {  	_ =	swait.ge [sflag:s25], $0x1000  }
0x73: {  	[sflag:s25] =	ssyncset.done $0x0  }
0x74: {  	s21 =	simm.s32 $0x18C80;
	[sflag:s25] =	ssyncadd.s32 $0xFFFFF000  }
0x75: {  	[tilespmem:s22], [sflag:$0x2] =	stream.indirect.gather [hbm4b:s4+s19], $0x20, s21, s19, $0xb8;
	[tilespmem:$0x1FF00] =	vst v63  }
0x76: {  	_ =	swait.ge [sflag:s2], $0x1000  }
0x77: {  	[sflag:s2] =	ssyncset.done $0x0  }
0x78: {  	s9 =	simm.s32 $0x19F80;
	s15 =	simm.s32 $0xA00;
	[sflag:s2] =	ssyncadd.s32 $0xFFFFF000  }
.LBB2_3:
0x79: {  	[spmem:s1] =	stream.indirect.scatter.add.f32 [tilespmem:s3], [sflag:$0xA], $0x20, s9, s19, $0xb8;
	[tilespmem:$0x1FF00] =	vst v63  }
0x7a: {  	s9 =	smov.u32 s15;
	s15 =	sadd.s32 $0xA00, s15;
	_ =	swait.ge [sflag:s23], $0x1000  }
0x7b: {  	s9 =	sshra.s32 s9, $0x2;
	p1 =	sne.s32 s15, $0x3C00;
	[sflag:s23] =	ssyncset.done $0x0  }
0x7c: {  	s21 =	sadd.s32 $0x18A80, s9;
	[sflag:s23] =	ssyncadd.s32 $0xFFFFF000  }
0x7d: {  	[tilespmem:s24], [sflag:$0x3] =	stream.indirect.gather [hbm4b:s4+s19], $0x20, s21, s19, $0xb8;
	[tilespmem:$0x1FF00] =	vst v63  }
0x7e: {  	_ =	swait.ge [sflag:s26], $0x1000  }
0x7f: {  	[sflag:s26] =	ssyncset.done $0x0  }
0x80: {  	s21 =	sadd.s32 $0x19D80, s9;
	[sflag:s26] =	ssyncadd.s32 $0xFFFFF000  }
0x81: {  	[spmem:s1] =	stream.indirect.scatter.add.f32 [tilespmem:s20], [sflag:$0x6], $0x20, s21, s19, $0xb8;
	[tilespmem:$0x1FF00] =	vst v63  }
0x82: {  	_ =	swait.ge [sflag:s28], $0x1000  }
0x83: {  	[sflag:s28] =	ssyncset.done $0x0  }
0x84: {  	s21 =	sadd.s32 $0x18B00, s9;
	[sflag:s28] =	ssyncadd.s32 $0xFFFFF000  }
0x85: {  	[tilespmem:s29], [sflag:$0x4] =	stream.indirect.gather [hbm4b:s4+s19], $0x20, s21, s19, $0xb8;
	[tilespmem:$0x1FF00] =	vst v63  }
0x86: {  	_ =	swait.ge [sflag:s30], $0x1000  }
0x87: {  	[sflag:s30] =	ssyncset.done $0x0  }
0x88: {  	s21 =	sadd.s32 $0x19E00, s9;
	[sflag:s30] =	ssyncadd.s32 $0xFFFFF000  }
0x89: {  	[spmem:s1] =	stream.indirect.scatter.add.f32 [tilespmem:s22], [sflag:$0x7], $0x20, s21, s19, $0xb8;
	[tilespmem:$0x1FF00] =	vst v63  }
0x8a: {  	_ =	swait.ge [sflag:s31], $0x1000  }
0x8b: {  	[sflag:s31] =	ssyncset.done $0x0  }
0x8c: {  	s21 =	sadd.s32 $0x18B80, s9;
	[sflag:s31] =	ssyncadd.s32 $0xFFFFF000  }
0x8d: {  	[tilespmem:s3], [sflag:$0x5] =	stream.indirect.gather [hbm4b:s4+s19], $0x20, s21, s19, $0xb8;
	[tilespmem:$0x1FF00] =	vst v63  }
0x8e: {  	_ =	swait.ge [sflag:s7], $0x1000  }
0x8f: {  	[sflag:s7] =	ssyncset.done $0x0  }
0x90: {  	s21 =	sadd.s32 $0x19E80, s9;
	[sflag:s7] =	ssyncadd.s32 $0xFFFFF000  }
0x91: {  	[spmem:s1] =	stream.indirect.scatter.add.f32 [tilespmem:s24], [sflag:$0x8], $0x20, s21, s19, $0xb8;
	[tilespmem:$0x1FF00] =	vst v63  }
0x92: {  	_ =	swait.ge [sflag:s13], $0x1000  }
0x93: {  	[sflag:s13] =	ssyncset.done $0x0  }
0x94: {  	s21 =	sadd.s32 $0x18C00, s9;
	[sflag:s13] =	ssyncadd.s32 $0xFFFFF000  }
0x95: {  	[tilespmem:s20], [sflag:$0x1] =	stream.indirect.gather [hbm4b:s4+s19], $0x20, s21, s19, $0xb8;
	[tilespmem:$0x1FF00] =	vst v63  }
0x96: {  	_ =	swait.ge [sflag:s8], $0x1000  }
0x97: {  	[sflag:s8] =	ssyncset.done $0x0  }
0x98: {  	s21 =	sadd.s32 $0x19F00, s9;
	[sflag:s8] =	ssyncadd.s32 $0xFFFFF000  }
0x99: {  	[spmem:s1] =	stream.indirect.scatter.add.f32 [tilespmem:s29], [sflag:$0x9], $0x20, s21, s19, $0xb8;
	[tilespmem:$0x1FF00] =	vst v63  }
0x9a: {  	_ =	swait.ge [sflag:s25], $0x1000  }
0x9b: {  	[sflag:s25] =	ssyncset.done $0x0  }
.Ltmp0:
0x9c: {  	s21 =	sadd.s32 $0x18C80, s9;
	[sflag:s25] =	ssyncadd.s32 $0xFFFFF000;
	(pc) =	sbr.rel @p1 .LBB2_3-.Ltmp0, $4  }
0x9d: {  	[tilespmem:s22], [sflag:$0x2] =	stream.indirect.gather [hbm4b:s4+s19], $0x20, s21, s19, $0xb8;
	[tilespmem:$0x1FF00] =	vst v63  }
0x9e: {  	_ =	swait.ge [sflag:s2], $0x1000  }
0x9f: {  	[sflag:s2] =	ssyncset.done $0x0  }
0xa0: {  	s9 =	sadd.s32 $0x19F80, s9;
	[sflag:s2] =	ssyncadd.s32 $0xFFFFF000  }
0xa1: {  	[spmem:s1] =	stream.indirect.scatter.add.f32 [tilespmem:s3], [sflag:$0xA], $0x20, s9, s19, $0xb8;
	[tilespmem:$0x1FF00] =	vst v63  }
0xa2: {  	_ =	swait.ge [sflag:s23], $0x1000  }
0xa3: {  	s9 =	sshra.s32 s15, $0x2;
	[sflag:s23] =	ssyncset.done $0x0  }
0xa4: {  	s15 =	sadd.s32 $0x18A80, s9;
	[sflag:s23] =	ssyncadd.s32 $0xFFFFF000  }
0xa5: {  	[tilespmem:s24], [sflag:$0x3] =	stream.indirect.gather [hbm4b:s4+s19], $0x20, s15, s19, $0xb8;
	[tilespmem:$0x1FF00] =	vst v63  }
0xa6: {  	_ =	swait.ge [sflag:s26], $0x1000  }
0xa7: {  	[sflag:s26] =	ssyncset.done $0x0  }
0xa8: {  	s21 =	sadd.s32 $0x19D80, s9;
	[sflag:s26] =	ssyncadd.s32 $0xFFFFF000  }
0xa9: {  	[spmem:s1] =	stream.indirect.scatter.add.f32 [tilespmem:s20], [sflag:$0x6], $0x20, s21, s19, $0xb8;
	[tilespmem:$0x1FF00] =	vst v63  }
0xaa: {  	_ =	swait.ge [sflag:s28], $0x1000  }
0xab: {  	[sflag:s28] =	ssyncset.done $0x0  }
0xac: {  	s21 =	sadd.s32 $0x18B00, s9;
	[sflag:s28] =	ssyncadd.s32 $0xFFFFF000  }
0xad: {  	[tilespmem:s29], [sflag:$0x4] =	stream.indirect.gather [hbm4b:s4+s19], $0x20, s21, s19, $0xb8;
	[tilespmem:$0x1FF00] =	vst v63  }
0xae: {  	_ =	swait.ge [sflag:s30], $0x1000  }
0xaf: {  	[sflag:s30] =	ssyncset.done $0x0  }
0xb0: {  	s21 =	sadd.s32 $0x19E00, s9;
	[sflag:s30] =	ssyncadd.s32 $0xFFFFF000  }
0xb1: {  	[spmem:s1] =	stream.indirect.scatter.add.f32 [tilespmem:s22], [sflag:$0x7], $0x20, s21, s19, $0xb8;
	[tilespmem:$0x1FF00] =	vst v63  }
0xb2: {  	_ =	swait.ge [sflag:s31], $0x1000  }
0xb3: {  	[sflag:s31] =	ssyncset.done $0x0  }
0xb4: {  	[sflag:s31] =	ssyncadd.s32 $0xFFFFF000  }
0xb5: {  	[tilespmem:s3], [sflag:$0x5] =	stream.indirect.gather [hbm4b:s4+s19], $0x20, s0, s19, $0xb8;
	[tilespmem:$0x1FF00] =	vst v63  }
0xb6: {  	_ =	swait.ge [sflag:s7], $0x1000  }
0xb7: {  	[sflag:s7] =	ssyncset.done $0x0  }
0xb8: {  	s21 =	sadd.s32 $0x19E80, s9;
	[sflag:s7] =	ssyncadd.s32 $0xFFFFF000  }
0xb9: {  	[spmem:s1] =	stream.indirect.scatter.add.f32 [tilespmem:s24], [sflag:$0x8], $0x20, s21, s19, $0xb8;
	[tilespmem:$0x1FF00] =	vst v63  }
0xba: {  	_ =	swait.ge [sflag:s13], $0x1000  }
0xbb: {  	[sflag:s13] =	ssyncset.done $0x0  }
0xbc: {  	[sflag:s13] =	ssyncadd.s32 $0xFFFFF000  }
0xbd: {  	_ =	swait.ge [sflag:s8], $0x1000  }
0xbe: {  	[sflag:s8] =	ssyncset.done $0x0  }
0xbf: {  	s9 =	sadd.s32 $0x19F00, s9;
	[sflag:s8] =	ssyncadd.s32 $0xFFFFF000  }
0xc0: {  	[spmem:s1] =	stream.indirect.scatter.add.f32 [tilespmem:s29], [sflag:$0x9], $0x20, s9, s19, $0xb8;
	[tilespmem:$0x1FF00] =	vst v63  }
0xc1: {  	_ =	swait.ge [sflag:s25], $0x1000  }
0xc2: {  	[sflag:s25] =	ssyncset.done $0x0  }
0xc3: {  	[sflag:s25] =	ssyncadd.s32 $0xFFFFF000  }
0xc4: {  	_ =	swait.ge [sflag:s2], $0x1000  }
0xc5: {  	[sflag:s2] =	ssyncset.done $0x0  }
0xc6: {  	[sflag:s2] =	ssyncadd.s32 $0xFFFFF000  }
0xc7: {  	[spmem:s1] =	stream.indirect.scatter.add.f32 [tilespmem:s3], [sflag:$0xA], $0x20, s12, s19, $0xb8;
	[tilespmem:$0x1FF00] =	vst v63  }
0xc8: {  	_ =	swait.ge [sflag:s23], $0x1000  }
0xc9: {  	[sflag:s23] =	ssyncset.done $0x0  }
0xca: {  	s14 =	sadd.s32 $0x1, s14;
	[sflag:s23] =	ssyncadd.s32 $0xFFFFF000  }
0xcb: {  	p1 =	sne.s32 s14, $0xA;
	_ =	swait.ge [sflag:s28], $0x1000  }
.Ltmp1:
0xcc: {  	[sflag:s28] =	ssyncset.done $0x0;
	(pc) =	sbr.rel @p1 .LBB2_2-.Ltmp1, $4  }
0xcd: {  	[sflag:s28] =	ssyncadd.s32 $0xFFFFF000  }
0xce: {  	_ =	swait.ge [sflag:s31], $0x1000  }
0xcf: {  	[sflag:s31] =	ssyncset.done $0x0  }
0xd0: {  	[sflag:s31] =	ssyncadd.s32 $0xFFFFF000  }
0xd1: {  	[bflag:$0x0] =	sbarrier.arrive $0xFFFF  }
0xd2: {  	s15 =	rddreg [dreg:$0x6]  }
0xd3: {  	s9 =	rddreg [dreg:$0x8]  }
0xd4: {  	s14 =	rddreg [dreg:$0xb]  }
0xd5: {  	[hbm:s9], [sflag:s15] =	dma.local @p0 [spmem:s14], $0x3020  }
0xd6: {  	s9 =	simm.s32 @p0 $0xB  }
0xd7: {  	_ =	swait.ge @p0 [sflag:s9], $0x3020  }
0xd8: {  	[sflag:s9] =	ssyncset.done @p0 $0x0  }
0xd9: {  	[sflag:s9] =	ssyncadd.s32 @p0 $0xFFFFCFE0;
	s9 =	rddreg [dreg:$0x5]  }
0xda: {  	s14 =	rddreg [dreg:$0x7];
	s9 =	sshrl.u32 @!p0 s9, $0x3  }
0xdb: {  	[hbm:s14], [sflag:s15] =	dma.local @!p0 [spmem:s9], $0x30E0  }
0xdc: {  	s9 =	simm.s32 @!p0 $0xB  }
0xdd: {  	_ =	swait.ge @!p0 [sflag:s9], $0x30E0  }
0xde: {  	s21 =	rddreg [dreg:$0x3]  }
0xdf: {  	s14 =	sadd.s32 $0x1, s21;
	s21 =	rddreg [dreg:$0x9]  }
0xe0: {  	p1 =	sne.s32 s14, s21  }
.Ltmp2:
0xe1: {  	_ = 	snop;
	(pc) =	sbr.rel @p1 .LBB2_1-.Ltmp2, $3  }
0xe2: {  	_ =	sdelay $0x1  }
0xe3: {  	[sflag:s9] =	ssyncset.done @!p0 $0x0  }
0xe4: {  	[sflag:s9] =	ssyncadd.s32 @!p0 $0xFFFFCF20  }
0xe5: {  	_ =	sfence.sel $0x180000  }
0xe6: {  	[bflag:$0x0] =	sbarrier.arrive $0xFFFF  }
0xe7: {  	_ =	strace $0x9000004D  }
0xe8: {  	s0 =	stileid.u32;
	[bflag:$0x2] =	sbarrier.arrive $0xFFFF  }
0xe9: {  	p0 =	sne.s32 s0, $0x0;
	s0 =	rddreg [dreg:$0x2]  }
0xea: {  	s0 =	sadd.s32 @!p0 $0x100000, s0  }
0xeb: {  	[sflag:s0] =	ssyncadd.tile.s32 @!p0 $0x1;
	_ =	shalt  }
.Lfunc_end2:
_tile_overlayer_lowered:
.L_overlay_start_2:
0xec: {  	(tag) =	ssettag $0x2  }
0xed: {  	s0 =	rddreg [dreg:$0x0];
	s2 =	stileid.u32  }
0xee: {  	s1 =	rddreg [dreg:$0x1];
	p0 =	sne.s32 s2, $0x0  }
0xef: {  	s3 =	rddreg [dreg:$0x2];
	[bflag:$0x3] =	sbarrier.arrive $0xFFFF;
	s2 =	simm.s32 @!p0 $0x1C0B  }
0xf0: {  	[timem:s3], [sflag:s2] =	dma.local @!p0 [hbm:s0], s1  }
0xf1: {  	s0 =	simm.s32 @!p0 $0xB  }
0xf2: {  	_ =	swait.ge @!p0 [sflag:s0], s1  }
0xf3: {  	s1 =	ssub.s32 @!p0 $0x0, s1;
	[sflag:s0] =	ssyncset.done @!p0 $0x0  }
0xf4: {  	[sflag:s0] =	ssyncadd.s32 @!p0 s1  }
0xf5: {  	[bflag:$0x3] =	sbarrier.arrive $0xFFFF  }
0xf6: {  	_ =	shalt  }

// kernel: kernel.19.cloned.1.call-start
scs
__scs_entry_jumppad:
0x0: {  	(pc) =	sbr.rel $0x88, $3  }
0x1: {  	(tag) =	ssettag $0x0;
	lr =	simm.s32 $0x1  }
0x2: {  	[smem:$0x3F8C] =	sst lr;
	_ =	strace $0xD0000000  }
0x3: {  	_ = 	snop  }
0x4: {  	_ = 	snop  }
0x5: {  	_ = 	snop  }
0x6: {  	_ = 	snop  }
0x7: {  	_ = 	snop  }
__scs_overlays_trampoline_lowered:
0x8: {  	[smem:$0x3F9B] =	sst s0  }
0x9: {  	[smem:$0x3F9C] =	sst s1  }
0xa: {  	[smem:$0x3F9D] =	sst s2  }
0xb: {  	[smem:$0x3F9E] =	sst s3  }
0xc: {  	[smem:$0x3F9F] =	sst s4  }
0xd: {  	[smem:$0x3FA0] =	sst s5  }
0xe: {  	[smem:$0x3FA1] =	sst s6  }
0xf: {  	[smem:$0x3FA2] =	sst s7  }
0x10: {  	[smem:$0x3FA3] =	sst s8  }
0x11: {  	[smem:$0x3FA4] =	sst s9;
	s0 =	simm.s32 @!p0 $0x0  }
0x12: {  	s1 =	sld [smem:$0x3F8A];
	s0 =	simm.s32 @p0 $0x1  }
0x13: {  	[smem:$0x3FA5] =	sst s0;
	s0 =	simm.s32 @!p1 $0x0  }
0x14: {  	s2 =	sld [smem:$0x3F89];
	s0 =	simm.s32 @p1 $0x1  }
0x15: {  	[smem:$0x3FA6] =	sst s0;
	s0 =	simm.s32 @!p2 $0x0  }
0x16: {  	s3 =	sld [smem:$0x3FDB];
	s0 =	simm.s32 @p2 $0x1  }
0x17: {  	s4 =	simm.s32 $0x1BF5;
	[smem:$0x3FA8] =	sst s0  }
0x18: {  	s0 =	sld [smem:$0x3F8B];
	_ =	swait.ge [sflag:s4], $0x0  }
0x19: {  	s7 =	sld [smem:$0x3F8C]  }
0x1a: {  	s8 =	sadd.s32 $0xFFFFE003, lr  }
0x1b: {  	s9 =	sadd.s32 $0xFFFFFEF7, lr;
	s5 =	simm.s32 $0xFFFFFFFF;
	p2 =	slt.u32 s8, $0xFFFFF086  }
0x1c: {  	p1 =	slt.u32 s9, $0xF7A;
	s5 =	simm.s32 @!p2 $0x0  }
0x1d: {  	s5 =	simm.s32 @p1 $0x1;
	p0 =	seq.s32 s7, s2  }
0x1e: {  	s7 =	smul.u32 @!p0 $0xF7A, s2;
	p2 =	seq.s32 @!p0 s5, $0x0  }
0x1f: {  	s9 =	smul.u32 $0xF7A, s1;
	s8 =	simm.s32 @!p0 $0x1BF5;
	p2 =	por !p2, p0  }
0x20: {  	[sflag:s8] =	ssyncset.s32 @!p0 $0xFFFFF086;
	s6 =	sadd.s32 @!p0 s3, s7;
	s7 =	simm.s32 @!p0 $0x108  }
0x21: {  	s3 =	sadd.s32 s3, s9;
	s6 =	sadd.s32 @!p0 $0x88, s6;
	s7 =	simm.s32 @p2 $0x1082  }
0x22: {  	[simem:s7], [sflag:s8] =	dma.local @!p0 [hbm:s6], $0xF7A  }
0x23: {  	s9 =	sor.u32 $0xD0000000, s2;
	s6 =	simm.s32 $0x108;
	_ =	swait.ge @!p0 [sflag:s8], $0x0  }
0x24: {  	s3 =	sadd.s32 $0x88, s3;
	s6 =	simm.s32 @!p1 $0x1082;
	[sflag:s4] =	ssyncset.s32 $0xFFFFF086  }
0x25: {  	[simem:s6], [sflag:s4] =	dma.local [hbm:s3], $0xF7A  }
0x26: {  	[smem:$0x3F8C] =	sst s1;
	(tag) =	ssettag s2;
	_ =	strace s9  }
0x27: {  	s1 =	sld [smem:$0x3F9C]  }
0x28: {  	s2 =	sld [smem:$0x3F9D]  }
0x29: {  	s4 =	sld [smem:$0x3F9F]  }
0x2a: {  	p0 =	seq.s32 s5, $0x0;
	s5 =	sld [smem:$0x3FA0]  }
0x2b: {  	s6 =	sld [smem:$0x3FA1]  }
0x2c: {  	s7 =	sld [smem:$0x3FA2]  }
0x2d: {  	s3 =	simm.s32 $0x108;
	s8 =	sld [smem:$0x3FA3]  }
0x2e: {  	s3 =	simm.s32 @!p0 $0x1082;
	s9 =	sld [smem:$0x3FA4]  }
0x2f: {  	lr =	sadd.s32 s0, s3;
	s0 =	sld [smem:$0x3F9B]  }
0x30: {  	s3 =	sld [smem:$0x3F9E]  }
0x31: {  	[smem:$0x3FA7] =	sst s10  }
0x32: {  	s10 =	sld [smem:$0x3FA5];
	_ =	sdelay $0x3  }
0x33: {  	p0 =	seq.s32 s10, $0x1;
	s10 =	sld [smem:$0x3FA7];
	_ =	sdelay $0x3  }
0x34: {  	[smem:$0x3FA7] =	sst s10  }
0x35: {  	s10 =	sld [smem:$0x3FA6];
	_ =	sdelay $0x3  }
0x36: {  	p1 =	seq.s32 s10, $0x1;
	s10 =	sld [smem:$0x3FA7];
	_ =	sdelay $0x3  }
0x37: {  	[smem:$0x3FA7] =	sst s10  }
0x38: {  	s10 =	sld [smem:$0x3FA8]  }
0x39: {  	_ = 	snop;
	(pc) =	sbr.ind lr, $3  }
0x3a: {  	_ = 	snop  }
0x3b: {  	_ = 	snop  }
0x3c: {  	p2 =	seq.s32 s10, $0x1;
	s10 =	sld [smem:$0x3FA7]  }
0x3d: {  	_ =	shalt  }
0x3e: {  	_ =	shalt  }
0x3f: {  	_ =	shalt  }
0x40: {  	_ =	shalt  }
0x41: {  	_ =	shalt  }
0x42: {  	_ =	shalt  }
0x43: {  	_ =	shalt  }
0x44: {  	_ =	shalt  }
0x45: {  	_ =	shalt  }
0x46: {  	_ =	shalt  }
0x47: {  	_ =	shalt  }
0x48: {  	_ =	shalt  }
0x49: {  	_ =	shalt  }
0x4a: {  	_ =	shalt  }
0x4b: {  	_ =	shalt  }
0x4c: {  	_ =	shalt  }
0x4d: {  	_ =	shalt  }
0x4e: {  	_ =	shalt  }
0x4f: {  	_ =	shalt  }
0x50: {  	_ =	shalt  }
0x51: {  	_ =	shalt  }
0x52: {  	_ =	shalt  }
0x53: {  	_ =	shalt  }
0x54: {  	_ =	shalt  }
0x55: {  	_ =	shalt  }
0x56: {  	_ =	shalt  }
0x57: {  	_ =	shalt  }
0x58: {  	_ =	shalt  }
0x59: {  	_ =	shalt  }
0x5a: {  	_ =	shalt  }
0x5b: {  	_ =	shalt  }
0x5c: {  	_ =	shalt  }
0x5d: {  	_ =	shalt  }
0x5e: {  	_ =	shalt  }
0x5f: {  	_ =	shalt  }
0x60: {  	_ =	shalt  }
0x61: {  	_ =	shalt  }
0x62: {  	_ =	shalt  }
0x63: {  	_ =	shalt  }
0x64: {  	_ =	shalt  }
0x65: {  	_ =	shalt  }
0x66: {  	_ =	shalt  }
0x67: {  	_ =	shalt  }
0x68: {  	_ =	shalt  }
0x69: {  	_ =	shalt  }
0x6a: {  	_ =	shalt  }
0x6b: {  	_ =	shalt  }
0x6c: {  	_ =	shalt  }
0x6d: {  	_ =	shalt  }
0x6e: {  	_ =	shalt  }
0x6f: {  	_ =	shalt  }
0x70: {  	_ =	shalt  }
0x71: {  	_ =	shalt  }
0x72: {  	_ =	shalt  }
0x73: {  	_ =	shalt  }
0x74: {  	_ =	shalt  }
0x75: {  	_ =	shalt  }
0x76: {  	_ =	shalt  }
0x77: {  	_ =	shalt  }
0x78: {  	_ =	shalt  }
0x79: {  	_ =	shalt  }
0x7a: {  	_ =	shalt  }
0x7b: {  	_ =	shalt  }
0x7c: {  	_ =	shalt  }
0x7d: {  	_ =	shalt  }
0x7e: {  	_ =	shalt  }
0x7f: {  	_ =	shalt  }
0x80: {  	_ =	shalt  }
0x81: {  	_ =	shalt  }
0x82: {  	_ =	shalt  }
0x83: {  	_ =	shalt  }
0x84: {  	_ =	shalt  }
0x85: {  	_ =	shalt  }
0x86: {  	_ =	shalt  }
0x87: {  	_ =	shalt  }
.Lfunc_end0:
.L_simem_size_0:
called_computation.3_lowered:
.L_overlay_start_0:
0x88: {  	s2 =	sld [smem:$0x3FD9]  }
0x89: {  	s3 =	sld [smem:$0x3FFE];
	_ =	sdelay $0x1  }
0x8a: {  	s1 =	srdreg.scid  }
0x8b: {  	s0 =	sand.u32 $0x1, s1  }
0x8c: {  	s16 =	sshll.u32 s0, $0xA;
	s2 =	sadd.s32 s3, s2  }
0x8d: {  	s2 =	sadd.s32 s2, s16  }
0x8e: {  	[smem:$0x3FB3] =	sst s2  }
0x8f: {  	_ = 	snop  }
0x90: {  	(tm) =	ssettm $0x1  }
0x91: {  	s17 =	sld [smem:$0x3FFB];
	_ =	sdelay $0x3  }
0x92: {  	_ =	strace s17  }
0x93: {  	s2 =	sld [smem:$0x3FFC];
	_ =	sdelay $0x3  }
0x94: {  	_ =	strace s2  }
0x95: {  	s2 =	sld [smem:$0x3FFD];
	_ =	sdelay $0x3  }
0x96: {  	_ =	strace s2  }
0x97: {  	_ =	strace $0x8FFFFFFF  }
0x98: {  	s18 =	sld [smem:$0x3FDB];
	_ =	sdelay $0x1  }
0x99: {  	s19 =	simm.s32 $_scs_section_size  }
0x9a: {  	s4 =	simm.s32 $_size__tile_overlayer_lowered;
	s5 =	simm.s32 $_tile_overlayer_lowered  }
0x9b: {  	s22 =	simm.s32 $0x1BFF;
	s21 =	sshll.u32 s5, $0x1;
	s2 =	sadd.s32 s19, s18  }
0x9c: {  	s6 =	simm.s32 $0x0;
	s20 =	sshll.u32 s4, $0x1;
	s4 =	sadd.s32 s21, s2  }
0x9d: {  	[timem:s6], [sflag:s22] =	dma.local [hbm:s4], s20  }
0x9e: {  	_ =	swait.ge [sflag:s22], s20  }
0x9f: {  	s3 =	ssub.s32 $0x0, s20;
	[sflag:s22] =	ssyncset.done $0x0  }
0xa0: {  	[sflag:s22] =	ssyncadd.s32 s3;
	_ =	sdelay $0x1  }
0xa1: {  	s23 =	simm.s32 $0x1B8B  }
0xa2: {  	_ =	swait.ge [sflag:s23], $0x1  }
0xa3: {  	[sflag:s23] =	ssyncset.done $0x0  }
0xa4: {  	s25 =	simm.s32 $0x1B8E;
	s24 =	sld [smem:$0x3FFE];
	[sflag:s23] =	ssyncadd.s32 $0xFFFFFFFF  }
0xa5: {  	s26 =	simm.s32 $execute0_lowered;
	[smem:$0x3FD2] =	sst s25  }
0xa6: {  	s4 =	sshll.u32 s26, $0x1;
	_ =	strace $0x8000004F;
	[dreg:$0x1] =	wrdreg $0xFFFFFFFF  }
0xa7: {  	s28 =	simm.s32 $_size_execute0_lowered;
	s2 =	sadd.s32 s2, s4;
	[dreg:$0x0] =	wrdreg $0x0  }
0xa8: {  	s4 =	sshll.u32 s28, $0x1;
	[dreg:$0x2] =	wrdreg s2  }
0xa9: {  	[dreg:$0x3] =	wrdreg s4  }
0xaa: {  	[dreg:$0x4] =	wrdreg $0xC0  }
0xab: {  	_ =	task [dreg:s6], $0x5FFFF  }
0xac: {  	[dreg:$0x1] =	wrdreg $0xFFFFFFFF  }
0xad: {  	[dreg:$0x0] =	wrdreg $0x60  }
0xae: {  	[dreg:$0x2] =	wrdreg s24  }
0xaf: {  	[dreg:$0x3] =	wrdreg $0x0  }
0xb0: {  	[dreg:$0x4] =	wrdreg $0x9  }
0xb1: {  	_ =	task.clear_ibuf [dreg:s6], $0x5FFFF;
	_ =	strace $0x9000004F  }
0xb2: {  	s29 =	simm.s32 $0x9;
	_ =	strace $0x80000051  }
0xb3: {  	_ =	swait.ge [sflag:s29], $0x1  }
0xb4: {  	[sflag:s29] =	ssyncadd.s32 $0xFFFFFFFF  }
0xb5: {  	_ =	strace $0x90000051  }
0xb6: {  	_ =	sfence  }
0xb7: {  	s30 =	sld [smem:$0x0];
	_ =	sdelay $0x2  }
0xb8: {  	s31 =	sshll.u32 s1, $0xD;
	s1 =	sshrl.u32 s1, $0x2  }
0xb9: {  	s3 =	sand.u32 $0x4000, s31;
	s1 =	sadd.s32 s1, s30  }
0xba: {  	s0 =	sor.u32 s3, s0;
	s1 =	sshll.u32 s1, $0x11  }
0xbb: {  	s0 =	sor.u32 s1, s0  }
0xbc: {  	s0 =	sadd.s32 $0x8F2B, s0  }
0xbd: {  	[sflag:s0] =	ssyncadd.remote.s32 $0x1  }
0xbe: {  	_ =	sfence.sel $0xFFFF  }
0xbf: {  	[dreg:$0x0] =	wrdreg $0xFFFFFFFF;
	(pc) =	sbr.abs _section_cstart, $3  }
0xc0: {  	[dreg:$0x1] =	wrdreg $0xFFFFFFFF  }
0xc1: {  	_ =	task.clear_ibuf [dreg:s6], $0x2FFFF;
	_ =	strace $0x9FFFFFFF  }
0xc2: {  	(tm) =	ssettm $0x7FFFFFFF  }
0xc3: {  	_ =	shalt  }
tec
execute0_lowered:
.L_overlay_start_1:
0x0: {  	(tag) =	ssettag $0x1  }
0x1: {  	s0 =	rddreg [dreg:$0x0]  }
0x2: {  	s1 =	rddreg [dreg:$0x1]  }
0x3: {  	s14 =	simm.s32 $0x0;
	s2 =	srdreg.scid;
	s12 =	stileid.u32  }
0x4: {  	s16 =	simm.s32 $0xB;
	s17 =	simm.s32 $0x18700;
	s18 =	simm.s32 $0x19B00  }
0x5: {  	s19 =	simm.s32 $0x80;
	s20 =	simm.s32 $0x1AF00;
	s29 =	simm.s32 $0x1DF00  }
0x6: {  	s30 =	simm.s32 $0x2;
	s13 =	simm.s32 $0x6;
	s28 =	simm.s32 $0x9  }
0x7: {  	s31 =	simm.s32 $0xA;
	[smem:$0x7FF] =	sst s14;
	s4 =	sadd.s32 $0x1C000, s0  }
0x8: {  	s5 =	sadd.s32 $0x112000, s0;
	s2 =	sand.u32 $0x1, s2;
	s7 =	smul.u32 $0x30E0, s12  }
0x9: {  	s6 =	sadd.s32 $0x3000, s0;
	s8 =	sadd.s32 $0x7DC00, s0;
	s9 =	smul.u32 $0x61C00, s12  }
0xa: {  	s0 =	sadd.s32 $0x80E00, s0;
	s10 =	sshll.u32 s12, $0x6;
	p0 =	seq.s32 s12, $0xF  }
0xb: {  	_ =	strace $0x80000050;
	s3 =	ssub.s32 $0x2, s2;
	s23 =	smul.u32 $0x186A00, s2  }
0xc: {  	[dreg:$0x4] =	wrdreg s8;
	s11 =	smul.u32 $0x30D40, s2;
	s15 =	sor.u32 $0x1C0B, s10  }
0xd: {  	s10 =	smul.u32 $0x190, s12;
	s12 =	simm.s32 $0x1AE80;
	s22 =	sshrl.u32 s3, $0x1  }
0xe: {  	s9 =	sshrl.u32 s9, $0x2;
	[dreg:$0x6] =	wrdreg s15;
	s3 =	ssub.s32 s3, s22  }
0xf: {  	s9 =	sadd.s32 s9, s1;
	s8 =	sshrl.u32 s23, $0x3;
	s7 =	sadd.s32 s7, s11  }
0x10: {  	s11 =	smul.u32 $0x1900, s2;
	s22 =	simm.s32 $0x1BF00;
	s2 =	simm.s32 $0x5  }
0x11: {  	s23 =	simm.s32 $0x8;
	s8 =	sadd.s32 s0, s8;
	s0 =	sadd.s32 s0, s7  }
0x12: {  	s25 =	smax.u32 s3, $0x1;
	[dreg:$0x5] =	wrdreg s9;
	s26 =	sshrl.u32 s9, $0x3  }
0x13: {  	s3 =	simm.s32 $0x1EF00;
	s7 =	simm.s32 $0x3;
	[dreg:$0x7] =	wrdreg s0  }
0x14: {  	s24 =	sadd.s32 $0x2DD20, s8;
	s0 =	sadd.s32 $0x16E900, s1;
	[dreg:$0x9] =	wrdreg s25  }
0x15: {  	[dreg:$0xa] =	wrdreg s26;
	s26 =	simm.s32 $0x1;
	s8 =	simm.s32 $0x4  }
0x16: {  	s25 =	simm.s32 $0x7;
	[dreg:$0x8] =	wrdreg s24;
	s0 =	sshrl.u32 @p0 s0, $0x3  }
0x17: {  	s24 =	simm.s32 $0x1CF00;
	[dreg:$0xb] =	wrdreg s0;
	s0 =	simm.s32 $0x19A80  }
.LBB2_1:
0x18: {  	[dreg:$0x3] =	wrdreg s14  }
0x19: {  	s9 =	rddreg [dreg:$0x4]  }
0x1a: {  	s21 =	rddreg [dreg:$0xa]  }
0x1b: {  	[spmem:s21], [sflag:s15] =	dma.local [hbm:s9], $0x30E0  }
0x1c: {  	_ =	swait.ge [sflag:s16], $0x30E0  }
0x1d: {  	[sflag:s16] =	ssyncset.done $0x0  }
0x1e: {  	[sflag:s16] =	ssyncadd.s32 $0xFFFFCF20  }
0x1f: {  	s14 =	simm.s32 $0x0;
	[bflag:$0x0] =	sbarrier.arrive $0xFFFF  }
.LBB2_2:
0x20: {  	s9 =	smul.u32 $0x28, s14;
	_ =	sdelay $0x1  }
0x21: {  	s9 =	sadd.s32 s10, s9  }
0x22: {  	s15 =	sadd.s32 s11, s9  }
0x23: {  	s15 =	sshll.u32 s15, $0x4  }
0x24: {  	s21 =	simm.s32 $0x0;
	s15 =	sadd.s32 s5, s15  }
0x25: {  	[tilespmem:s17], [sflag:$0xB] =	stream.linear.gather [hbm4b:s15+s21], $0x1400, $0x38;
	[tilespmem:$0x1FF00] =	vst v63  }
0x26: {  	_ =	swait.ge [sflag:s16], $0x1400  }
0x27: {  	s9 =	sshll.u32 s9, $0x4;
	[sflag:s16] =	ssyncset.done $0x0  }
0x28: {  	s9 =	sadd.s32 s6, s9;
	[sflag:s16] =	ssyncadd.s32 $0xFFFFEC00  }
0x29: {  	[tilespmem:s18], [sflag:$0xB] =	stream.linear.gather [hbm4b:s9+s21], $0x1400, $0x38;
	[tilespmem:$0x1FF00] =	vst v63  }
0x2a: {  	_ =	swait.ge [sflag:s16], $0x1400  }
0x2b: {  	[sflag:s16] =	ssyncset.done $0x0  }
0x2c: {  	[sflag:s16] =	ssyncadd.s32 $0xFFFFEC00  }
0x2d: {  	[tilespmem:s20], [sflag:$0x1] =	stream.indirect.gather [hbm4b:s4+s19], $0x20, s17, s19, $0xb8;
	[tilespmem:$0x1FF00] =	vst v63  }
0x2e: {  	s21 =	simm.s32 $0x18780  }
0x2f: {  	[tilespmem:s22], [sflag:$0x2] =	stream.indirect.gather [hbm4b:s4+s19], $0x20, s21, s19, $0xb8;
	[tilespmem:$0x1FF00] =	vst v63  }
0x30: {  	s15 =	simm.s32 $0x18800  }
0x31: {  	[tilespmem:s24], [sflag:$0x3] =	stream.indirect.gather [hbm4b:s4+s19], $0x20, s15, s19, $0xb8;
	[tilespmem:$0x1FF00] =	vst v63  }
0x32: {  	_ =	swait.ge [sflag:s26], $0x1000  }
0x33: {  	[sflag:s26] =	ssyncset.done $0x0  }
0x34: {  	[sflag:s26] =	ssyncadd.s32 $0xFFFFF000  }
0x35: {  	[spmem:s1] =	stream.indirect.scatter.add.f32 [tilespmem:s20], [sflag:$0x6], $0x20, s18, s19, $0xb8;
	[tilespmem:$0x1FF00] =	vst v63  }
0x36: {  	s21 =	simm.s32 $0x18880  }
0x37: {  	[tilespmem:s29], [sflag:$0x4] =	stream.indirect.gather [hbm4b:s4+s19], $0x20, s21, s19, $0xb8;
	[tilespmem:$0x1FF00] =	vst v63  }
0x38: {  	_ =	swait.ge [sflag:s30], $0x1000  }
0x39: {  	[sflag:s30] =	ssyncset.done $0x0  }
0x3a: {  	s15 =	simm.s32 $0x19B80;
	[sflag:s30] =	ssyncadd.s32 $0xFFFFF000  }
0x3b: {  	[spmem:s1] =	stream.indirect.scatter.add.f32 [tilespmem:s22], [sflag:$0x7], $0x20, s15, s19, $0xb8;
	[tilespmem:$0x1FF00] =	vst v63  }
0x3c: {  	s21 =	simm.s32 $0x18900  }
0x3d: {  	[tilespmem:s3], [sflag:$0x5] =	stream.indirect.gather [hbm4b:s4+s19], $0x20, s21, s19, $0xb8;
	[tilespmem:$0x1FF00] =	vst v63  }
0x3e: {  	_ =	swait.ge [sflag:s7], $0x1000  }
0x3f: {  	[sflag:s7] =	ssyncset.done $0x0  }
0x40: {  	s15 =	simm.s32 $0x19C00;
	[sflag:s7] =	ssyncadd.s32 $0xFFFFF000  }
0x41: {  	[spmem:s1] =	stream.indirect.scatter.add.f32 [tilespmem:s24], [sflag:$0x8], $0x20, s15, s19, $0xb8;
	[tilespmem:$0x1FF00] =	vst v63  }
0x42: {  	_ =	swait.ge [sflag:s13], $0x1000  }
0x43: {  	[sflag:s13] =	ssyncset.done $0x0  }
0x44: {  	s21 =	simm.s32 $0x18980;
	[sflag:s13] =	ssyncadd.s32 $0xFFFFF000  }
0x45: {  	[tilespmem:s20], [sflag:$0x1] =	stream.indirect.gather [hbm4b:s4+s19], $0x20, s21, s19, $0xb8;
	[tilespmem:$0x1FF00] =	vst v63  }
0x46: {  	_ =	swait.ge [sflag:s8], $0x1000  }
0x47: {  	[sflag:s8] =	ssyncset.done $0x0  }
0x48: {  	s15 =	simm.s32 $0x19C80;
	[sflag:s8] =	ssyncadd.s32 $0xFFFFF000  }
0x49: {  	[spmem:s1] =	stream.indirect.scatter.add.f32 [tilespmem:s29], [sflag:$0x9], $0x20, s15, s19, $0xb8;
	[tilespmem:$0x1FF00] =	vst v63  }
0x4a: {  	_ =	swait.ge [sflag:s25], $0x1000  }
0x4b: {  	[sflag:s25] =	ssyncset.done $0x0  }
0x4c: {  	s21 =	simm.s32 $0x18A00;
	[sflag:s25] =	ssyncadd.s32 $0xFFFFF000  }
0x4d: {  	[tilespmem:s22], [sflag:$0x2] =	stream.indirect.gather [hbm4b:s4+s19], $0x20, s21, s19, $0xb8;
	[tilespmem:$0x1FF00] =	vst v63  }
0x4e: {  	_ =	swait.ge [sflag:s2], $0x1000  }
0x4f: {  	[sflag:s2] =	ssyncset.done $0x0  }
0x50: {  	s15 =	simm.s32 $0x19D00;
	[sflag:s2] =	ssyncadd.s32 $0xFFFFF000  }
0x51: {  	[spmem:s1] =	stream.indirect.scatter.add.f32 [tilespmem:s3], [sflag:$0xA], $0x20, s15, s19, $0xb8;
	[tilespmem:$0x1FF00] =	vst v63  }
0x52: {  	_ =	swait.ge [sflag:s23], $0x1000  }
0x53: {  	[sflag:s23] =	ssyncset.done $0x0  }
0x54: {  	s21 =	simm.s32 $0x18A80;
	[sflag:s23] =	ssyncadd.s32 $0xFFFFF000  }
0x55: {  	[tilespmem:s24], [sflag:$0x3] =	stream.indirect.gather [hbm4b:s4+s19], $0x20, s21, s19, $0xb8;
	[tilespmem:$0x1FF00] =	vst v63  }
0x56: {  	_ =	swait.ge [sflag:s26], $0x1000  }
0x57: {  	[sflag:s26] =	ssyncset.done $0x0  }
0x58: {  	s15 =	simm.s32 $0x19D80;
	[sflag:s26] =	ssyncadd.s32 $0xFFFFF000  }
0x59: {  	[spmem:s1] =	stream.indirect.scatter.add.f32 [tilespmem:s20], [sflag:$0x6], $0x20, s15, s19, $0xb8;
	[tilespmem:$0x1FF00] =	vst v63  }
0x5a: {  	_ =	swait.ge [sflag:s28], $0x1000  }
0x5b: {  	[sflag:s28] =	ssyncset.done $0x0  }
0x5c: {  	s21 =	simm.s32 $0x18B00;
	[sflag:s28] =	ssyncadd.s32 $0xFFFFF000  }
0x5d: {  	[tilespmem:s29], [sflag:$0x4] =	stream.indirect.gather [hbm4b:s4+s19], $0x20, s21, s19, $0xb8;
	[tilespmem:$0x1FF00] =	vst v63  }
0x5e: {  	_ =	swait.ge [sflag:s30], $0x1000  }
0x5f: {  	[sflag:s30] =	ssyncset.done $0x0  }
0x60: {  	s15 =	simm.s32 $0x19E00;
	[sflag:s30] =	ssyncadd.s32 $0xFFFFF000  }
0x61: {  	[spmem:s1] =	stream.indirect.scatter.add.f32 [tilespmem:s22], [sflag:$0x7], $0x20, s15, s19, $0xb8;
	[tilespmem:$0x1FF00] =	vst v63  }
0x62: {  	_ =	swait.ge [sflag:s31], $0x1000  }
0x63: {  	[sflag:s31] =	ssyncset.done $0x0  }
0x64: {  	s21 =	simm.s32 $0x18B80;
	[sflag:s31] =	ssyncadd.s32 $0xFFFFF000  }
0x65: {  	[tilespmem:s3], [sflag:$0x5] =	stream.indirect.gather [hbm4b:s4+s19], $0x20, s21, s19, $0xb8;
	[tilespmem:$0x1FF00] =	vst v63  }
0x66: {  	_ =	swait.ge [sflag:s7], $0x1000  }
0x67: {  	[sflag:s7] =	ssyncset.done $0x0  }
0x68: {  	s15 =	simm.s32 $0x19E80;
	[sflag:s7] =	ssyncadd.s32 $0xFFFFF000  }
0x69: {  	[spmem:s1] =	stream.indirect.scatter.add.f32 [tilespmem:s24], [sflag:$0x8], $0x20, s15, s19, $0xb8;
	[tilespmem:$0x1FF00] =	vst v63  }
0x6a: {  	_ =	swait.ge [sflag:s13], $0x1000  }
0x6b: {  	[sflag:s13] =	ssyncset.done $0x0  }
0x6c: {  	s21 =	simm.s32 $0x18C00;
	[sflag:s13] =	ssyncadd.s32 $0xFFFFF000  }
0x6d: {  	[tilespmem:s20], [sflag:$0x1] =	stream.indirect.gather [hbm4b:s4+s19], $0x20, s21, s19, $0xb8;
	[tilespmem:$0x1FF00] =	vst v63  }
0x6e: {  	_ =	swait.ge [sflag:s8], $0x1000  }
0x6f: {  	[sflag:s8] =	ssyncset.done $0x0  }
0x70: {  	s15 =	simm.s32 $0x19F00;
	[sflag:s8] =	ssyncadd.s32 $0xFFFFF000  }
0x71: {  	[spmem:s1] =	stream.indirect.scatter.add.f32 [tilespmem:s29], [sflag:$0x9], $0x20, s15, s19, $0xb8;
	[tilespmem:$0x1FF00] =	vst v63  }
0x72: {  	_ =	swait.ge [sflag:s25], $0x1000  }
0x73: {  	[sflag:s25] =	ssyncset.done $0x0  }
0x74: {  	s21 =	simm.s32 $0x18C80;
	[sflag:s25] =	ssyncadd.s32 $0xFFFFF000  }
0x75: {  	[tilespmem:s22], [sflag:$0x2] =	stream.indirect.gather [hbm4b:s4+s19], $0x20, s21, s19, $0xb8;
	[tilespmem:$0x1FF00] =	vst v63  }
0x76: {  	_ =	swait.ge [sflag:s2], $0x1000  }
0x77: {  	[sflag:s2] =	ssyncset.done $0x0  }
0x78: {  	s9 =	simm.s32 $0x19F80;
	s15 =	simm.s32 $0xA00;
	[sflag:s2] =	ssyncadd.s32 $0xFFFFF000  }
.LBB2_3:
0x79: {  	[spmem:s1] =	stream.indirect.scatter.add.f32 [tilespmem:s3], [sflag:$0xA], $0x20, s9, s19, $0xb8;
	[tilespmem:$0x1FF00] =	vst v63  }
0x7a: {  	s9 =	smov.u32 s15;
	s15 =	sadd.s32 $0xA00, s15;
	_ =	swait.ge [sflag:s23], $0x1000  }
0x7b: {  	s9 =	sshra.s32 s9, $0x2;
	p1 =	sne.s32 s15, $0x3C00;
	[sflag:s23] =	ssyncset.done $0x0  }
0x7c: {  	s21 =	sadd.s32 $0x18A80, s9;
	[sflag:s23] =	ssyncadd.s32 $0xFFFFF000  }
0x7d: {  	[tilespmem:s24], [sflag:$0x3] =	stream.indirect.gather [hbm4b:s4+s19], $0x20, s21, s19, $0xb8;
	[tilespmem:$0x1FF00] =	vst v63  }
0x7e: {  	_ =	swait.ge [sflag:s26], $0x1000  }
0x7f: {  	[sflag:s26] =	ssyncset.done $0x0  }
0x80: {  	s21 =	sadd.s32 $0x19D80, s9;
	[sflag:s26] =	ssyncadd.s32 $0xFFFFF000  }
0x81: {  	[spmem:s1] =	stream.indirect.scatter.add.f32 [tilespmem:s20], [sflag:$0x6], $0x20, s21, s19, $0xb8;
	[tilespmem:$0x1FF00] =	vst v63  }
0x82: {  	_ =	swait.ge [sflag:s28], $0x1000  }
0x83: {  	[sflag:s28] =	ssyncset.done $0x0  }
0x84: {  	s21 =	sadd.s32 $0x18B00, s9;
	[sflag:s28] =	ssyncadd.s32 $0xFFFFF000  }
0x85: {  	[tilespmem:s29], [sflag:$0x4] =	stream.indirect.gather [hbm4b:s4+s19], $0x20, s21, s19, $0xb8;
	[tilespmem:$0x1FF00] =	vst v63  }
0x86: {  	_ =	swait.ge [sflag:s30], $0x1000  }
0x87: {  	[sflag:s30] =	ssyncset.done $0x0  }
0x88: {  	s21 =	sadd.s32 $0x19E00, s9;
	[sflag:s30] =	ssyncadd.s32 $0xFFFFF000  }
0x89: {  	[spmem:s1] =	stream.indirect.scatter.add.f32 [tilespmem:s22], [sflag:$0x7], $0x20, s21, s19, $0xb8;
	[tilespmem:$0x1FF00] =	vst v63  }
0x8a: {  	_ =	swait.ge [sflag:s31], $0x1000  }
0x8b: {  	[sflag:s31] =	ssyncset.done $0x0  }
0x8c: {  	s21 =	sadd.s32 $0x18B80, s9;
	[sflag:s31] =	ssyncadd.s32 $0xFFFFF000  }
0x8d: {  	[tilespmem:s3], [sflag:$0x5] =	stream.indirect.gather [hbm4b:s4+s19], $0x20, s21, s19, $0xb8;
	[tilespmem:$0x1FF00] =	vst v63  }
0x8e: {  	_ =	swait.ge [sflag:s7], $0x1000  }
0x8f: {  	[sflag:s7] =	ssyncset.done $0x0  }
0x90: {  	s21 =	sadd.s32 $0x19E80, s9;
	[sflag:s7] =	ssyncadd.s32 $0xFFFFF000  }
0x91: {  	[spmem:s1] =	stream.indirect.scatter.add.f32 [tilespmem:s24], [sflag:$0x8], $0x20, s21, s19, $0xb8;
	[tilespmem:$0x1FF00] =	vst v63  }
0x92: {  	_ =	swait.ge [sflag:s13], $0x1000  }
0x93: {  	[sflag:s13] =	ssyncset.done $0x0  }
0x94: {  	s21 =	sadd.s32 $0x18C00, s9;
	[sflag:s13] =	ssyncadd.s32 $0xFFFFF000  }
0x95: {  	[tilespmem:s20], [sflag:$0x1] =	stream.indirect.gather [hbm4b:s4+s19], $0x20, s21, s19, $0xb8;
	[tilespmem:$0x1FF00] =	vst v63  }
0x96: {  	_ =	swait.ge [sflag:s8], $0x1000  }
0x97: {  	[sflag:s8] =	ssyncset.done $0x0  }
0x98: {  	s21 =	sadd.s32 $0x19F00, s9;
	[sflag:s8] =	ssyncadd.s32 $0xFFFFF000  }
0x99: {  	[spmem:s1] =	stream.indirect.scatter.add.f32 [tilespmem:s29], [sflag:$0x9], $0x20, s21, s19, $0xb8;
	[tilespmem:$0x1FF00] =	vst v63  }
0x9a: {  	_ =	swait.ge [sflag:s25], $0x1000  }
0x9b: {  	[sflag:s25] =	ssyncset.done $0x0  }
.Ltmp0:
0x9c: {  	s21 =	sadd.s32 $0x18C80, s9;
	[sflag:s25] =	ssyncadd.s32 $0xFFFFF000;
	(pc) =	sbr.rel @p1 .LBB2_3-.Ltmp0, $4  }
0x9d: {  	[tilespmem:s22], [sflag:$0x2] =	stream.indirect.gather [hbm4b:s4+s19], $0x20, s21, s19, $0xb8;
	[tilespmem:$0x1FF00] =	vst v63  }
0x9e: {  	_ =	swait.ge [sflag:s2], $0x1000  }
0x9f: {  	[sflag:s2] =	ssyncset.done $0x0  }
0xa0: {  	s9 =	sadd.s32 $0x19F80, s9;
	[sflag:s2] =	ssyncadd.s32 $0xFFFFF000  }
0xa1: {  	[spmem:s1] =	stream.indirect.scatter.add.f32 [tilespmem:s3], [sflag:$0xA], $0x20, s9, s19, $0xb8;
	[tilespmem:$0x1FF00] =	vst v63  }
0xa2: {  	_ =	swait.ge [sflag:s23], $0x1000  }
0xa3: {  	s9 =	sshra.s32 s15, $0x2;
	[sflag:s23] =	ssyncset.done $0x0  }
0xa4: {  	s15 =	sadd.s32 $0x18A80, s9;
	[sflag:s23] =	ssyncadd.s32 $0xFFFFF000  }
0xa5: {  	[tilespmem:s24], [sflag:$0x3] =	stream.indirect.gather [hbm4b:s4+s19], $0x20, s15, s19, $0xb8;
	[tilespmem:$0x1FF00] =	vst v63  }
0xa6: {  	_ =	swait.ge [sflag:s26], $0x1000  }
0xa7: {  	[sflag:s26] =	ssyncset.done $0x0  }
0xa8: {  	s21 =	sadd.s32 $0x19D80, s9;
	[sflag:s26] =	ssyncadd.s32 $0xFFFFF000  }
0xa9: {  	[spmem:s1] =	stream.indirect.scatter.add.f32 [tilespmem:s20], [sflag:$0x6], $0x20, s21, s19, $0xb8;
	[tilespmem:$0x1FF00] =	vst v63  }
0xaa: {  	_ =	swait.ge [sflag:s28], $0x1000  }
0xab: {  	[sflag:s28] =	ssyncset.done $0x0  }
0xac: {  	s21 =	sadd.s32 $0x18B00, s9;
	[sflag:s28] =	ssyncadd.s32 $0xFFFFF000  }
0xad: {  	[tilespmem:s29], [sflag:$0x4] =	stream.indirect.gather [hbm4b:s4+s19], $0x20, s21, s19, $0xb8;
	[tilespmem:$0x1FF00] =	vst v63  }
0xae: {  	_ =	swait.ge [sflag:s30], $0x1000  }
0xaf: {  	[sflag:s30] =	ssyncset.done $0x0  }
0xb0: {  	s21 =	sadd.s32 $0x19E00, s9;
	[sflag:s30] =	ssyncadd.s32 $0xFFFFF000  }
0xb1: {  	[spmem:s1] =	stream.indirect.scatter.add.f32 [tilespmem:s22], [sflag:$0x7], $0x20, s21, s19, $0xb8;
	[tilespmem:$0x1FF00] =	vst v63  }
0xb2: {  	_ =	swait.ge [sflag:s31], $0x1000  }
0xb3: {  	[sflag:s31] =	ssyncset.done $0x0  }
0xb4: {  	[sflag:s31] =	ssyncadd.s32 $0xFFFFF000  }
0xb5: {  	[tilespmem:s3], [sflag:$0x5] =	stream.indirect.gather [hbm4b:s4+s19], $0x20, s0, s19, $0xb8;
	[tilespmem:$0x1FF00] =	vst v63  }
0xb6: {  	_ =	swait.ge [sflag:s7], $0x1000  }
0xb7: {  	[sflag:s7] =	ssyncset.done $0x0  }
0xb8: {  	s21 =	sadd.s32 $0x19E80, s9;
	[sflag:s7] =	ssyncadd.s32 $0xFFFFF000  }
0xb9: {  	[spmem:s1] =	stream.indirect.scatter.add.f32 [tilespmem:s24], [sflag:$0x8], $0x20, s21, s19, $0xb8;
	[tilespmem:$0x1FF00] =	vst v63  }
0xba: {  	_ =	swait.ge [sflag:s13], $0x1000  }
0xbb: {  	[sflag:s13] =	ssyncset.done $0x0  }
0xbc: {  	[sflag:s13] =	ssyncadd.s32 $0xFFFFF000  }
0xbd: {  	_ =	swait.ge [sflag:s8], $0x1000  }
0xbe: {  	[sflag:s8] =	ssyncset.done $0x0  }
0xbf: {  	s9 =	sadd.s32 $0x19F00, s9;
	[sflag:s8] =	ssyncadd.s32 $0xFFFFF000  }
0xc0: {  	[spmem:s1] =	stream.indirect.scatter.add.f32 [tilespmem:s29], [sflag:$0x9], $0x20, s9, s19, $0xb8;
	[tilespmem:$0x1FF00] =	vst v63  }
0xc1: {  	_ =	swait.ge [sflag:s25], $0x1000  }
0xc2: {  	[sflag:s25] =	ssyncset.done $0x0  }
0xc3: {  	[sflag:s25] =	ssyncadd.s32 $0xFFFFF000  }
0xc4: {  	_ =	swait.ge [sflag:s2], $0x1000  }
0xc5: {  	[sflag:s2] =	ssyncset.done $0x0  }
0xc6: {  	[sflag:s2] =	ssyncadd.s32 $0xFFFFF000  }
0xc7: {  	[spmem:s1] =	stream.indirect.scatter.add.f32 [tilespmem:s3], [sflag:$0xA], $0x20, s12, s19, $0xb8;
	[tilespmem:$0x1FF00] =	vst v63  }
0xc8: {  	_ =	swait.ge [sflag:s23], $0x1000  }
0xc9: {  	[sflag:s23] =	ssyncset.done $0x0  }
0xca: {  	s14 =	sadd.s32 $0x1, s14;
	[sflag:s23] =	ssyncadd.s32 $0xFFFFF000  }
0xcb: {  	p1 =	sne.s32 s14, $0xA;
	_ =	swait.ge [sflag:s28], $0x1000  }
.Ltmp1:
0xcc: {  	[sflag:s28] =	ssyncset.done $0x0;
	(pc) =	sbr.rel @p1 .LBB2_2-.Ltmp1, $4  }
0xcd: {  	[sflag:s28] =	ssyncadd.s32 $0xFFFFF000  }
0xce: {  	_ =	swait.ge [sflag:s31], $0x1000  }
0xcf: {  	[sflag:s31] =	ssyncset.done $0x0  }
0xd0: {  	[sflag:s31] =	ssyncadd.s32 $0xFFFFF000  }
0xd1: {  	[bflag:$0x0] =	sbarrier.arrive $0xFFFF  }
0xd2: {  	s15 =	rddreg [dreg:$0x6]  }
0xd3: {  	s9 =	rddreg [dreg:$0x8]  }
0xd4: {  	s14 =	rddreg [dreg:$0xb]  }
0xd5: {  	[hbm:s9], [sflag:s15] =	dma.local @p0 [spmem:s14], $0x3020  }
0xd6: {  	s9 =	simm.s32 @p0 $0xB  }
0xd7: {  	_ =	swait.ge @p0 [sflag:s9], $0x3020  }
0xd8: {  	[sflag:s9] =	ssyncset.done @p0 $0x0  }
0xd9: {  	[sflag:s9] =	ssyncadd.s32 @p0 $0xFFFFCFE0;
	s9 =	rddreg [dreg:$0x5]  }
0xda: {  	s14 =	rddreg [dreg:$0x7];
	s9 =	sshrl.u32 @!p0 s9, $0x3  }
0xdb: {  	[hbm:s14], [sflag:s15] =	dma.local @!p0 [spmem:s9], $0x30E0  }
0xdc: {  	s9 =	simm.s32 @!p0 $0xB  }
0xdd: {  	_ =	swait.ge @!p0 [sflag:s9], $0x30E0  }
0xde: {  	s21 =	rddreg [dreg:$0x3]  }
0xdf: {  	s14 =	sadd.s32 $0x1, s21;
	s21 =	rddreg [dreg:$0x9]  }
0xe0: {  	p1 =	sne.s32 s14, s21  }
.Ltmp2:
0xe1: {  	_ = 	snop;
	(pc) =	sbr.rel @p1 .LBB2_1-.Ltmp2, $3  }
0xe2: {  	_ =	sdelay $0x1  }
0xe3: {  	[sflag:s9] =	ssyncset.done @!p0 $0x0  }
0xe4: {  	[sflag:s9] =	ssyncadd.s32 @!p0 $0xFFFFCF20  }
0xe5: {  	_ =	sfence.sel $0x180000  }
0xe6: {  	[bflag:$0x0] =	sbarrier.arrive $0xFFFF  }
0xe7: {  	_ =	strace $0x90000050  }
0xe8: {  	s0 =	stileid.u32;
	[bflag:$0x2] =	sbarrier.arrive $0xFFFF  }
0xe9: {  	p0 =	sne.s32 s0, $0x0;
	s0 =	rddreg [dreg:$0x2]  }
0xea: {  	s0 =	sadd.s32 @!p0 $0x100000, s0  }
0xeb: {  	[sflag:s0] =	ssyncadd.tile.s32 @!p0 $0x1;
	_ =	shalt  }
.Lfunc_end2:
_tile_overlayer_lowered:
.L_overlay_start_2:
0xec: {  	(tag) =	ssettag $0x2  }
0xed: {  	s0 =	rddreg [dreg:$0x0];
	s2 =	stileid.u32  }
0xee: {  	s1 =	rddreg [dreg:$0x1];
	p0 =	sne.s32 s2, $0x0  }
0xef: {  	s3 =	rddreg [dreg:$0x2];
	[bflag:$0x3] =	sbarrier.arrive $0xFFFF;
	s2 =	simm.s32 @!p0 $0x1C0B  }
0xf0: {  	[timem:s3], [sflag:s2] =	dma.local @!p0 [hbm:s0], s1  }
0xf1: {  	s0 =	simm.s32 @!p0 $0xB  }
0xf2: {  	_ =	swait.ge @!p0 [sflag:s0], s1  }
0xf3: {  	s1 =	ssub.s32 @!p0 $0x0, s1;
	[sflag:s0] =	ssyncset.done @!p0 $0x0  }
0xf4: {  	[sflag:s0] =	ssyncadd.s32 @!p0 s1  }
0xf5: {  	[bflag:$0x3] =	sbarrier.arrive $0xFFFF  }
0xf6: {  	_ =	shalt  }

</sc_bundles>
